<compile_context>
chip_gen: v7x
topology: tpu7x:2x2x1
jax: 0.10.2.dev20260603
libtpu: 0.0.44.dev20260713+nightly
codegen_flags: <defaults>
</compile_context>

<pallas_src>
import functools

import jax
import jax.numpy as jnp
from jax import lax
from jax.experimental import pallas as pl
from jax.experimental.pallas import tpu as pltpu
from jax.experimental.pallas import tpu_sc as plsc

N = 10000
E = 320000
D = 128
R = 4
NC = 2
NS = 16
NW = NC * NS
EPW = E // NW
CH = 125
CK = 80
NCHUNK = 2
CW = D // NCHUNK
NPAD = 10240
SEGPAD = R * NPAD
TROWS = SEGPAD // NS
NBUF = 3

_f32 = jnp.float32
_bf16 = jnp.bfloat16
_i32 = jnp.int32


def _sc_body(with_count, *refs):
    if with_count:
        (table_hbm, src_hbm, dst_hbm, et_hbm, ones_hbm, zeros_hbm,
         s_out, cnt_out, acc, tbl, srcv, segv, r0, r1, r2,
         g0, g1, g2, s0, s1, s2) = refs
    else:
        (table_hbm, src_hbm, dst_hbm, et_hbm, ones_hbm, zeros_hbm,
         s_out, acc, tbl, srcv, segv, r0, r1, r2,
         g0, g1, g2, s0, s1, s2) = refs
    rows = (r0, r1, r2)
    gsem = (g0, g1, g2)
    ssem = (s0, s1, s2)
    cid = lax.axis_index("c")
    sid = lax.axis_index("s")
    w = cid * NS + sid
    lo = sid * TROWS

    pltpu.sync_copy(dst_hbm.at[w], segv)
    pltpu.sync_copy(et_hbm.at[w], srcv)

    @pl.loop(0, CH)
    def _(i):
        for j in range(CK // 16):
            sl = pl.ds(j * 16, 16)
            segv[i, sl] = srcv[i, sl] * NPAD + segv[i, sl]

    pltpu.sync_copy(src_hbm.at[w], srcv)

    def zero_my_slice():
        pltpu.sync_copy(zeros_hbm, acc.at[pl.ds(lo, TROWS)])

    def gstart(i, j):
        pltpu.async_copy(tbl.at[srcv.at[i]], rows[j], gsem[j])

    def gwait(j):
        pltpu.make_async_copy(tbl.at[srcv.at[0]], rows[j], gsem[j]).wait()

    def sstart(i, j):
        pltpu.async_copy(rows[j], acc.at[segv.at[i]], ssem[j], add=True)

    def swait(j):
        pltpu.make_async_copy(rows[j], acc.at[segv.at[0]], ssem[j]).wait()

    trows = N // NS
    for c in range(NCHUNK):
        zero_my_slice()
        pltpu.sync_copy(
            table_hbm.at[pl.ds(sid * trows, trows), pl.ds(c * CW, CW)],
            tbl.at[pl.ds(sid * trows, trows)])
        plsc.subcore_barrier()

        gstart(0, 0)
        for i in range(NBUF - 1):
            gwait(i % NBUF)
            sstart(i, i % NBUF)
            gstart(i + 1, (i + 1) % NBUF)

        @pl.loop(0, (CH - NBUF) // NBUF)
        def _(k):
            base = NBUF - 1 + k * NBUF
            for j in range(NBUF):
                i = base + j
                jj = (NBUF - 1 + j) % NBUF
                jn = (jj + 1) % NBUF
                gwait(jj)
                sstart(i, jj)
                swait(jn)
                gstart(i + 1, jn)

        tail = NBUF - 1 + ((CH - NBUF) // NBUF) * NBUF
        for i in range(tail, CH):
            jj = i % NBUF
            gwait(jj)
            if i + 1 < CH:
                jn = (i + 1) % NBUF
                swait(jn)
                gstart(i + 1, jn)
            sstart(i, jj)
        for j in range(NBUF):
            swait(j)

        plsc.subcore_barrier()
        pltpu.sync_copy(acc.at[pl.ds(lo, TROWS)],
                        s_out.at[cid, pl.ds(lo, TROWS), pl.ds(c * CW, CW)])

    if with_count:
        zero_my_slice()
        pltpu.sync_copy(ones_hbm, r0)
        plsc.subcore_barrier()

        def cstart(i):
            pltpu.async_copy(r0, acc.at[segv.at[i]], ssem[0], add=True)

        def cwait():
            pltpu.make_async_copy(r0, acc.at[segv.at[0]], ssem[0]).wait()

        for i in range(NBUF):
            cstart(i)

        @pl.loop(NBUF, CH)
        def _(i):
            cwait()
            cstart(i)

        for _ in range(NBUF):
            cwait()

        plsc.subcore_barrier()
        pltpu.sync_copy(acc.at[pl.ds(lo, TROWS), pl.ds(0, 16)],
                        cnt_out.at[cid, pl.ds(lo, TROWS)])


def _sc_segment_sums(table, srcT, dstT, etT, ones_rows, zeros_rows,
                     with_count):
    out_type = [jax.ShapeDtypeStruct((NC, SEGPAD, D), _bf16)]
    if with_count:
        out_type.append(jax.ShapeDtypeStruct((NC, SEGPAD, 16), _bf16))
    mesh = plsc.VectorSubcoreMesh(core_axis_name="c", subcore_axis_name="s",
                                  num_cores=NC, num_subcores=NS)
    fn = pl.kernel(
        functools.partial(_sc_body, with_count),
        out_type=tuple(out_type),
        mesh=mesh,
        scratch_types=[
            pltpu.VMEM_SHARED((SEGPAD, CW), _bf16),
            pltpu.VMEM_SHARED((N, CW), _bf16),
            pltpu.VMEM((CH, CK), _i32),
            pltpu.VMEM((CH, CK), _i32),
            pltpu.VMEM((CK, CW), _bf16),
            pltpu.VMEM((CK, CW), _bf16),
            pltpu.VMEM((CK, CW), _bf16),
            pltpu.SemaphoreType.DMA,
            pltpu.SemaphoreType.DMA,
            pltpu.SemaphoreType.DMA,
            pltpu.SemaphoreType.DMA,
            pltpu.SemaphoreType.DMA,
            pltpu.SemaphoreType.DMA,
        ],
        compiler_params=pltpu.CompilerParams(use_tc_tiling_on_sc=False),
    )
    return fn(table, srcT, dstT, etT, ones_rows, zeros_rows)


def _dense_body(relu, x_ref, s_ref, cnt_ref, root_ref, b_ref,
                w_ref, out_ref):
    x = x_ref[...]
    acc = jnp.dot(x, root_ref[...], preferred_element_type=_f32) + b_ref[...]
    s = s_ref[...].astype(_f32)
    ssum = s[0] + s[1]
    cnt = cnt_ref[...].astype(_f32)
    cd = jnp.maximum(cnt[0, :, :, 0] + cnt[1, :, :, 0], 1.0)
    w = w_ref[...]
    for r in range(R):
        sr = ssum[r] / cd[r][:, None]
        acc = acc + jnp.dot(sr, w[r], preferred_element_type=_f32)
    if relu:
        acc = jnp.maximum(acc, 0.0)
    out_ref[...] = acc


def _dense_layer(x, s5, cnt3, root, b, w, relu, nb=2048):
    grid = (pl.cdiv(N, nb),)
    out_shape = jax.ShapeDtypeStruct((N, D), _f32)
    out_specs = pl.BlockSpec((nb, D), lambda i: (i, 0))
    return pl.pallas_call(
        functools.partial(_dense_body, relu),
        grid=grid,
        in_specs=[
            pl.BlockSpec((nb, D), lambda i: (i, 0)),
            pl.BlockSpec((NC, R, nb, D), lambda i: (0, 0, i, 0)),
            pl.BlockSpec((NC, R, nb, 16), lambda i: (0, 0, i, 0)),
            pl.BlockSpec((D, D), lambda i: (0, 0)),
            pl.BlockSpec((1, D), lambda i: (0, 0)),
            pl.BlockSpec((R, D, D), lambda i: (0, 0, 0)),
        ],
        out_specs=out_specs,
        out_shape=out_shape,
    )(x, s5, cnt3, root, b, w)


def kernel(classic_features, edge_index, edge_type, W1, root1, b1, W2,
           root2, b2):
    x = classic_features

    src = edge_index[0].reshape(NW, CH, CK)
    dst = edge_index[1].reshape(NW, CH, CK)
    et = edge_type.reshape(NW, CH, CK)
    ones_rows = jnp.ones((CK, CW), _bf16)
    zeros_rows = jnp.zeros((TROWS, CW), _bf16)

    s1, cnt = _sc_segment_sums(x.astype(_bf16), src, dst, et, ones_rows,
                               zeros_rows, with_count=True)
    s1 = s1.reshape(NC, R, NPAD, D)
    cnt3 = cnt.reshape(NC, R, NPAD, 16)

    h = _dense_layer(x, s1, cnt3, root1, b1.reshape(1, D), W1, relu=True)

    (s2,) = _sc_segment_sums(h.astype(_bf16), src, dst, et, ones_rows,
                             zeros_rows, with_count=False)
    s2 = s2.reshape(NC, R, NPAD, D)

    out = _dense_layer(h, s2, cnt3, root2, b2.reshape(1, D), W2, relu=False)
    return out

# --- scband reference (transcript-rebuilt; emitter-appended) ---
"""Pipeline reference for scband-graph-feature-extractor-25340307046635 (READ-ONLY COPY).

The authoritative reference and input builder live on the scoring server;
editing this copy changes nothing except your own understanding.
"""

import jax, jax.numpy as jnp
import numpy as np

N = 10000
E = 320000
D_IN = 128
D_HID = 128
D_OUT = 128
R = 4


def setup_inputs(seed: int = 0) -> dict:
    key = jax.random.key(seed)
    ks = jax.random.split(key, 10)
    x = jax.random.normal(ks[0], (N, D_IN), dtype=jnp.float32)
    edge_index = jax.random.randint(ks[1], (2, E), 0, N, dtype=jnp.int32)
    edge_type = jax.random.randint(ks[2], (E,), 0, R, dtype=jnp.int32)
    s1 = 1.0 / np.sqrt(D_IN)
    s2 = 1.0 / np.sqrt(D_HID)
    W1 = jax.random.normal(ks[3], (R, D_IN, D_HID), dtype=jnp.float32) * s1
    root1 = jax.random.normal(ks[4], (D_IN, D_HID), dtype=jnp.float32) * s1
    b1 = jnp.zeros((D_HID,), dtype=jnp.float32)
    W2 = jax.random.normal(ks[5], (R, D_HID, D_OUT), dtype=jnp.float32) * s2
    root2 = jax.random.normal(ks[6], (D_HID, D_OUT), dtype=jnp.float32) * s2
    b2 = jnp.zeros((D_OUT,), dtype=jnp.float32)
    return {"classic_features": x, "edge_index": edge_index, "edge_type": edge_type,
            "W1": W1, "root1": root1, "b1": b1, "W2": W2, "root2": root2, "b2": b2}


def _rgcn_layer(x, src, dst, edge_type, W, root, b):
    # RGCNConv: out_i = root @ x_i + b + sum_r (1/|N_r(i)|) sum_{j in N_r(i)} W_r x_j
    out = x @ root + b
    n = x.shape[0]
    gathered = jnp.take(x, src, axis=0)  # [E, D]
    for r in range(R):
        mask = (edge_type == r).astype(x.dtype)  # [E]
        msgs = gathered * mask[:, None]
        agg = jax.ops.segment_sum(msgs, dst, num_segments=n)  # [N, D]
        cnt = jax.ops.segment_sum(mask, dst, num_segments=n)  # [N]
        agg = agg / jnp.maximum(cnt, 1.0)[:, None]
        out = out + agg @ W[r]
    return out


def reference(classic_features, edge_index, edge_type, W1, root1, b1, W2, root2, b2):
    src = edge_index[0]
    dst = edge_index[1]
    h = _rgcn_layer(classic_features, src, dst, edge_type, W1, root1, b1)
    h = jax.nn.relu(h)
    # dropout(p=0.2) is identity in eval mode
    out = _rgcn_layer(h, src, dst, edge_type, W2, root2, b2)
    return out

if __name__ == "__main__":
    import jax
    _d = setup_inputs()
    print(jax.jit(kernel)(*tuple(_d.values())))

</pallas_src>

<mosaic_0001>
#map = affine_map<(d0, d1) -> (0, 0)>
#map1 = affine_map<(d0, d1) -> (0, 0, 0)>
module attributes {stable_mosaic.version = 14 : i64} {
  func.func @_sc_body(%arg0: i32, %arg1: i32, %arg2: memref<10000x128xbf16, #tpu.memory_space<hbm>>, %arg3: memref<32x125x80xi32, #tpu.memory_space<hbm>>, %arg4: memref<32x125x80xi32, #tpu.memory_space<hbm>>, %arg5: memref<32x125x80xi32, #tpu.memory_space<hbm>>, %arg6: memref<80x64xbf16, #tpu.memory_space<hbm>>, %arg7: memref<2560x64xbf16, #tpu.memory_space<hbm>>, %arg8: memref<2x40960x128xbf16, #tpu.memory_space<hbm>>, %arg9: memref<2x40960x16xbf16, #tpu.memory_space<hbm>>, %arg10: memref<40960x64xbf16, #tpu.memory_space<vmem_shared>>, %arg11: memref<10000x64xbf16, #tpu.memory_space<vmem_shared>>, %arg12: memref<125x80xi32, #tpu.memory_space<vmem>>, %arg13: memref<125x80xi32, #tpu.memory_space<vmem>>, %arg14: memref<80x64xbf16, #tpu.memory_space<vmem>>, %arg15: memref<80x64xbf16, #tpu.memory_space<vmem>>, %arg16: memref<80x64xbf16, #tpu.memory_space<vmem>>, %arg17: memref<!tpu.dma_semaphore, #tpu.memory_space<semaphore_mem>>, %arg18: memref<!tpu.dma_semaphore, #tpu.memory_space<semaphore_mem>>, %arg19: memref<!tpu.dma_semaphore, #tpu.memory_space<semaphore_mem>>, %arg20: memref<!tpu.dma_semaphore, #tpu.memory_space<semaphore_mem>>, %arg21: memref<!tpu.dma_semaphore, #tpu.memory_space<semaphore_mem>>, %arg22: memref<!tpu.dma_semaphore, #tpu.memory_space<semaphore_mem>>) attributes {dimension_semantics = [#tpu.dimension_semantics<core_parallel>, #tpu.dimension_semantics<subcore_parallel>], iteration_bounds = array<i64: 2, 16>, scalar_prefetch = 0 : i64, scratch_operands = 13 : i64, tpu.core_type = #tpu.core_type<sc_vector_subcore>, window_params = [{transform_indices = #map}, {transform_indices = #map1}, {transform_indices = #map1}, {transform_indices = #map1}, {transform_indices = #map}, {transform_indices = #map}, {transform_indices = #map1}, {transform_indices = #map1}]} {
    %mul3A = arith.constant 16 : i32
    %mul3A_0 = arith.muli %arg0, %mul3A : i32
    %add3A = arith.addi %mul3A_0, %arg1 : i32
    %mul3A_1 = arith.constant 2560 : i32
    %mul3A_2 = arith.muli %arg1, %mul3A_1 : i32
    "tpu.region"() ({
      %run_scoped3A = tpu.sem_alloc : memref<!tpu.dma_semaphore, #tpu.memory_space<semaphore_mem>>
      %dma_start3A_355 = arith.constant 0 : i32
      %dma_start3A_356 = arith.constant 0 : i32
      %dma_start3A_357 = tpu.memref_slice %arg4[%add3A, %dma_start3A_355, %dma_start3A_356] : memref<32x125x80xi32, #tpu.memory_space<hbm>> -> memref<1x125x80xi32, #tpu.memory_space<hbm>>
      %dma_start3A_358 = tpu.memref_squeeze %dma_start3A_357 : memref<1x125x80xi32, #tpu.memory_space<hbm>> -> memref<125x80xi32, #tpu.memory_space<hbm>>
      %dma_start3A_359 = arith.constant 0 : i32
      %dma_start3A_360 = arith.constant 0 : i32
      %dma_start3A_361 = tpu.memref_slice %arg4[%add3A, %dma_start3A_359, %dma_start3A_360] : memref<32x125x80xi32, #tpu.memory_space<hbm>> -> memref<1x125x80xi32, #tpu.memory_space<hbm>>
      %dma_start3A_362 = tpu.memref_squeeze %dma_start3A_361 : memref<1x125x80xi32, #tpu.memory_space<hbm>> -> memref<125x80xi32, #tpu.memory_space<hbm>>
      tpu.enqueue_dma source(%dma_start3A_362 : memref<125x80xi32, #tpu.memory_space<hbm>>) target(%arg13 : memref<125x80xi32, #tpu.memory_space<vmem>>) target_semaphore(%run_scoped3A : memref<!tpu.dma_semaphore, #tpu.memory_space<semaphore_mem>>)
      %dma_wait3A_363 = arith.constant 0 : i32
      %dma_wait3A_364 = arith.constant 0 : i32
      %dma_wait3A_365 = tpu.memref_slice %arg4[%add3A, %dma_wait3A_363, %dma_wait3A_364] : memref<32x125x80xi32, #tpu.memory_space<hbm>> -> memref<1x125x80xi32, #tpu.memory_space<hbm>>
      %dma_wait3A_366 = tpu.memref_squeeze %dma_wait3A_365 : memref<1x125x80xi32, #tpu.memory_space<hbm>> -> memref<125x80xi32, #tpu.memory_space<hbm>>
      %dma_wait3A_367 = arith.constant 0 : i32
      %dma_wait3A_368 = arith.constant 0 : i32
      %dma_wait3A_369 = tpu.memref_slice %arg4[%add3A, %dma_wait3A_367, %dma_wait3A_368] : memref<32x125x80xi32, #tpu.memory_space<hbm>> -> memref<1x125x80xi32, #tpu.memory_space<hbm>>
      %dma_wait3A_370 = tpu.memref_squeeze %dma_wait3A_369 : memref<1x125x80xi32, #tpu.memory_space<hbm>> -> memref<125x80xi32, #tpu.memory_space<hbm>>
      tpu.wait_dma2 semaphore(%run_scoped3A : memref<!tpu.dma_semaphore, #tpu.memory_space<semaphore_mem>>) src(%dma_wait3A_370 : memref<125x80xi32, #tpu.memory_space<hbm>>) dst(%arg13 : memref<125x80xi32, #tpu.memory_space<vmem>>)
      tpu.yield
    }) : () -> ()
    "tpu.region"() ({
      %run_scoped3A = tpu.sem_alloc : memref<!tpu.dma_semaphore, #tpu.memory_space<semaphore_mem>>
      %dma_start3A_355 = arith.constant 0 : i32
      %dma_start3A_356 = arith.constant 0 : i32
      %dma_start3A_357 = tpu.memref_slice %arg5[%add3A, %dma_start3A_355, %dma_start3A_356] : memref<32x125x80xi32, #tpu.memory_space<hbm>> -> memref<1x125x80xi32, #tpu.memory_space<hbm>>
      %dma_start3A_358 = tpu.memref_squeeze %dma_start3A_357 : memref<1x125x80xi32, #tpu.memory_space<hbm>> -> memref<125x80xi32, #tpu.memory_space<hbm>>
      %dma_start3A_359 = arith.constant 0 : i32
      %dma_start3A_360 = arith.constant 0 : i32
      %dma_start3A_361 = tpu.memref_slice %arg5[%add3A, %dma_start3A_359, %dma_start3A_360] : memref<32x125x80xi32, #tpu.memory_space<hbm>> -> memref<1x125x80xi32, #tpu.memory_space<hbm>>
      %dma_start3A_362 = tpu.memref_squeeze %dma_start3A_361 : memref<1x125x80xi32, #tpu.memory_space<hbm>> -> memref<125x80xi32, #tpu.memory_space<hbm>>
      tpu.enqueue_dma source(%dma_start3A_362 : memref<125x80xi32, #tpu.memory_space<hbm>>) target(%arg12 : memref<125x80xi32, #tpu.memory_space<vmem>>) target_semaphore(%run_scoped3A : memref<!tpu.dma_semaphore, #tpu.memory_space<semaphore_mem>>)
      %dma_wait3A_363 = arith.constant 0 : i32
      %dma_wait3A_364 = arith.constant 0 : i32
      %dma_wait3A_365 = tpu.memref_slice %arg5[%add3A, %dma_wait3A_363, %dma_wait3A_364] : memref<32x125x80xi32, #tpu.memory_space<hbm>> -> memref<1x125x80xi32, #tpu.memory_space<hbm>>
      %dma_wait3A_366 = tpu.memref_squeeze %dma_wait3A_365 : memref<1x125x80xi32, #tpu.memory_space<hbm>> -> memref<125x80xi32, #tpu.memory_space<hbm>>
      %dma_wait3A_367 = arith.constant 0 : i32
      %dma_wait3A_368 = arith.constant 0 : i32
      %dma_wait3A_369 = tpu.memref_slice %arg5[%add3A, %dma_wait3A_367, %dma_wait3A_368] : memref<32x125x80xi32, #tpu.memory_space<hbm>> -> memref<1x125x80xi32, #tpu.memory_space<hbm>>
      %dma_wait3A_370 = tpu.memref_squeeze %dma_wait3A_369 : memref<1x125x80xi32, #tpu.memory_space<hbm>> -> memref<125x80xi32, #tpu.memory_space<hbm>>
      tpu.wait_dma2 semaphore(%run_scoped3A : memref<!tpu.dma_semaphore, #tpu.memory_space<semaphore_mem>>) src(%dma_wait3A_370 : memref<125x80xi32, #tpu.memory_space<hbm>>) dst(%arg12 : memref<125x80xi32, #tpu.memory_space<vmem>>)
      tpu.yield
    }) : () -> ()
    %scan3A = arith.constant 0 : i32
    %scan3A_3 = arith.constant 125 : i32
    %scan3A_4 = arith.addi %scan3A, %scan3A_3 : i32
    %scan3A_5 = arith.constant 1 : i32
    scf.for %scan3A_355 = %scan3A to %scan3A_4 step %scan3A_5  : i32 {
      %mul3A_356 = arith.constant 1 : i32
      %mul3A_357 = arith.muli %scan3A_355, %mul3A_356 : i32
      %add3A_358 = arith.constant 0 : i32
      %add3A_359 = arith.addi %add3A_358, %mul3A_357 : i32
      %get3A = arith.index_cast %add3A_359 : i32 to index
      %get3A_360 = arith.constant 0 : index
      %get3A_361 = tpu.vector_load %arg12[%get3A, %get3A_360] {strides = array<i32>} : memref<125x80xi32, #tpu.memory_space<vmem>>, vector<1x16xi32>,
      %get3A_362 = vector.shape_cast %get3A_361 : vector<1x16xi32> to vector<16xi32>
      %mul3A_363 = arith.constant 10240 : i32
      %mul3A_364 = vector.broadcast %mul3A_363 : i32 to vector<16xi32>
      %mul3A_365 = arith.muli %get3A_362, %mul3A_364 : vector<16xi32>
      %get3A_366 = arith.index_cast %add3A_359 : i32 to index
      %get3A_367 = arith.constant 0 : index
      %get3A_368 = tpu.vector_load %arg13[%get3A_366, %get3A_367] {strides = array<i32>} : memref<125x80xi32, #tpu.memory_space<vmem>>, vector<1x16xi32>,
      %get3A_369 = vector.shape_cast %get3A_368 : vector<1x16xi32> to vector<16xi32>
      %add3A_370 = arith.addi %mul3A_365, %get3A_369 : vector<16xi32>
      %swap3A = arith.index_cast %add3A_359 : i32 to index
      %swap3A_371 = arith.constant 0 : index
      %swap3A_372 = tpu.vector_load %arg13[%swap3A, %swap3A_371] {strides = array<i32>} : memref<125x80xi32, #tpu.memory_space<vmem>>, vector<1x16xi32>,
      %swap3A_373 = vector.shape_cast %swap3A_372 : vector<1x16xi32> to vector<16xi32>
      %swap3A_374 = vector.shape_cast %add3A_370 : vector<16xi32> to vector<1x16xi32>
      tpu.vector_store %arg13[%swap3A, %swap3A_371], %swap3A_374 {strides = array<i32>} : memref<125x80xi32, #tpu.memory_space<vmem>>, vector<1x16xi32>,
      %get3A_375 = arith.index_cast %add3A_359 : i32 to index
      %get3A_376 = arith.constant 16 : index
      %get3A_377 = tpu.vector_load %arg12[%get3A_375, %get3A_376] {strides = array<i32>} : memref<125x80xi32, #tpu.memory_space<vmem>>, vector<1x16xi32>,
      %get3A_378 = vector.shape_cast %get3A_377 : vector<1x16xi32> to vector<16xi32>
      %mul3A_379 = arith.constant 10240 : i32
      %mul3A_380 = vector.broadcast %mul3A_379 : i32 to vector<16xi32>
      %mul3A_381 = arith.muli %get3A_378, %mul3A_380 : vector<16xi32>
      %get3A_382 = arith.index_cast %add3A_359 : i32 to index
      %get3A_383 = arith.constant 16 : index
      %get3A_384 = tpu.vector_load %arg13[%get3A_382, %get3A_383] {strides = array<i32>} : memref<125x80xi32, #tpu.memory_space<vmem>>, vector<1x16xi32>,
      %get3A_385 = vector.shape_cast %get3A_384 : vector<1x16xi32> to vector<16xi32>
      %add3A_386 = arith.addi %mul3A_381, %get3A_385 : vector<16xi32>
      %swap3A_387 = arith.index_cast %add3A_359 : i32 to index
      %swap3A_388 = arith.constant 16 : index
      %swap3A_389 = tpu.vector_load %arg13[%swap3A_387, %swap3A_388] {strides = array<i32>} : memref<125x80xi32, #tpu.memory_space<vmem>>, vector<1x16xi32>,
      %swap3A_390 = vector.shape_cast %swap3A_389 : vector<1x16xi32> to vector<16xi32>
      %swap3A_391 = vector.shape_cast %add3A_386 : vector<16xi32> to vector<1x16xi32>
      tpu.vector_store %arg13[%swap3A_387, %swap3A_388], %swap3A_391 {strides = array<i32>} : memref<125x80xi32, #tpu.memory_space<vmem>>, vector<1x16xi32>,
      %get3A_392 = arith.index_cast %add3A_359 : i32 to index
      %get3A_393 = arith.constant 32 : index
      %get3A_394 = tpu.vector_load %arg12[%get3A_392, %get3A_393] {strides = array<i32>} : memref<125x80xi32, #tpu.memory_space<vmem>>, vector<1x16xi32>,
      %get3A_395 = vector.shape_cast %get3A_394 : vector<1x16xi32> to vector<16xi32>
      %mul3A_396 = arith.constant 10240 : i32
      %mul3A_397 = vector.broadcast %mul3A_396 : i32 to vector<16xi32>
      %mul3A_398 = arith.muli %get3A_395, %mul3A_397 : vector<16xi32>
      %get3A_399 = arith.index_cast %add3A_359 : i32 to index
      %get3A_400 = arith.constant 32 : index
      %get3A_401 = tpu.vector_load %arg13[%get3A_399, %get3A_400] {strides = array<i32>} : memref<125x80xi32, #tpu.memory_space<vmem>>, vector<1x16xi32>,
      %get3A_402 = vector.shape_cast %get3A_401 : vector<1x16xi32> to vector<16xi32>
      %add3A_403 = arith.addi %mul3A_398, %get3A_402 : vector<16xi32>
      %swap3A_404 = arith.index_cast %add3A_359 : i32 to index
      %swap3A_405 = arith.constant 32 : index
      %swap3A_406 = tpu.vector_load %arg13[%swap3A_404, %swap3A_405] {strides = array<i32>} : memref<125x80xi32, #tpu.memory_space<vmem>>, vector<1x16xi32>,
      %swap3A_407 = vector.shape_cast %swap3A_406 : vector<1x16xi32> to vector<16xi32>
      %swap3A_408 = vector.shape_cast %add3A_403 : vector<16xi32> to vector<1x16xi32>
      tpu.vector_store %arg13[%swap3A_404, %swap3A_405], %swap3A_408 {strides = array<i32>} : memref<125x80xi32, #tpu.memory_space<vmem>>, vector<1x16xi32>,
      %get3A_409 = arith.index_cast %add3A_359 : i32 to index
      %get3A_410 = arith.constant 48 : index
      %get3A_411 = tpu.vector_load %arg12[%get3A_409, %get3A_410] {strides = array<i32>} : memref<125x80xi32, #tpu.memory_space<vmem>>, vector<1x16xi32>,
      %get3A_412 = vector.shape_cast %get3A_411 : vector<1x16xi32> to vector<16xi32>
      %mul3A_413 = arith.constant 10240 : i32
      %mul3A_414 = vector.broadcast %mul3A_413 : i32 to vector<16xi32>
      %mul3A_415 = arith.muli %get3A_412, %mul3A_414 : vector<16xi32>
      %get3A_416 = arith.index_cast %add3A_359 : i32 to index
      %get3A_417 = arith.constant 48 : index
      %get3A_418 = tpu.vector_load %arg13[%get3A_416, %get3A_417] {strides = array<i32>} : memref<125x80xi32, #tpu.memory_space<vmem>>, vector<1x16xi32>,
      %get3A_419 = vector.shape_cast %get3A_418 : vector<1x16xi32> to vector<16xi32>
      %add3A_420 = arith.addi %mul3A_415, %get3A_419 : vector<16xi32>
      %swap3A_421 = arith.index_cast %add3A_359 : i32 to index
      %swap3A_422 = arith.constant 48 : index
      %swap3A_423 = tpu.vector_load %arg13[%swap3A_421, %swap3A_422] {strides = array<i32>} : memref<125x80xi32, #tpu.memory_space<vmem>>, vector<1x16xi32>,
      %swap3A_424 = vector.shape_cast %swap3A_423 : vector<1x16xi32> to vector<16xi32>
      %swap3A_425 = vector.shape_cast %add3A_420 : vector<16xi32> to vector<1x16xi32>
      tpu.vector_store %arg13[%swap3A_421, %swap3A_422], %swap3A_425 {strides = array<i32>} : memref<125x80xi32, #tpu.memory_space<vmem>>, vector<1x16xi32>,
      %get3A_426 = arith.index_cast %add3A_359 : i32 to index
      %get3A_427 = arith.constant 64 : index
      %get3A_428 = tpu.vector_load %arg12[%get3A_426, %get3A_427] {strides = array<i32>} : memref<125x80xi32, #tpu.memory_space<vmem>>, vector<1x16xi32>,
      %get3A_429 = vector.shape_cast %get3A_428 : vector<1x16xi32> to vector<16xi32>
      %mul3A_430 = arith.constant 10240 : i32
      %mul3A_431 = vector.broadcast %mul3A_430 : i32 to vector<16xi32>
      %mul3A_432 = arith.muli %get3A_429, %mul3A_431 : vector<16xi32>
      %get3A_433 = arith.index_cast %add3A_359 : i32 to index
      %get3A_434 = arith.constant 64 : index
      %get3A_435 = tpu.vector_load %arg13[%get3A_433, %get3A_434] {strides = array<i32>} : memref<125x80xi32, #tpu.memory_space<vmem>>, vector<1x16xi32>,
      %get3A_436 = vector.shape_cast %get3A_435 : vector<1x16xi32> to vector<16xi32>
      %add3A_437 = arith.addi %mul3A_432, %get3A_436 : vector<16xi32>
      %swap3A_438 = arith.index_cast %add3A_359 : i32 to index
      %swap3A_439 = arith.constant 64 : index
      %swap3A_440 = tpu.vector_load %arg13[%swap3A_438, %swap3A_439] {strides = array<i32>} : memref<125x80xi32, #tpu.memory_space<vmem>>, vector<1x16xi32>,
      %swap3A_441 = vector.shape_cast %swap3A_440 : vector<1x16xi32> to vector<16xi32>
      %swap3A_442 = vector.shape_cast %add3A_437 : vector<16xi32> to vector<1x16xi32>
      tpu.vector_store %arg13[%swap3A_438, %swap3A_439], %swap3A_442 {strides = array<i32>} : memref<125x80xi32, #tpu.memory_space<vmem>>, vector<1x16xi32>,
    }
    %scan3A_6 = arith.constant 125 : i32
    "tpu.region"() ({
      %run_scoped3A = tpu.sem_alloc : memref<!tpu.dma_semaphore, #tpu.memory_space<semaphore_mem>>
      %dma_start3A_355 = arith.constant 0 : i32
      %dma_start3A_356 = arith.constant 0 : i32
      %dma_start3A_357 = tpu.memref_slice %arg3[%add3A, %dma_start3A_355, %dma_start3A_356] : memref<32x125x80xi32, #tpu.memory_space<hbm>> -> memref<1x125x80xi32, #tpu.memory_space<hbm>>
      %dma_start3A_358 = tpu.memref_squeeze %dma_start3A_357 : memref<1x125x80xi32, #tpu.memory_space<hbm>> -> memref<125x80xi32, #tpu.memory_space<hbm>>
      %dma_start3A_359 = arith.constant 0 : i32
      %dma_start3A_360 = arith.constant 0 : i32
      %dma_start3A_361 = tpu.memref_slice %arg3[%add3A, %dma_start3A_359, %dma_start3A_360] : memref<32x125x80xi32, #tpu.memory_space<hbm>> -> memref<1x125x80xi32, #tpu.memory_space<hbm>>
      %dma_start3A_362 = tpu.memref_squeeze %dma_start3A_361 : memref<1x125x80xi32, #tpu.memory_space<hbm>> -> memref<125x80xi32, #tpu.memory_space<hbm>>
      tpu.enqueue_dma source(%dma_start3A_362 : memref<125x80xi32, #tpu.memory_space<hbm>>) target(%arg12 : memref<125x80xi32, #tpu.memory_space<vmem>>) target_semaphore(%run_scoped3A : memref<!tpu.dma_semaphore, #tpu.memory_space<semaphore_mem>>)
      %dma_wait3A_363 = arith.constant 0 : i32
      %dma_wait3A_364 = arith.constant 0 : i32
      %dma_wait3A_365 = tpu.memref_slice %arg3[%add3A, %dma_wait3A_363, %dma_wait3A_364] : memref<32x125x80xi32, #tpu.memory_space<hbm>> -> memref<1x125x80xi32, #tpu.memory_space<hbm>>
      %dma_wait3A_366 = tpu.memref_squeeze %dma_wait3A_365 : memref<1x125x80xi32, #tpu.memory_space<hbm>> -> memref<125x80xi32, #tpu.memory_space<hbm>>
      %dma_wait3A_367 = arith.constant 0 : i32
      %dma_wait3A_368 = arith.constant 0 : i32
      %dma_wait3A_369 = tpu.memref_slice %arg3[%add3A, %dma_wait3A_367, %dma_wait3A_368] : memref<32x125x80xi32, #tpu.memory_space<hbm>> -> memref<1x125x80xi32, #tpu.memory_space<hbm>>
      %dma_wait3A_370 = tpu.memref_squeeze %dma_wait3A_369 : memref<1x125x80xi32, #tpu.memory_space<hbm>> -> memref<125x80xi32, #tpu.memory_space<hbm>>
      tpu.wait_dma2 semaphore(%run_scoped3A : memref<!tpu.dma_semaphore, #tpu.memory_space<semaphore_mem>>) src(%dma_wait3A_370 : memref<125x80xi32, #tpu.memory_space<hbm>>) dst(%arg12 : memref<125x80xi32, #tpu.memory_space<vmem>>)
      tpu.yield
    }) : () -> ()
    "tpu.region"() ({
      %run_scoped3A = tpu.sem_alloc : memref<!tpu.dma_semaphore, #tpu.memory_space<semaphore_mem>>
      %dma_start3A_355 = arith.constant 0 : i32
      %dma_start3A_356 = tpu.memref_slice %arg10[%mul3A_2, %dma_start3A_355] : memref<40960x64xbf16, #tpu.memory_space<vmem_shared>> -> memref<2560x64xbf16, #tpu.memory_space<vmem_shared>>
      tpu.enqueue_dma source(%arg7 : memref<2560x64xbf16, #tpu.memory_space<hbm>>) target(%dma_start3A_356 : memref<2560x64xbf16, #tpu.memory_space<vmem_shared>>) target_semaphore(%run_scoped3A : memref<!tpu.dma_semaphore, #tpu.memory_space<semaphore_mem>>)
      %dma_wait3A_357 = arith.constant 0 : i32
      %dma_wait3A_358 = tpu.memref_slice %arg10[%mul3A_2, %dma_wait3A_357] : memref<40960x64xbf16, #tpu.memory_space<vmem_shared>> -> memref<2560x64xbf16, #tpu.memory_space<vmem_shared>>
      tpu.wait_dma2 semaphore(%run_scoped3A : memref<!tpu.dma_semaphore, #tpu.memory_space<semaphore_mem>>) src(%arg7 : memref<2560x64xbf16, #tpu.memory_space<hbm>>) dst(%dma_wait3A_358 : memref<2560x64xbf16, #tpu.memory_space<vmem_shared>>)
      tpu.yield
    }) : () -> ()
    %mul3A_7 = arith.constant 625 : i32
    %mul3A_8 = arith.muli %arg1, %mul3A_7 : i32
    %mul3A_9 = arith.constant 625 : i32
    %mul3A_10 = arith.muli %arg1, %mul3A_9 : i32
    "tpu.region"() ({
      %run_scoped3A = tpu.sem_alloc : memref<!tpu.dma_semaphore, #tpu.memory_space<semaphore_mem>>
      %dma_start3A_355 = arith.constant 0 : i32
      %dma_start3A_356 = tpu.memref_slice %arg11[%mul3A_10, %dma_start3A_355] : memref<10000x64xbf16, #tpu.memory_space<vmem_shared>> -> memref<625x64xbf16, #tpu.memory_space<vmem_shared>>
      %dma_start3A_357 = arith.constant 0 : i32
      %dma_start3A_358 = tpu.memref_slice %arg2[%mul3A_8, %dma_start3A_357] : memref<10000x128xbf16, #tpu.memory_space<hbm>> -> memref<625x64xbf16, #tpu.memory_space<hbm>>
      tpu.enqueue_dma source(%dma_start3A_358 : memref<625x64xbf16, #tpu.memory_space<hbm>>) target(%dma_start3A_356 : memref<625x64xbf16, #tpu.memory_space<vmem_shared>>) target_semaphore(%run_scoped3A : memref<!tpu.dma_semaphore, #tpu.memory_space<semaphore_mem>>)
      %dma_wait3A_359 = arith.constant 0 : i32
      %dma_wait3A_360 = tpu.memref_slice %arg11[%mul3A_10, %dma_wait3A_359] : memref<10000x64xbf16, #tpu.memory_space<vmem_shared>> -> memref<625x64xbf16, #tpu.memory_space<vmem_shared>>
      %dma_wait3A_361 = arith.constant 0 : i32
      %dma_wait3A_362 = tpu.memref_slice %arg2[%mul3A_8, %dma_wait3A_361] : memref<10000x128xbf16, #tpu.memory_space<hbm>> -> memref<625x64xbf16, #tpu.memory_space<hbm>>
      tpu.wait_dma2 semaphore(%run_scoped3A : memref<!tpu.dma_semaphore, #tpu.memory_space<semaphore_mem>>) src(%dma_wait3A_362 : memref<625x64xbf16, #tpu.memory_space<hbm>>) dst(%dma_wait3A_360 : memref<625x64xbf16, #tpu.memory_space<vmem_shared>>)
      tpu.yield
    }) : () -> ()
    %barrier3A = arith.constant 0 : index
    tpu.barrier barrier_id(%barrier3A)
    %dma_start3A = arith.constant 0 : i32
    %dma_start3A_11 = arith.constant 0 : i32
    %dma_start3A_12 = tpu.memref_slice %arg12[%dma_start3A, %dma_start3A_11] : memref<125x80xi32, #tpu.memory_space<vmem>> -> memref<1x80xi32, #tpu.memory_space<vmem>>
    %dma_start3A_13 = tpu.memref_squeeze %dma_start3A_12 : memref<1x80xi32, #tpu.memory_space<vmem>> -> memref<80xi32, #tpu.memory_space<vmem>>
    %dma_start3A_14 = arith.constant 0 : i32
    %dma_start3A_15 = arith.constant 0 : i32
    %dma_start3A_16 = tpu.memref_slice %arg11[%dma_start3A_14, %dma_start3A_15] : memref<10000x64xbf16, #tpu.memory_space<vmem_shared>> -> memref<10000x64xbf16, #tpu.memory_space<vmem_shared>>
    tpu.enqueue_indirect_dma source(%dma_start3A_16 : memref<10000x64xbf16, #tpu.memory_space<vmem_shared>>) target(%arg14 : memref<80x64xbf16, #tpu.memory_space<vmem>>) offsets(%dma_start3A_13 : memref<80xi32, #tpu.memory_space<vmem>>) semaphore(%arg17 : memref<!tpu.dma_semaphore, #tpu.memory_space<semaphore_mem>>)
    %dma_wait3A = arith.constant 0 : i32
    %dma_wait3A_17 = arith.constant 0 : i32
    %dma_wait3A_18 = tpu.memref_slice %arg12[%dma_wait3A, %dma_wait3A_17] : memref<125x80xi32, #tpu.memory_space<vmem>> -> memref<1x80xi32, #tpu.memory_space<vmem>>
    %dma_wait3A_19 = tpu.memref_squeeze %dma_wait3A_18 : memref<1x80xi32, #tpu.memory_space<vmem>> -> memref<80xi32, #tpu.memory_space<vmem>>
    %dma_wait3A_20 = arith.constant 0 : i32
    %dma_wait3A_21 = arith.constant 0 : i32
    %dma_wait3A_22 = tpu.memref_slice %arg11[%dma_wait3A_20, %dma_wait3A_21] : memref<10000x64xbf16, #tpu.memory_space<vmem_shared>> -> memref<10000x64xbf16, #tpu.memory_space<vmem_shared>>
    tpu.wait_indirect_dma semaphore(%arg17 : memref<!tpu.dma_semaphore, #tpu.memory_space<semaphore_mem>>) src(%dma_wait3A_22 : memref<10000x64xbf16, #tpu.memory_space<vmem_shared>>) dst(%arg14 : memref<80x64xbf16, #tpu.memory_space<vmem>>)
    %dma_start3A_23 = arith.constant 0 : i32
    %dma_start3A_24 = arith.constant 0 : i32
    %dma_start3A_25 = tpu.memref_slice %arg13[%dma_start3A_23, %dma_start3A_24] : memref<125x80xi32, #tpu.memory_space<vmem>> -> memref<1x80xi32, #tpu.memory_space<vmem>>
    %dma_start3A_26 = tpu.memref_squeeze %dma_start3A_25 : memref<1x80xi32, #tpu.memory_space<vmem>> -> memref<80xi32, #tpu.memory_space<vmem>>
    %dma_start3A_27 = arith.constant 0 : i32
    %dma_start3A_28 = arith.constant 0 : i32
    %dma_start3A_29 = tpu.memref_slice %arg10[%dma_start3A_27, %dma_start3A_28] : memref<40960x64xbf16, #tpu.memory_space<vmem_shared>> -> memref<40960x64xbf16, #tpu.memory_space<vmem_shared>>
    tpu.enqueue_indirect_dma source(%arg14 : memref<80x64xbf16, #tpu.memory_space<vmem>>) target(%dma_start3A_29 : memref<40960x64xbf16, #tpu.memory_space<vmem_shared>>) offsets(%dma_start3A_26 : memref<80xi32, #tpu.memory_space<vmem>>) semaphore(%arg20 : memref<!tpu.dma_semaphore, #tpu.memory_space<semaphore_mem>>) {add = true}
    %dma_start3A_30 = arith.constant 1 : i32
    %dma_start3A_31 = arith.constant 0 : i32
    %dma_start3A_32 = tpu.memref_slice %arg12[%dma_start3A_30, %dma_start3A_31] : memref<125x80xi32, #tpu.memory_space<vmem>> -> memref<1x80xi32, #tpu.memory_space<vmem>>
    %dma_start3A_33 = tpu.memref_squeeze %dma_start3A_32 : memref<1x80xi32, #tpu.memory_space<vmem>> -> memref<80xi32, #tpu.memory_space<vmem>>
    %dma_start3A_34 = arith.constant 0 : i32
    %dma_start3A_35 = arith.constant 0 : i32
    %dma_start3A_36 = tpu.memref_slice %arg11[%dma_start3A_34, %dma_start3A_35] : memref<10000x64xbf16, #tpu.memory_space<vmem_shared>> -> memref<10000x64xbf16, #tpu.memory_space<vmem_shared>>
    tpu.enqueue_indirect_dma source(%dma_start3A_36 : memref<10000x64xbf16, #tpu.memory_space<vmem_shared>>) target(%arg15 : memref<80x64xbf16, #tpu.memory_space<vmem>>) offsets(%dma_start3A_33 : memref<80xi32, #tpu.memory_space<vmem>>) semaphore(%arg18 : memref<!tpu.dma_semaphore, #tpu.memory_space<semaphore_mem>>)
    %dma_wait3A_37 = arith.constant 0 : i32
    %dma_wait3A_38 = arith.constant 0 : i32
    %dma_wait3A_39 = tpu.memref_slice %arg12[%dma_wait3A_37, %dma_wait3A_38] : memref<125x80xi32, #tpu.memory_space<vmem>> -> memref<1x80xi32, #tpu.memory_space<vmem>>
    %dma_wait3A_40 = tpu.memref_squeeze %dma_wait3A_39 : memref<1x80xi32, #tpu.memory_space<vmem>> -> memref<80xi32, #tpu.memory_space<vmem>>
    %dma_wait3A_41 = arith.constant 0 : i32
    %dma_wait3A_42 = arith.constant 0 : i32
    %dma_wait3A_43 = tpu.memref_slice %arg11[%dma_wait3A_41, %dma_wait3A_42] : memref<10000x64xbf16, #tpu.memory_space<vmem_shared>> -> memref<10000x64xbf16, #tpu.memory_space<vmem_shared>>
    tpu.wait_indirect_dma semaphore(%arg18 : memref<!tpu.dma_semaphore, #tpu.memory_space<semaphore_mem>>) src(%dma_wait3A_43 : memref<10000x64xbf16, #tpu.memory_space<vmem_shared>>) dst(%arg15 : memref<80x64xbf16, #tpu.memory_space<vmem>>)
    %dma_start3A_44 = arith.constant 1 : i32
    %dma_start3A_45 = arith.constant 0 : i32
    %dma_start3A_46 = tpu.memref_slice %arg13[%dma_start3A_44, %dma_start3A_45] : memref<125x80xi32, #tpu.memory_space<vmem>> -> memref<1x80xi32, #tpu.memory_space<vmem>>
    %dma_start3A_47 = tpu.memref_squeeze %dma_start3A_46 : memref<1x80xi32, #tpu.memory_space<vmem>> -> memref<80xi32, #tpu.memory_space<vmem>>
    %dma_start3A_48 = arith.constant 0 : i32
    %dma_start3A_49 = arith.constant 0 : i32
    %dma_start3A_50 = tpu.memref_slice %arg10[%dma_start3A_48, %dma_start3A_49] : memref<40960x64xbf16, #tpu.memory_space<vmem_shared>> -> memref<40960x64xbf16, #tpu.memory_space<vmem_shared>>
    tpu.enqueue_indirect_dma source(%arg15 : memref<80x64xbf16, #tpu.memory_space<vmem>>) target(%dma_start3A_50 : memref<40960x64xbf16, #tpu.memory_space<vmem_shared>>) offsets(%dma_start3A_47 : memref<80xi32, #tpu.memory_space<vmem>>) semaphore(%arg21 : memref<!tpu.dma_semaphore, #tpu.memory_space<semaphore_mem>>) {add = true}
    %dma_start3A_51 = arith.constant 2 : i32
    %dma_start3A_52 = arith.constant 0 : i32
    %dma_start3A_53 = tpu.memref_slice %arg12[%dma_start3A_51, %dma_start3A_52] : memref<125x80xi32, #tpu.memory_space<vmem>> -> memref<1x80xi32, #tpu.memory_space<vmem>>
    %dma_start3A_54 = tpu.memref_squeeze %dma_start3A_53 : memref<1x80xi32, #tpu.memory_space<vmem>> -> memref<80xi32, #tpu.memory_space<vmem>>
    %dma_start3A_55 = arith.constant 0 : i32
    %dma_start3A_56 = arith.constant 0 : i32
    %dma_start3A_57 = tpu.memref_slice %arg11[%dma_start3A_55, %dma_start3A_56] : memref<10000x64xbf16, #tpu.memory_space<vmem_shared>> -> memref<10000x64xbf16, #tpu.memory_space<vmem_shared>>
    tpu.enqueue_indirect_dma source(%dma_start3A_57 : memref<10000x64xbf16, #tpu.memory_space<vmem_shared>>) target(%arg16 : memref<80x64xbf16, #tpu.memory_space<vmem>>) offsets(%dma_start3A_54 : memref<80xi32, #tpu.memory_space<vmem>>) semaphore(%arg19 : memref<!tpu.dma_semaphore, #tpu.memory_space<semaphore_mem>>)
    %scan3A_58 = arith.constant 0 : i32
    %scan3A_59 = arith.constant 40 : i32
    %scan3A_60 = arith.addi %scan3A_58, %scan3A_59 : i32
    %scan3A_61 = arith.constant 1 : i32
    scf.for %scan3A_355 = %scan3A_58 to %scan3A_60 step %scan3A_61  : i32 {
      %mul3A_356 = arith.constant 1 : i32
      %mul3A_357 = arith.muli %scan3A_355, %mul3A_356 : i32
      %add3A_358 = arith.constant 0 : i32
      %add3A_359 = arith.addi %add3A_358, %mul3A_357 : i32
      %mul3A_360 = arith.constant 3 : i32
      %mul3A_361 = arith.muli %add3A_359, %mul3A_360 : i32
      %add3A_362 = arith.constant 2 : i32
      %add3A_363 = arith.addi %add3A_362, %mul3A_361 : i32
      %add3A_364 = arith.constant 0 : i32
      %add3A_365 = arith.addi %add3A_363, %add3A_364 : i32
      %dma_wait3A_366 = arith.constant 0 : i32
      %dma_wait3A_367 = arith.constant 0 : i32
      %dma_wait3A_368 = tpu.memref_slice %arg12[%dma_wait3A_366, %dma_wait3A_367] : memref<125x80xi32, #tpu.memory_space<vmem>> -> memref<1x80xi32, #tpu.memory_space<vmem>>
      %dma_wait3A_369 = tpu.memref_squeeze %dma_wait3A_368 : memref<1x80xi32, #tpu.memory_space<vmem>> -> memref<80xi32, #tpu.memory_space<vmem>>
      %dma_wait3A_370 = arith.constant 0 : i32
      %dma_wait3A_371 = arith.constant 0 : i32
      %dma_wait3A_372 = tpu.memref_slice %arg11[%dma_wait3A_370, %dma_wait3A_371] : memref<10000x64xbf16, #tpu.memory_space<vmem_shared>> -> memref<10000x64xbf16, #tpu.memory_space<vmem_shared>>
      tpu.wait_indirect_dma semaphore(%arg19 : memref<!tpu.dma_semaphore, #tpu.memory_space<semaphore_mem>>) src(%dma_wait3A_372 : memref<10000x64xbf16, #tpu.memory_space<vmem_shared>>) dst(%arg16 : memref<80x64xbf16, #tpu.memory_space<vmem>>)
      %dma_start3A_373 = arith.constant 0 : i32
      %dma_start3A_374 = tpu.memref_slice %arg13[%add3A_365, %dma_start3A_373] : memref<125x80xi32, #tpu.memory_space<vmem>> -> memref<1x80xi32, #tpu.memory_space<vmem>>
      %dma_start3A_375 = tpu.memref_squeeze %dma_start3A_374 : memref<1x80xi32, #tpu.memory_space<vmem>> -> memref<80xi32, #tpu.memory_space<vmem>>
      %dma_start3A_376 = arith.constant 0 : i32
      %dma_start3A_377 = arith.constant 0 : i32
      %dma_start3A_378 = tpu.memref_slice %arg10[%dma_start3A_376, %dma_start3A_377] : memref<40960x64xbf16, #tpu.memory_space<vmem_shared>> -> memref<40960x64xbf16, #tpu.memory_space<vmem_shared>>
      tpu.enqueue_indirect_dma source(%arg16 : memref<80x64xbf16, #tpu.memory_space<vmem>>) target(%dma_start3A_378 : memref<40960x64xbf16, #tpu.memory_space<vmem_shared>>) offsets(%dma_start3A_375 : memref<80xi32, #tpu.memory_space<vmem>>) semaphore(%arg22 : memref<!tpu.dma_semaphore, #tpu.memory_space<semaphore_mem>>) {add = true}
      %dma_wait3A_379 = arith.constant 0 : i32
      %dma_wait3A_380 = arith.constant 0 : i32
      %dma_wait3A_381 = tpu.memref_slice %arg13[%dma_wait3A_379, %dma_wait3A_380] : memref<125x80xi32, #tpu.memory_space<vmem>> -> memref<1x80xi32, #tpu.memory_space<vmem>>
      %dma_wait3A_382 = tpu.memref_squeeze %dma_wait3A_381 : memref<1x80xi32, #tpu.memory_space<vmem>> -> memref<80xi32, #tpu.memory_space<vmem>>
      %dma_wait3A_383 = arith.constant 0 : i32
      %dma_wait3A_384 = arith.constant 0 : i32
      %dma_wait3A_385 = tpu.memref_slice %arg10[%dma_wait3A_383, %dma_wait3A_384] : memref<40960x64xbf16, #tpu.memory_space<vmem_shared>> -> memref<40960x64xbf16, #tpu.memory_space<vmem_shared>>
      tpu.wait_indirect_dma semaphore(%arg20 : memref<!tpu.dma_semaphore, #tpu.memory_space<semaphore_mem>>) src(%arg14 : memref<80x64xbf16, #tpu.memory_space<vmem>>) dst(%dma_wait3A_385 : memref<40960x64xbf16, #tpu.memory_space<vmem_shared>>)
      %add3A_386 = arith.constant 1 : i32
      %add3A_387 = arith.addi %add3A_365, %add3A_386 : i32
      %dma_start3A_388 = arith.constant 0 : i32
      %dma_start3A_389 = tpu.memref_slice %arg12[%add3A_387, %dma_start3A_388] : memref<125x80xi32, #tpu.memory_space<vmem>> -> memref<1x80xi32, #tpu.memory_space<vmem>>
      %dma_start3A_390 = tpu.memref_squeeze %dma_start3A_389 : memref<1x80xi32, #tpu.memory_space<vmem>> -> memref<80xi32, #tpu.memory_space<vmem>>
      %dma_start3A_391 = arith.constant 0 : i32
      %dma_start3A_392 = arith.constant 0 : i32
      %dma_start3A_393 = tpu.memref_slice %arg11[%dma_start3A_391, %dma_start3A_392] : memref<10000x64xbf16, #tpu.memory_space<vmem_shared>> -> memref<10000x64xbf16, #tpu.memory_space<vmem_shared>>
      tpu.enqueue_indirect_dma source(%dma_start3A_393 : memref<10000x64xbf16, #tpu.memory_space<vmem_shared>>) target(%arg14 : memref<80x64xbf16, #tpu.memory_space<vmem>>) offsets(%dma_start3A_390 : memref<80xi32, #tpu.memory_space<vmem>>) semaphore(%arg17 : memref<!tpu.dma_semaphore, #tpu.memory_space<semaphore_mem>>)
      %add3A_394 = arith.constant 1 : i32
      %add3A_395 = arith.addi %add3A_363, %add3A_394 : i32
      %dma_wait3A_396 = arith.constant 0 : i32
      %dma_wait3A_397 = arith.constant 0 : i32
      %dma_wait3A_398 = tpu.memref_slice %arg12[%dma_wait3A_396, %dma_wait3A_397] : memref<125x80xi32, #tpu.memory_space<vmem>> -> memref<1x80xi32, #tpu.memory_space<vmem>>
      %dma_wait3A_399 = tpu.memref_squeeze %dma_wait3A_398 : memref<1x80xi32, #tpu.memory_space<vmem>> -> memref<80xi32, #tpu.memory_space<vmem>>
      %dma_wait3A_400 = arith.constant 0 : i32
      %dma_wait3A_401 = arith.constant 0 : i32
      %dma_wait3A_402 = tpu.memref_slice %arg11[%dma_wait3A_400, %dma_wait3A_401] : memref<10000x64xbf16, #tpu.memory_space<vmem_shared>> -> memref<10000x64xbf16, #tpu.memory_space<vmem_shared>>
      tpu.wait_indirect_dma semaphore(%arg17 : memref<!tpu.dma_semaphore, #tpu.memory_space<semaphore_mem>>) src(%dma_wait3A_402 : memref<10000x64xbf16, #tpu.memory_space<vmem_shared>>) dst(%arg14 : memref<80x64xbf16, #tpu.memory_space<vmem>>)
      %dma_start3A_403 = arith.constant 0 : i32
      %dma_start3A_404 = tpu.memref_slice %arg13[%add3A_395, %dma_start3A_403] : memref<125x80xi32, #tpu.memory_space<vmem>> -> memref<1x80xi32, #tpu.memory_space<vmem>>
      %dma_start3A_405 = tpu.memref_squeeze %dma_start3A_404 : memref<1x80xi32, #tpu.memory_space<vmem>> -> memref<80xi32, #tpu.memory_space<vmem>>
      %dma_start3A_406 = arith.constant 0 : i32
      %dma_start3A_407 = arith.constant 0 : i32
      %dma_start3A_408 = tpu.memref_slice %arg10[%dma_start3A_406, %dma_start3A_407] : memref<40960x64xbf16, #tpu.memory_space<vmem_shared>> -> memref<40960x64xbf16, #tpu.memory_space<vmem_shared>>
      tpu.enqueue_indirect_dma source(%arg14 : memref<80x64xbf16, #tpu.memory_space<vmem>>) target(%dma_start3A_408 : memref<40960x64xbf16, #tpu.memory_space<vmem_shared>>) offsets(%dma_start3A_405 : memref<80xi32, #tpu.memory_space<vmem>>) semaphore(%arg20 : memref<!tpu.dma_semaphore, #tpu.memory_space<semaphore_mem>>) {add = true}
      %dma_wait3A_409 = arith.constant 0 : i32
      %dma_wait3A_410 = arith.constant 0 : i32
      %dma_wait3A_411 = tpu.memref_slice %arg13[%dma_wait3A_409, %dma_wait3A_410] : memref<125x80xi32, #tpu.memory_space<vmem>> -> memref<1x80xi32, #tpu.memory_space<vmem>>
      %dma_wait3A_412 = tpu.memref_squeeze %dma_wait3A_411 : memref<1x80xi32, #tpu.memory_space<vmem>> -> memref<80xi32, #tpu.memory_space<vmem>>
      %dma_wait3A_413 = arith.constant 0 : i32
      %dma_wait3A_414 = arith.constant 0 : i32
      %dma_wait3A_415 = tpu.memref_slice %arg10[%dma_wait3A_413, %dma_wait3A_414] : memref<40960x64xbf16, #tpu.memory_space<vmem_shared>> -> memref<40960x64xbf16, #tpu.memory_space<vmem_shared>>
      tpu.wait_indirect_dma semaphore(%arg21 : memref<!tpu.dma_semaphore, #tpu.memory_space<semaphore_mem>>) src(%arg15 : memref<80x64xbf16, #tpu.memory_space<vmem>>) dst(%dma_wait3A_415 : memref<40960x64xbf16, #tpu.memory_space<vmem_shared>>)
      %add3A_416 = arith.constant 1 : i32
      %add3A_417 = arith.addi %add3A_395, %add3A_416 : i32
      %dma_start3A_418 = arith.constant 0 : i32
      %dma_start3A_419 = tpu.memref_slice %arg12[%add3A_417, %dma_start3A_418] : memref<125x80xi32, #tpu.memory_space<vmem>> -> memref<1x80xi32, #tpu.memory_space<vmem>>
      %dma_start3A_420 = tpu.memref_squeeze %dma_start3A_419 : memref<1x80xi32, #tpu.memory_space<vmem>> -> memref<80xi32, #tpu.memory_space<vmem>>
      %dma_start3A_421 = arith.constant 0 : i32
      %dma_start3A_422 = arith.constant 0 : i32
      %dma_start3A_423 = tpu.memref_slice %arg11[%dma_start3A_421, %dma_start3A_422] : memref<10000x64xbf16, #tpu.memory_space<vmem_shared>> -> memref<10000x64xbf16, #tpu.memory_space<vmem_shared>>
      tpu.enqueue_indirect_dma source(%dma_start3A_423 : memref<10000x64xbf16, #tpu.memory_space<vmem_shared>>) target(%arg15 : memref<80x64xbf16, #tpu.memory_space<vmem>>) offsets(%dma_start3A_420 : memref<80xi32, #tpu.memory_space<vmem>>) semaphore(%arg18 : memref<!tpu.dma_semaphore, #tpu.memory_space<semaphore_mem>>)
      %add3A_424 = arith.constant 2 : i32
      %add3A_425 = arith.addi %add3A_363, %add3A_424 : i32
      %dma_wait3A_426 = arith.constant 0 : i32
      %dma_wait3A_427 = arith.constant 0 : i32
      %dma_wait3A_428 = tpu.memref_slice %arg12[%dma_wait3A_426, %dma_wait3A_427] : memref<125x80xi32, #tpu.memory_space<vmem>> -> memref<1x80xi32, #tpu.memory_space<vmem>>
      %dma_wait3A_429 = tpu.memref_squeeze %dma_wait3A_428 : memref<1x80xi32, #tpu.memory_space<vmem>> -> memref<80xi32, #tpu.memory_space<vmem>>
      %dma_wait3A_430 = arith.constant 0 : i32
      %dma_wait3A_431 = arith.constant 0 : i32
      %dma_wait3A_432 = tpu.memref_slice %arg11[%dma_wait3A_430, %dma_wait3A_431] : memref<10000x64xbf16, #tpu.memory_space<vmem_shared>> -> memref<10000x64xbf16, #tpu.memory_space<vmem_shared>>
      tpu.wait_indirect_dma semaphore(%arg18 : memref<!tpu.dma_semaphore, #tpu.memory_space<semaphore_mem>>) src(%dma_wait3A_432 : memref<10000x64xbf16, #tpu.memory_space<vmem_shared>>) dst(%arg15 : memref<80x64xbf16, #tpu.memory_space<vmem>>)
      %dma_start3A_433 = arith.constant 0 : i32
      %dma_start3A_434 = tpu.memref_slice %arg13[%add3A_425, %dma_start3A_433] : memref<125x80xi32, #tpu.memory_space<vmem>> -> memref<1x80xi32, #tpu.memory_space<vmem>>
      %dma_start3A_435 = tpu.memref_squeeze %dma_start3A_434 : memref<1x80xi32, #tpu.memory_space<vmem>> -> memref<80xi32, #tpu.memory_space<vmem>>
      %dma_start3A_436 = arith.constant 0 : i32
      %dma_start3A_437 = arith.constant 0 : i32
      %dma_start3A_438 = tpu.memref_slice %arg10[%dma_start3A_436, %dma_start3A_437] : memref<40960x64xbf16, #tpu.memory_space<vmem_shared>> -> memref<40960x64xbf16, #tpu.memory_space<vmem_shared>>
      tpu.enqueue_indirect_dma source(%arg15 : memref<80x64xbf16, #tpu.memory_space<vmem>>) target(%dma_start3A_438 : memref<40960x64xbf16, #tpu.memory_space<vmem_shared>>) offsets(%dma_start3A_435 : memref<80xi32, #tpu.memory_space<vmem>>) semaphore(%arg21 : memref<!tpu.dma_semaphore, #tpu.memory_space<semaphore_mem>>) {add = true}
      %dma_wait3A_439 = arith.constant 0 : i32
      %dma_wait3A_440 = arith.constant 0 : i32
      %dma_wait3A_441 = tpu.memref_slice %arg13[%dma_wait3A_439, %dma_wait3A_440] : memref<125x80xi32, #tpu.memory_space<vmem>> -> memref<1x80xi32, #tpu.memory_space<vmem>>
      %dma_wait3A_442 = tpu.memref_squeeze %dma_wait3A_441 : memref<1x80xi32, #tpu.memory_space<vmem>> -> memref<80xi32, #tpu.memory_space<vmem>>
      %dma_wait3A_443 = arith.constant 0 : i32
      %dma_wait3A_444 = arith.constant 0 : i32
      %dma_wait3A_445 = tpu.memref_slice %arg10[%dma_wait3A_443, %dma_wait3A_444] : memref<40960x64xbf16, #tpu.memory_space<vmem_shared>> -> memref<40960x64xbf16, #tpu.memory_space<vmem_shared>>
      tpu.wait_indirect_dma semaphore(%arg22 : memref<!tpu.dma_semaphore, #tpu.memory_space<semaphore_mem>>) src(%arg16 : memref<80x64xbf16, #tpu.memory_space<vmem>>) dst(%dma_wait3A_445 : memref<40960x64xbf16, #tpu.memory_space<vmem_shared>>)
      %add3A_446 = arith.constant 1 : i32
      %add3A_447 = arith.addi %add3A_425, %add3A_446 : i32
      %dma_start3A_448 = arith.constant 0 : i32
      %dma_start3A_449 = tpu.memref_slice %arg12[%add3A_447, %dma_start3A_448] : memref<125x80xi32, #tpu.memory_space<vmem>> -> memref<1x80xi32, #tpu.memory_space<vmem>>
      %dma_start3A_450 = tpu.memref_squeeze %dma_start3A_449 : memref<1x80xi32, #tpu.memory_space<vmem>> -> memref<80xi32, #tpu.memory_space<vmem>>
      %dma_start3A_451 = arith.constant 0 : i32
      %dma_start3A_452 = arith.constant 0 : i32
      %dma_start3A_453 = tpu.memref_slice %arg11[%dma_start3A_451, %dma_start3A_452] : memref<10000x64xbf16, #tpu.memory_space<vmem_shared>> -> memref<10000x64xbf16, #tpu.memory_space<vmem_shared>>
      tpu.enqueue_indirect_dma source(%dma_start3A_453 : memref<10000x64xbf16, #tpu.memory_space<vmem_shared>>) target(%arg16 : memref<80x64xbf16, #tpu.memory_space<vmem>>) offsets(%dma_start3A_450 : memref<80xi32, #tpu.memory_space<vmem>>) semaphore(%arg19 : memref<!tpu.dma_semaphore, #tpu.memory_space<semaphore_mem>>)
    }
    %scan3A_62 = arith.constant 40 : i32
    %dma_wait3A_63 = arith.constant 0 : i32
    %dma_wait3A_64 = arith.constant 0 : i32
    %dma_wait3A_65 = tpu.memref_slice %arg12[%dma_wait3A_63, %dma_wait3A_64] : memref<125x80xi32, #tpu.memory_space<vmem>> -> memref<1x80xi32, #tpu.memory_space<vmem>>
    %dma_wait3A_66 = tpu.memref_squeeze %dma_wait3A_65 : memref<1x80xi32, #tpu.memory_space<vmem>> -> memref<80xi32, #tpu.memory_space<vmem>>
    %dma_wait3A_67 = arith.constant 0 : i32
    %dma_wait3A_68 = arith.constant 0 : i32
    %dma_wait3A_69 = tpu.memref_slice %arg11[%dma_wait3A_67, %dma_wait3A_68] : memref<10000x64xbf16, #tpu.memory_space<vmem_shared>> -> memref<10000x64xbf16, #tpu.memory_space<vmem_shared>>
    tpu.wait_indirect_dma semaphore(%arg19 : memref<!tpu.dma_semaphore, #tpu.memory_space<semaphore_mem>>) src(%dma_wait3A_69 : memref<10000x64xbf16, #tpu.memory_space<vmem_shared>>) dst(%arg16 : memref<80x64xbf16, #tpu.memory_space<vmem>>)
    %dma_wait3A_70 = arith.constant 0 : i32
    %dma_wait3A_71 = arith.constant 0 : i32
    %dma_wait3A_72 = tpu.memref_slice %arg13[%dma_wait3A_70, %dma_wait3A_71] : memref<125x80xi32, #tpu.memory_space<vmem>> -> memref<1x80xi32, #tpu.memory_space<vmem>>
    %dma_wait3A_73 = tpu.memref_squeeze %dma_wait3A_72 : memref<1x80xi32, #tpu.memory_space<vmem>> -> memref<80xi32, #tpu.memory_space<vmem>>
    %dma_wait3A_74 = arith.constant 0 : i32
    %dma_wait3A_75 = arith.constant 0 : i32
    %dma_wait3A_76 = tpu.memref_slice %arg10[%dma_wait3A_74, %dma_wait3A_75] : memref<40960x64xbf16, #tpu.memory_space<vmem_shared>> -> memref<40960x64xbf16, #tpu.memory_space<vmem_shared>>
    tpu.wait_indirect_dma semaphore(%arg20 : memref<!tpu.dma_semaphore, #tpu.memory_space<semaphore_mem>>) src(%arg14 : memref<80x64xbf16, #tpu.memory_space<vmem>>) dst(%dma_wait3A_76 : memref<40960x64xbf16, #tpu.memory_space<vmem_shared>>)
    %dma_start3A_77 = arith.constant 123 : i32
    %dma_start3A_78 = arith.constant 0 : i32
    %dma_start3A_79 = tpu.memref_slice %arg12[%dma_start3A_77, %dma_start3A_78] : memref<125x80xi32, #tpu.memory_space<vmem>> -> memref<1x80xi32, #tpu.memory_space<vmem>>
    %dma_start3A_80 = tpu.memref_squeeze %dma_start3A_79 : memref<1x80xi32, #tpu.memory_space<vmem>> -> memref<80xi32, #tpu.memory_space<vmem>>
    %dma_start3A_81 = arith.constant 0 : i32
    %dma_start3A_82 = arith.constant 0 : i32
    %dma_start3A_83 = tpu.memref_slice %arg11[%dma_start3A_81, %dma_start3A_82] : memref<10000x64xbf16, #tpu.memory_space<vmem_shared>> -> memref<10000x64xbf16, #tpu.memory_space<vmem_shared>>
    tpu.enqueue_indirect_dma source(%dma_start3A_83 : memref<10000x64xbf16, #tpu.memory_space<vmem_shared>>) target(%arg14 : memref<80x64xbf16, #tpu.memory_space<vmem>>) offsets(%dma_start3A_80 : memref<80xi32, #tpu.memory_space<vmem>>) semaphore(%arg17 : memref<!tpu.dma_semaphore, #tpu.memory_space<semaphore_mem>>)
    %dma_start3A_84 = arith.constant 122 : i32
    %dma_start3A_85 = arith.constant 0 : i32
    %dma_start3A_86 = tpu.memref_slice %arg13[%dma_start3A_84, %dma_start3A_85] : memref<125x80xi32, #tpu.memory_space<vmem>> -> memref<1x80xi32, #tpu.memory_space<vmem>>
    %dma_start3A_87 = tpu.memref_squeeze %dma_start3A_86 : memref<1x80xi32, #tpu.memory_space<vmem>> -> memref<80xi32, #tpu.memory_space<vmem>>
    %dma_start3A_88 = arith.constant 0 : i32
    %dma_start3A_89 = arith.constant 0 : i32
    %dma_start3A_90 = tpu.memref_slice %arg10[%dma_start3A_88, %dma_start3A_89] : memref<40960x64xbf16, #tpu.memory_space<vmem_shared>> -> memref<40960x64xbf16, #tpu.memory_space<vmem_shared>>
    tpu.enqueue_indirect_dma source(%arg16 : memref<80x64xbf16, #tpu.memory_space<vmem>>) target(%dma_start3A_90 : memref<40960x64xbf16, #tpu.memory_space<vmem_shared>>) offsets(%dma_start3A_87 : memref<80xi32, #tpu.memory_space<vmem>>) semaphore(%arg22 : memref<!tpu.dma_semaphore, #tpu.memory_space<semaphore_mem>>) {add = true}
    %dma_wait3A_91 = arith.constant 0 : i32
    %dma_wait3A_92 = arith.constant 0 : i32
    %dma_wait3A_93 = tpu.memref_slice %arg12[%dma_wait3A_91, %dma_wait3A_92] : memref<125x80xi32, #tpu.memory_space<vmem>> -> memref<1x80xi32, #tpu.memory_space<vmem>>
    %dma_wait3A_94 = tpu.memref_squeeze %dma_wait3A_93 : memref<1x80xi32, #tpu.memory_space<vmem>> -> memref<80xi32, #tpu.memory_space<vmem>>
    %dma_wait3A_95 = arith.constant 0 : i32
    %dma_wait3A_96 = arith.constant 0 : i32
    %dma_wait3A_97 = tpu.memref_slice %arg11[%dma_wait3A_95, %dma_wait3A_96] : memref<10000x64xbf16, #tpu.memory_space<vmem_shared>> -> memref<10000x64xbf16, #tpu.memory_space<vmem_shared>>
    tpu.wait_indirect_dma semaphore(%arg17 : memref<!tpu.dma_semaphore, #tpu.memory_space<semaphore_mem>>) src(%dma_wait3A_97 : memref<10000x64xbf16, #tpu.memory_space<vmem_shared>>) dst(%arg14 : memref<80x64xbf16, #tpu.memory_space<vmem>>)
    %dma_wait3A_98 = arith.constant 0 : i32
    %dma_wait3A_99 = arith.constant 0 : i32
    %dma_wait3A_100 = tpu.memref_slice %arg13[%dma_wait3A_98, %dma_wait3A_99] : memref<125x80xi32, #tpu.memory_space<vmem>> -> memref<1x80xi32, #tpu.memory_space<vmem>>
    %dma_wait3A_101 = tpu.memref_squeeze %dma_wait3A_100 : memref<1x80xi32, #tpu.memory_space<vmem>> -> memref<80xi32, #tpu.memory_space<vmem>>
    %dma_wait3A_102 = arith.constant 0 : i32
    %dma_wait3A_103 = arith.constant 0 : i32
    %dma_wait3A_104 = tpu.memref_slice %arg10[%dma_wait3A_102, %dma_wait3A_103] : memref<40960x64xbf16, #tpu.memory_space<vmem_shared>> -> memref<40960x64xbf16, #tpu.memory_space<vmem_shared>>
    tpu.wait_indirect_dma semaphore(%arg21 : memref<!tpu.dma_semaphore, #tpu.memory_space<semaphore_mem>>) src(%arg15 : memref<80x64xbf16, #tpu.memory_space<vmem>>) dst(%dma_wait3A_104 : memref<40960x64xbf16, #tpu.memory_space<vmem_shared>>)
    %dma_start3A_105 = arith.constant 124 : i32
    %dma_start3A_106 = arith.constant 0 : i32
    %dma_start3A_107 = tpu.memref_slice %arg12[%dma_start3A_105, %dma_start3A_106] : memref<125x80xi32, #tpu.memory_space<vmem>> -> memref<1x80xi32, #tpu.memory_space<vmem>>
    %dma_start3A_108 = tpu.memref_squeeze %dma_start3A_107 : memref<1x80xi32, #tpu.memory_space<vmem>> -> memref<80xi32, #tpu.memory_space<vmem>>
    %dma_start3A_109 = arith.constant 0 : i32
    %dma_start3A_110 = arith.constant 0 : i32
    %dma_start3A_111 = tpu.memref_slice %arg11[%dma_start3A_109, %dma_start3A_110] : memref<10000x64xbf16, #tpu.memory_space<vmem_shared>> -> memref<10000x64xbf16, #tpu.memory_space<vmem_shared>>
    tpu.enqueue_indirect_dma source(%dma_start3A_111 : memref<10000x64xbf16, #tpu.memory_space<vmem_shared>>) target(%arg15 : memref<80x64xbf16, #tpu.memory_space<vmem>>) offsets(%dma_start3A_108 : memref<80xi32, #tpu.memory_space<vmem>>) semaphore(%arg18 : memref<!tpu.dma_semaphore, #tpu.memory_space<semaphore_mem>>)
    %dma_start3A_112 = arith.constant 123 : i32
    %dma_start3A_113 = arith.constant 0 : i32
    %dma_start3A_114 = tpu.memref_slice %arg13[%dma_start3A_112, %dma_start3A_113] : memref<125x80xi32, #tpu.memory_space<vmem>> -> memref<1x80xi32, #tpu.memory_space<vmem>>
    %dma_start3A_115 = tpu.memref_squeeze %dma_start3A_114 : memref<1x80xi32, #tpu.memory_space<vmem>> -> memref<80xi32, #tpu.memory_space<vmem>>
    %dma_start3A_116 = arith.constant 0 : i32
    %dma_start3A_117 = arith.constant 0 : i32
    %dma_start3A_118 = tpu.memref_slice %arg10[%dma_start3A_116, %dma_start3A_117] : memref<40960x64xbf16, #tpu.memory_space<vmem_shared>> -> memref<40960x64xbf16, #tpu.memory_space<vmem_shared>>
    tpu.enqueue_indirect_dma source(%arg14 : memref<80x64xbf16, #tpu.memory_space<vmem>>) target(%dma_start3A_118 : memref<40960x64xbf16, #tpu.memory_space<vmem_shared>>) offsets(%dma_start3A_115 : memref<80xi32, #tpu.memory_space<vmem>>) semaphore(%arg20 : memref<!tpu.dma_semaphore, #tpu.memory_space<semaphore_mem>>) {add = true}
    %dma_wait3A_119 = arith.constant 0 : i32
    %dma_wait3A_120 = arith.constant 0 : i32
    %dma_wait3A_121 = tpu.memref_slice %arg12[%dma_wait3A_119, %dma_wait3A_120] : memref<125x80xi32, #tpu.memory_space<vmem>> -> memref<1x80xi32, #tpu.memory_space<vmem>>
    %dma_wait3A_122 = tpu.memref_squeeze %dma_wait3A_121 : memref<1x80xi32, #tpu.memory_space<vmem>> -> memref<80xi32, #tpu.memory_space<vmem>>
    %dma_wait3A_123 = arith.constant 0 : i32
    %dma_wait3A_124 = arith.constant 0 : i32
    %dma_wait3A_125 = tpu.memref_slice %arg11[%dma_wait3A_123, %dma_wait3A_124] : memref<10000x64xbf16, #tpu.memory_space<vmem_shared>> -> memref<10000x64xbf16, #tpu.memory_space<vmem_shared>>
    tpu.wait_indirect_dma semaphore(%arg18 : memref<!tpu.dma_semaphore, #tpu.memory_space<semaphore_mem>>) src(%dma_wait3A_125 : memref<10000x64xbf16, #tpu.memory_space<vmem_shared>>) dst(%arg15 : memref<80x64xbf16, #tpu.memory_space<vmem>>)
    %dma_start3A_126 = arith.constant 124 : i32
    %dma_start3A_127 = arith.constant 0 : i32
    %dma_start3A_128 = tpu.memref_slice %arg13[%dma_start3A_126, %dma_start3A_127] : memref<125x80xi32, #tpu.memory_space<vmem>> -> memref<1x80xi32, #tpu.memory_space<vmem>>
    %dma_start3A_129 = tpu.memref_squeeze %dma_start3A_128 : memref<1x80xi32, #tpu.memory_space<vmem>> -> memref<80xi32, #tpu.memory_space<vmem>>
    %dma_start3A_130 = arith.constant 0 : i32
    %dma_start3A_131 = arith.constant 0 : i32
    %dma_start3A_132 = tpu.memref_slice %arg10[%dma_start3A_130, %dma_start3A_131] : memref<40960x64xbf16, #tpu.memory_space<vmem_shared>> -> memref<40960x64xbf16, #tpu.memory_space<vmem_shared>>
    tpu.enqueue_indirect_dma source(%arg15 : memref<80x64xbf16, #tpu.memory_space<vmem>>) target(%dma_start3A_132 : memref<40960x64xbf16, #tpu.memory_space<vmem_shared>>) offsets(%dma_start3A_129 : memref<80xi32, #tpu.memory_space<vmem>>) semaphore(%arg21 : memref<!tpu.dma_semaphore, #tpu.memory_space<semaphore_mem>>) {add = true}
    %dma_wait3A_133 = arith.constant 0 : i32
    %dma_wait3A_134 = arith.constant 0 : i32
    %dma_wait3A_135 = tpu.memref_slice %arg13[%dma_wait3A_133, %dma_wait3A_134] : memref<125x80xi32, #tpu.memory_space<vmem>> -> memref<1x80xi32, #tpu.memory_space<vmem>>
    %dma_wait3A_136 = tpu.memref_squeeze %dma_wait3A_135 : memref<1x80xi32, #tpu.memory_space<vmem>> -> memref<80xi32, #tpu.memory_space<vmem>>
    %dma_wait3A_137 = arith.constant 0 : i32
    %dma_wait3A_138 = arith.constant 0 : i32
    %dma_wait3A_139 = tpu.memref_slice %arg10[%dma_wait3A_137, %dma_wait3A_138] : memref<40960x64xbf16, #tpu.memory_space<vmem_shared>> -> memref<40960x64xbf16, #tpu.memory_space<vmem_shared>>
    tpu.wait_indirect_dma semaphore(%arg20 : memref<!tpu.dma_semaphore, #tpu.memory_space<semaphore_mem>>) src(%arg14 : memref<80x64xbf16, #tpu.memory_space<vmem>>) dst(%dma_wait3A_139 : memref<40960x64xbf16, #tpu.memory_space<vmem_shared>>)
    %dma_wait3A_140 = arith.constant 0 : i32
    %dma_wait3A_141 = arith.constant 0 : i32
    %dma_wait3A_142 = tpu.memref_slice %arg13[%dma_wait3A_140, %dma_wait3A_141] : memref<125x80xi32, #tpu.memory_space<vmem>> -> memref<1x80xi32, #tpu.memory_space<vmem>>
    %dma_wait3A_143 = tpu.memref_squeeze %dma_wait3A_142 : memref<1x80xi32, #tpu.memory_space<vmem>> -> memref<80xi32, #tpu.memory_space<vmem>>
    %dma_wait3A_144 = arith.constant 0 : i32
    %dma_wait3A_145 = arith.constant 0 : i32
    %dma_wait3A_146 = tpu.memref_slice %arg10[%dma_wait3A_144, %dma_wait3A_145] : memref<40960x64xbf16, #tpu.memory_space<vmem_shared>> -> memref<40960x64xbf16, #tpu.memory_space<vmem_shared>>
    tpu.wait_indirect_dma semaphore(%arg21 : memref<!tpu.dma_semaphore, #tpu.memory_space<semaphore_mem>>) src(%arg15 : memref<80x64xbf16, #tpu.memory_space<vmem>>) dst(%dma_wait3A_146 : memref<40960x64xbf16, #tpu.memory_space<vmem_shared>>)
    %dma_wait3A_147 = arith.constant 0 : i32
    %dma_wait3A_148 = arith.constant 0 : i32
    %dma_wait3A_149 = tpu.memref_slice %arg13[%dma_wait3A_147, %dma_wait3A_148] : memref<125x80xi32, #tpu.memory_space<vmem>> -> memref<1x80xi32, #tpu.memory_space<vmem>>
    %dma_wait3A_150 = tpu.memref_squeeze %dma_wait3A_149 : memref<1x80xi32, #tpu.memory_space<vmem>> -> memref<80xi32, #tpu.memory_space<vmem>>
    %dma_wait3A_151 = arith.constant 0 : i32
    %dma_wait3A_152 = arith.constant 0 : i32
    %dma_wait3A_153 = tpu.memref_slice %arg10[%dma_wait3A_151, %dma_wait3A_152] : memref<40960x64xbf16, #tpu.memory_space<vmem_shared>> -> memref<40960x64xbf16, #tpu.memory_space<vmem_shared>>
    tpu.wait_indirect_dma semaphore(%arg22 : memref<!tpu.dma_semaphore, #tpu.memory_space<semaphore_mem>>) src(%arg16 : memref<80x64xbf16, #tpu.memory_space<vmem>>) dst(%dma_wait3A_153 : memref<40960x64xbf16, #tpu.memory_space<vmem_shared>>)
    %barrier3A_154 = arith.constant 0 : index
    tpu.barrier barrier_id(%barrier3A_154)
    "tpu.region"() ({
      %run_scoped3A = tpu.sem_alloc : memref<!tpu.dma_semaphore, #tpu.memory_space<semaphore_mem>>
      %dma_start3A_355 = arith.constant 0 : i32
      %dma_start3A_356 = tpu.memref_slice %arg8[%arg0, %mul3A_2, %dma_start3A_355] : memref<2x40960x128xbf16, #tpu.memory_space<hbm>> -> memref<1x2560x64xbf16, #tpu.memory_space<hbm>>
      %dma_start3A_357 = tpu.memref_squeeze %dma_start3A_356 : memref<1x2560x64xbf16, #tpu.memory_space<hbm>> -> memref<2560x64xbf16, #tpu.memory_space<hbm>>
      %dma_start3A_358 = arith.constant 0 : i32
      %dma_start3A_359 = tpu.memref_slice %arg10[%mul3A_2, %dma_start3A_358] : memref<40960x64xbf16, #tpu.memory_space<vmem_shared>> -> memref<2560x64xbf16, #tpu.memory_space<vmem_shared>>
      tpu.enqueue_dma source(%dma_start3A_359 : memref<2560x64xbf16, #tpu.memory_space<vmem_shared>>) target(%dma_start3A_357 : memref<2560x64xbf16, #tpu.memory_space<hbm>>) target_semaphore(%run_scoped3A : memref<!tpu.dma_semaphore, #tpu.memory_space<semaphore_mem>>)
      %dma_wait3A_360 = arith.constant 0 : i32
      %dma_wait3A_361 = tpu.memref_slice %arg8[%arg0, %mul3A_2, %dma_wait3A_360] : memref<2x40960x128xbf16, #tpu.memory_space<hbm>> -> memref<1x2560x64xbf16, #tpu.memory_space<hbm>>
      %dma_wait3A_362 = tpu.memref_squeeze %dma_wait3A_361 : memref<1x2560x64xbf16, #tpu.memory_space<hbm>> -> memref<2560x64xbf16, #tpu.memory_space<hbm>>
      %dma_wait3A_363 = arith.constant 0 : i32
      %dma_wait3A_364 = tpu.memref_slice %arg10[%mul3A_2, %dma_wait3A_363] : memref<40960x64xbf16, #tpu.memory_space<vmem_shared>> -> memref<2560x64xbf16, #tpu.memory_space<vmem_shared>>
      tpu.wait_dma2 semaphore(%run_scoped3A : memref<!tpu.dma_semaphore, #tpu.memory_space<semaphore_mem>>) src(%dma_wait3A_364 : memref<2560x64xbf16, #tpu.memory_space<vmem_shared>>) dst(%dma_wait3A_362 : memref<2560x64xbf16, #tpu.memory_space<hbm>>)
      tpu.yield
    }) : () -> ()
    "tpu.region"() ({
      %run_scoped3A = tpu.sem_alloc : memref<!tpu.dma_semaphore, #tpu.memory_space<semaphore_mem>>
      %dma_start3A_355 = arith.constant 0 : i32
      %dma_start3A_356 = tpu.memref_slice %arg10[%mul3A_2, %dma_start3A_355] : memref<40960x64xbf16, #tpu.memory_space<vmem_shared>> -> memref<2560x64xbf16, #tpu.memory_space<vmem_shared>>
      tpu.enqueue_dma source(%arg7 : memref<2560x64xbf16, #tpu.memory_space<hbm>>) target(%dma_start3A_356 : memref<2560x64xbf16, #tpu.memory_space<vmem_shared>>) target_semaphore(%run_scoped3A : memref<!tpu.dma_semaphore, #tpu.memory_space<semaphore_mem>>)
      %dma_wait3A_357 = arith.constant 0 : i32
      %dma_wait3A_358 = tpu.memref_slice %arg10[%mul3A_2, %dma_wait3A_357] : memref<40960x64xbf16, #tpu.memory_space<vmem_shared>> -> memref<2560x64xbf16, #tpu.memory_space<vmem_shared>>
      tpu.wait_dma2 semaphore(%run_scoped3A : memref<!tpu.dma_semaphore, #tpu.memory_space<semaphore_mem>>) src(%arg7 : memref<2560x64xbf16, #tpu.memory_space<hbm>>) dst(%dma_wait3A_358 : memref<2560x64xbf16, #tpu.memory_space<vmem_shared>>)
      tpu.yield
    }) : () -> ()
    %mul3A_155 = arith.constant 625 : i32
    %mul3A_156 = arith.muli %arg1, %mul3A_155 : i32
    %mul3A_157 = arith.constant 625 : i32
    %mul3A_158 = arith.muli %arg1, %mul3A_157 : i32
    "tpu.region"() ({
      %run_scoped3A = tpu.sem_alloc : memref<!tpu.dma_semaphore, #tpu.memory_space<semaphore_mem>>
      %dma_start3A_355 = arith.constant 0 : i32
      %dma_start3A_356 = tpu.memref_slice %arg11[%mul3A_158, %dma_start3A_355] : memref<10000x64xbf16, #tpu.memory_space<vmem_shared>> -> memref<625x64xbf16, #tpu.memory_space<vmem_shared>>
      %dma_start3A_357 = arith.constant 64 : i32
      %dma_start3A_358 = tpu.memref_slice %arg2[%mul3A_156, %dma_start3A_357] : memref<10000x128xbf16, #tpu.memory_space<hbm>> -> memref<625x64xbf16, #tpu.memory_space<hbm>>
      tpu.enqueue_dma source(%dma_start3A_358 : memref<625x64xbf16, #tpu.memory_space<hbm>>) target(%dma_start3A_356 : memref<625x64xbf16, #tpu.memory_space<vmem_shared>>) target_semaphore(%run_scoped3A : memref<!tpu.dma_semaphore, #tpu.memory_space<semaphore_mem>>)
      %dma_wait3A_359 = arith.constant 0 : i32
      %dma_wait3A_360 = tpu.memref_slice %arg11[%mul3A_158, %dma_wait3A_359] : memref<10000x64xbf16, #tpu.memory_space<vmem_shared>> -> memref<625x64xbf16, #tpu.memory_space<vmem_shared>>
      %dma_wait3A_361 = arith.constant 64 : i32
      %dma_wait3A_362 = tpu.memref_slice %arg2[%mul3A_156, %dma_wait3A_361] : memref<10000x128xbf16, #tpu.memory_space<hbm>> -> memref<625x64xbf16, #tpu.memory_space<hbm>>
      tpu.wait_dma2 semaphore(%run_scoped3A : memref<!tpu.dma_semaphore, #tpu.memory_space<semaphore_mem>>) src(%dma_wait3A_362 : memref<625x64xbf16, #tpu.memory_space<hbm>>) dst(%dma_wait3A_360 : memref<625x64xbf16, #tpu.memory_space<vmem_shared>>)
      tpu.yield
    }) : () -> ()
    %barrier3A_159 = arith.constant 0 : index
    tpu.barrier barrier_id(%barrier3A_159)
    %dma_start3A_160 = arith.constant 0 : i32
    %dma_start3A_161 = arith.constant 0 : i32
    %dma_start3A_162 = tpu.memref_slice %arg12[%dma_start3A_160, %dma_start3A_161] : memref<125x80xi32, #tpu.memory_space<vmem>> -> memref<1x80xi32, #tpu.memory_space<vmem>>
    %dma_start3A_163 = tpu.memref_squeeze %dma_start3A_162 : memref<1x80xi32, #tpu.memory_space<vmem>> -> memref<80xi32, #tpu.memory_space<vmem>>
    %dma_start3A_164 = arith.constant 0 : i32
    %dma_start3A_165 = arith.constant 0 : i32
    %dma_start3A_166 = tpu.memref_slice %arg11[%dma_start3A_164, %dma_start3A_165] : memref<10000x64xbf16, #tpu.memory_space<vmem_shared>> -> memref<10000x64xbf16, #tpu.memory_space<vmem_shared>>
    tpu.enqueue_indirect_dma source(%dma_start3A_166 : memref<10000x64xbf16, #tpu.memory_space<vmem_shared>>) target(%arg14 : memref<80x64xbf16, #tpu.memory_space<vmem>>) offsets(%dma_start3A_163 : memref<80xi32, #tpu.memory_space<vmem>>) semaphore(%arg17 : memref<!tpu.dma_semaphore, #tpu.memory_space<semaphore_mem>>)
    %dma_wait3A_167 = arith.constant 0 : i32
    %dma_wait3A_168 = arith.constant 0 : i32
    %dma_wait3A_169 = tpu.memref_slice %arg12[%dma_wait3A_167, %dma_wait3A_168] : memref<125x80xi32, #tpu.memory_space<vmem>> -> memref<1x80xi32, #tpu.memory_space<vmem>>
    %dma_wait3A_170 = tpu.memref_squeeze %dma_wait3A_169 : memref<1x80xi32, #tpu.memory_space<vmem>> -> memref<80xi32, #tpu.memory_space<vmem>>
    %dma_wait3A_171 = arith.constant 0 : i32
    %dma_wait3A_172 = arith.constant 0 : i32
    %dma_wait3A_173 = tpu.memref_slice %arg11[%dma_wait3A_171, %dma_wait3A_172] : memref<10000x64xbf16, #tpu.memory_space<vmem_shared>> -> memref<10000x64xbf16, #tpu.memory_space<vmem_shared>>
    tpu.wait_indirect_dma semaphore(%arg17 : memref<!tpu.dma_semaphore, #tpu.memory_space<semaphore_mem>>) src(%dma_wait3A_173 : memref<10000x64xbf16, #tpu.memory_space<vmem_shared>>) dst(%arg14 : memref<80x64xbf16, #tpu.memory_space<vmem>>)
    %dma_start3A_174 = arith.constant 0 : i32
    %dma_start3A_175 = arith.constant 0 : i32
    %dma_start3A_176 = tpu.memref_slice %arg13[%dma_start3A_174, %dma_start3A_175] : memref<125x80xi32, #tpu.memory_space<vmem>> -> memref<1x80xi32, #tpu.memory_space<vmem>>
    %dma_start3A_177 = tpu.memref_squeeze %dma_start3A_176 : memref<1x80xi32, #tpu.memory_space<vmem>> -> memref<80xi32, #tpu.memory_space<vmem>>
    %dma_start3A_178 = arith.constant 0 : i32
    %dma_start3A_179 = arith.constant 0 : i32
    %dma_start3A_180 = tpu.memref_slice %arg10[%dma_start3A_178, %dma_start3A_179] : memref<40960x64xbf16, #tpu.memory_space<vmem_shared>> -> memref<40960x64xbf16, #tpu.memory_space<vmem_shared>>
    tpu.enqueue_indirect_dma source(%arg14 : memref<80x64xbf16, #tpu.memory_space<vmem>>) target(%dma_start3A_180 : memref<40960x64xbf16, #tpu.memory_space<vmem_shared>>) offsets(%dma_start3A_177 : memref<80xi32, #tpu.memory_space<vmem>>) semaphore(%arg20 : memref<!tpu.dma_semaphore, #tpu.memory_space<semaphore_mem>>) {add = true}
    %dma_start3A_181 = arith.constant 1 : i32
    %dma_start3A_182 = arith.constant 0 : i32
    %dma_start3A_183 = tpu.memref_slice %arg12[%dma_start3A_181, %dma_start3A_182] : memref<125x80xi32, #tpu.memory_space<vmem>> -> memref<1x80xi32, #tpu.memory_space<vmem>>
    %dma_start3A_184 = tpu.memref_squeeze %dma_start3A_183 : memref<1x80xi32, #tpu.memory_space<vmem>> -> memref<80xi32, #tpu.memory_space<vmem>>
    %dma_start3A_185 = arith.constant 0 : i32
    %dma_start3A_186 = arith.constant 0 : i32
    %dma_start3A_187 = tpu.memref_slice %arg11[%dma_start3A_185, %dma_start3A_186] : memref<10000x64xbf16, #tpu.memory_space<vmem_shared>> -> memref<10000x64xbf16, #tpu.memory_space<vmem_shared>>
    tpu.enqueue_indirect_dma source(%dma_start3A_187 : memref<10000x64xbf16, #tpu.memory_space<vmem_shared>>) target(%arg15 : memref<80x64xbf16, #tpu.memory_space<vmem>>) offsets(%dma_start3A_184 : memref<80xi32, #tpu.memory_space<vmem>>) semaphore(%arg18 : memref<!tpu.dma_semaphore, #tpu.memory_space<semaphore_mem>>)
    %dma_wait3A_188 = arith.constant 0 : i32
    %dma_wait3A_189 = arith.constant 0 : i32
    %dma_wait3A_190 = tpu.memref_slice %arg12[%dma_wait3A_188, %dma_wait3A_189] : memref<125x80xi32, #tpu.memory_space<vmem>> -> memref<1x80xi32, #tpu.memory_space<vmem>>
    %dma_wait3A_191 = tpu.memref_squeeze %dma_wait3A_190 : memref<1x80xi32, #tpu.memory_space<vmem>> -> memref<80xi32, #tpu.memory_space<vmem>>
    %dma_wait3A_192 = arith.constant 0 : i32
    %dma_wait3A_193 = arith.constant 0 : i32
    %dma_wait3A_194 = tpu.memref_slice %arg11[%dma_wait3A_192, %dma_wait3A_193] : memref<10000x64xbf16, #tpu.memory_space<vmem_shared>> -> memref<10000x64xbf16, #tpu.memory_space<vmem_shared>>
    tpu.wait_indirect_dma semaphore(%arg18 : memref<!tpu.dma_semaphore, #tpu.memory_space<semaphore_mem>>) src(%dma_wait3A_194 : memref<10000x64xbf16, #tpu.memory_space<vmem_shared>>) dst(%arg15 : memref<80x64xbf16, #tpu.memory_space<vmem>>)
    %dma_start3A_195 = arith.constant 1 : i32
    %dma_start3A_196 = arith.constant 0 : i32
    %dma_start3A_197 = tpu.memref_slice %arg13[%dma_start3A_195, %dma_start3A_196] : memref<125x80xi32, #tpu.memory_space<vmem>> -> memref<1x80xi32, #tpu.memory_space<vmem>>
    %dma_start3A_198 = tpu.memref_squeeze %dma_start3A_197 : memref<1x80xi32, #tpu.memory_space<vmem>> -> memref<80xi32, #tpu.memory_space<vmem>>
    %dma_start3A_199 = arith.constant 0 : i32
    %dma_start3A_200 = arith.constant 0 : i32
    %dma_start3A_201 = tpu.memref_slice %arg10[%dma_start3A_199, %dma_start3A_200] : memref<40960x64xbf16, #tpu.memory_space<vmem_shared>> -> memref<40960x64xbf16, #tpu.memory_space<vmem_shared>>
    tpu.enqueue_indirect_dma source(%arg15 : memref<80x64xbf16, #tpu.memory_space<vmem>>) target(%dma_start3A_201 : memref<40960x64xbf16, #tpu.memory_space<vmem_shared>>) offsets(%dma_start3A_198 : memref<80xi32, #tpu.memory_space<vmem>>) semaphore(%arg21 : memref<!tpu.dma_semaphore, #tpu.memory_space<semaphore_mem>>) {add = true}
    %dma_start3A_202 = arith.constant 2 : i32
    %dma_start3A_203 = arith.constant 0 : i32
    %dma_start3A_204 = tpu.memref_slice %arg12[%dma_start3A_202, %dma_start3A_203] : memref<125x80xi32, #tpu.memory_space<vmem>> -> memref<1x80xi32, #tpu.memory_space<vmem>>
    %dma_start3A_205 = tpu.memref_squeeze %dma_start3A_204 : memref<1x80xi32, #tpu.memory_space<vmem>> -> memref<80xi32, #tpu.memory_space<vmem>>
    %dma_start3A_206 = arith.constant 0 : i32
    %dma_start3A_207 = arith.constant 0 : i32
    %dma_start3A_208 = tpu.memref_slice %arg11[%dma_start3A_206, %dma_start3A_207] : memref<10000x64xbf16, #tpu.memory_space<vmem_shared>> -> memref<10000x64xbf16, #tpu.memory_space<vmem_shared>>
    tpu.enqueue_indirect_dma source(%dma_start3A_208 : memref<10000x64xbf16, #tpu.memory_space<vmem_shared>>) target(%arg16 : memref<80x64xbf16, #tpu.memory_space<vmem>>) offsets(%dma_start3A_205 : memref<80xi32, #tpu.memory_space<vmem>>) semaphore(%arg19 : memref<!tpu.dma_semaphore, #tpu.memory_space<semaphore_mem>>)
    %scan3A_209 = arith.constant 0 : i32
    %scan3A_210 = arith.constant 40 : i32
    %scan3A_211 = arith.addi %scan3A_209, %scan3A_210 : i32
    %scan3A_212 = arith.constant 1 : i32
    scf.for %scan3A_355 = %scan3A_209 to %scan3A_211 step %scan3A_212  : i32 {
      %mul3A_356 = arith.constant 1 : i32
      %mul3A_357 = arith.muli %scan3A_355, %mul3A_356 : i32
      %add3A_358 = arith.constant 0 : i32
      %add3A_359 = arith.addi %add3A_358, %mul3A_357 : i32
      %mul3A_360 = arith.constant 3 : i32
      %mul3A_361 = arith.muli %add3A_359, %mul3A_360 : i32
      %add3A_362 = arith.constant 2 : i32
      %add3A_363 = arith.addi %add3A_362, %mul3A_361 : i32
      %add3A_364 = arith.constant 0 : i32
      %add3A_365 = arith.addi %add3A_363, %add3A_364 : i32
      %dma_wait3A_366 = arith.constant 0 : i32
      %dma_wait3A_367 = arith.constant 0 : i32
      %dma_wait3A_368 = tpu.memref_slice %arg12[%dma_wait3A_366, %dma_wait3A_367] : memref<125x80xi32, #tpu.memory_space<vmem>> -> memref<1x80xi32, #tpu.memory_space<vmem>>
      %dma_wait3A_369 = tpu.memref_squeeze %dma_wait3A_368 : memref<1x80xi32, #tpu.memory_space<vmem>> -> memref<80xi32, #tpu.memory_space<vmem>>
      %dma_wait3A_370 = arith.constant 0 : i32
      %dma_wait3A_371 = arith.constant 0 : i32
      %dma_wait3A_372 = tpu.memref_slice %arg11[%dma_wait3A_370, %dma_wait3A_371] : memref<10000x64xbf16, #tpu.memory_space<vmem_shared>> -> memref<10000x64xbf16, #tpu.memory_space<vmem_shared>>
      tpu.wait_indirect_dma semaphore(%arg19 : memref<!tpu.dma_semaphore, #tpu.memory_space<semaphore_mem>>) src(%dma_wait3A_372 : memref<10000x64xbf16, #tpu.memory_space<vmem_shared>>) dst(%arg16 : memref<80x64xbf16, #tpu.memory_space<vmem>>)
      %dma_start3A_373 = arith.constant 0 : i32
      %dma_start3A_374 = tpu.memref_slice %arg13[%add3A_365, %dma_start3A_373] : memref<125x80xi32, #tpu.memory_space<vmem>> -> memref<1x80xi32, #tpu.memory_space<vmem>>
      %dma_start3A_375 = tpu.memref_squeeze %dma_start3A_374 : memref<1x80xi32, #tpu.memory_space<vmem>> -> memref<80xi32, #tpu.memory_space<vmem>>
      %dma_start3A_376 = arith.constant 0 : i32
      %dma_start3A_377 = arith.constant 0 : i32
      %dma_start3A_378 = tpu.memref_slice %arg10[%dma_start3A_376, %dma_start3A_377] : memref<40960x64xbf16, #tpu.memory_space<vmem_shared>> -> memref<40960x64xbf16, #tpu.memory_space<vmem_shared>>
      tpu.enqueue_indirect_dma source(%arg16 : memref<80x64xbf16, #tpu.memory_space<vmem>>) target(%dma_start3A_378 : memref<40960x64xbf16, #tpu.memory_space<vmem_shared>>) offsets(%dma_start3A_375 : memref<80xi32, #tpu.memory_space<vmem>>) semaphore(%arg22 : memref<!tpu.dma_semaphore, #tpu.memory_space<semaphore_mem>>) {add = true}
      %dma_wait3A_379 = arith.constant 0 : i32
      %dma_wait3A_380 = arith.constant 0 : i32
      %dma_wait3A_381 = tpu.memref_slice %arg13[%dma_wait3A_379, %dma_wait3A_380] : memref<125x80xi32, #tpu.memory_space<vmem>> -> memref<1x80xi32, #tpu.memory_space<vmem>>
      %dma_wait3A_382 = tpu.memref_squeeze %dma_wait3A_381 : memref<1x80xi32, #tpu.memory_space<vmem>> -> memref<80xi32, #tpu.memory_space<vmem>>
      %dma_wait3A_383 = arith.constant 0 : i32
      %dma_wait3A_384 = arith.constant 0 : i32
      %dma_wait3A_385 = tpu.memref_slice %arg10[%dma_wait3A_383, %dma_wait3A_384] : memref<40960x64xbf16, #tpu.memory_space<vmem_shared>> -> memref<40960x64xbf16, #tpu.memory_space<vmem_shared>>
      tpu.wait_indirect_dma semaphore(%arg20 : memref<!tpu.dma_semaphore, #tpu.memory_space<semaphore_mem>>) src(%arg14 : memref<80x64xbf16, #tpu.memory_space<vmem>>) dst(%dma_wait3A_385 : memref<40960x64xbf16, #tpu.memory_space<vmem_shared>>)
      %add3A_386 = arith.constant 1 : i32
      %add3A_387 = arith.addi %add3A_365, %add3A_386 : i32
      %dma_start3A_388 = arith.constant 0 : i32
      %dma_start3A_389 = tpu.memref_slice %arg12[%add3A_387, %dma_start3A_388] : memref<125x80xi32, #tpu.memory_space<vmem>> -> memref<1x80xi32, #tpu.memory_space<vmem>>
      %dma_start3A_390 = tpu.memref_squeeze %dma_start3A_389 : memref<1x80xi32, #tpu.memory_space<vmem>> -> memref<80xi32, #tpu.memory_space<vmem>>
      %dma_start3A_391 = arith.constant 0 : i32
      %dma_start3A_392 = arith.constant 0 : i32
      %dma_start3A_393 = tpu.memref_slice %arg11[%dma_start3A_391, %dma_start3A_392] : memref<10000x64xbf16, #tpu.memory_space<vmem_shared>> -> memref<10000x64xbf16, #tpu.memory_space<vmem_shared>>
      tpu.enqueue_indirect_dma source(%dma_start3A_393 : memref<10000x64xbf16, #tpu.memory_space<vmem_shared>>) target(%arg14 : memref<80x64xbf16, #tpu.memory_space<vmem>>) offsets(%dma_start3A_390 : memref<80xi32, #tpu.memory_space<vmem>>) semaphore(%arg17 : memref<!tpu.dma_semaphore, #tpu.memory_space<semaphore_mem>>)
      %add3A_394 = arith.constant 1 : i32
      %add3A_395 = arith.addi %add3A_363, %add3A_394 : i32
      %dma_wait3A_396 = arith.constant 0 : i32
      %dma_wait3A_397 = arith.constant 0 : i32
      %dma_wait3A_398 = tpu.memref_slice %arg12[%dma_wait3A_396, %dma_wait3A_397] : memref<125x80xi32, #tpu.memory_space<vmem>> -> memref<1x80xi32, #tpu.memory_space<vmem>>
      %dma_wait3A_399 = tpu.memref_squeeze %dma_wait3A_398 : memref<1x80xi32, #tpu.memory_space<vmem>> -> memref<80xi32, #tpu.memory_space<vmem>>
      %dma_wait3A_400 = arith.constant 0 : i32
      %dma_wait3A_401 = arith.constant 0 : i32
      %dma_wait3A_402 = tpu.memref_slice %arg11[%dma_wait3A_400, %dma_wait3A_401] : memref<10000x64xbf16, #tpu.memory_space<vmem_shared>> -> memref<10000x64xbf16, #tpu.memory_space<vmem_shared>>
      tpu.wait_indirect_dma semaphore(%arg17 : memref<!tpu.dma_semaphore, #tpu.memory_space<semaphore_mem>>) src(%dma_wait3A_402 : memref<10000x64xbf16, #tpu.memory_space<vmem_shared>>) dst(%arg14 : memref<80x64xbf16, #tpu.memory_space<vmem>>)
      %dma_start3A_403 = arith.constant 0 : i32
      %dma_start3A_404 = tpu.memref_slice %arg13[%add3A_395, %dma_start3A_403] : memref<125x80xi32, #tpu.memory_space<vmem>> -> memref<1x80xi32, #tpu.memory_space<vmem>>
      %dma_start3A_405 = tpu.memref_squeeze %dma_start3A_404 : memref<1x80xi32, #tpu.memory_space<vmem>> -> memref<80xi32, #tpu.memory_space<vmem>>
      %dma_start3A_406 = arith.constant 0 : i32
      %dma_start3A_407 = arith.constant 0 : i32
      %dma_start3A_408 = tpu.memref_slice %arg10[%dma_start3A_406, %dma_start3A_407] : memref<40960x64xbf16, #tpu.memory_space<vmem_shared>> -> memref<40960x64xbf16, #tpu.memory_space<vmem_shared>>
      tpu.enqueue_indirect_dma source(%arg14 : memref<80x64xbf16, #tpu.memory_space<vmem>>) target(%dma_start3A_408 : memref<40960x64xbf16, #tpu.memory_space<vmem_shared>>) offsets(%dma_start3A_405 : memref<80xi32, #tpu.memory_space<vmem>>) semaphore(%arg20 : memref<!tpu.dma_semaphore, #tpu.memory_space<semaphore_mem>>) {add = true}
      %dma_wait3A_409 = arith.constant 0 : i32
      %dma_wait3A_410 = arith.constant 0 : i32
      %dma_wait3A_411 = tpu.memref_slice %arg13[%dma_wait3A_409, %dma_wait3A_410] : memref<125x80xi32, #tpu.memory_space<vmem>> -> memref<1x80xi32, #tpu.memory_space<vmem>>
      %dma_wait3A_412 = tpu.memref_squeeze %dma_wait3A_411 : memref<1x80xi32, #tpu.memory_space<vmem>> -> memref<80xi32, #tpu.memory_space<vmem>>
      %dma_wait3A_413 = arith.constant 0 : i32
      %dma_wait3A_414 = arith.constant 0 : i32
      %dma_wait3A_415 = tpu.memref_slice %arg10[%dma_wait3A_413, %dma_wait3A_414] : memref<40960x64xbf16, #tpu.memory_space<vmem_shared>> -> memref<40960x64xbf16, #tpu.memory_space<vmem_shared>>
      tpu.wait_indirect_dma semaphore(%arg21 : memref<!tpu.dma_semaphore, #tpu.memory_space<semaphore_mem>>) src(%arg15 : memref<80x64xbf16, #tpu.memory_space<vmem>>) dst(%dma_wait3A_415 : memref<40960x64xbf16, #tpu.memory_space<vmem_shared>>)
      %add3A_416 = arith.constant 1 : i32
      %add3A_417 = arith.addi %add3A_395, %add3A_416 : i32
      %dma_start3A_418 = arith.constant 0 : i32
      %dma_start3A_419 = tpu.memref_slice %arg12[%add3A_417, %dma_start3A_418] : memref<125x80xi32, #tpu.memory_space<vmem>> -> memref<1x80xi32, #tpu.memory_space<vmem>>
      %dma_start3A_420 = tpu.memref_squeeze %dma_start3A_419 : memref<1x80xi32, #tpu.memory_space<vmem>> -> memref<80xi32, #tpu.memory_space<vmem>>
      %dma_start3A_421 = arith.constant 0 : i32
      %dma_start3A_422 = arith.constant 0 : i32
      %dma_start3A_423 = tpu.memref_slice %arg11[%dma_start3A_421, %dma_start3A_422] : memref<10000x64xbf16, #tpu.memory_space<vmem_shared>> -> memref<10000x64xbf16, #tpu.memory_space<vmem_shared>>
      tpu.enqueue_indirect_dma source(%dma_start3A_423 : memref<10000x64xbf16, #tpu.memory_space<vmem_shared>>) target(%arg15 : memref<80x64xbf16, #tpu.memory_space<vmem>>) offsets(%dma_start3A_420 : memref<80xi32, #tpu.memory_space<vmem>>) semaphore(%arg18 : memref<!tpu.dma_semaphore, #tpu.memory_space<semaphore_mem>>)
      %add3A_424 = arith.constant 2 : i32
      %add3A_425 = arith.addi %add3A_363, %add3A_424 : i32
      %dma_wait3A_426 = arith.constant 0 : i32
      %dma_wait3A_427 = arith.constant 0 : i32
      %dma_wait3A_428 = tpu.memref_slice %arg12[%dma_wait3A_426, %dma_wait3A_427] : memref<125x80xi32, #tpu.memory_space<vmem>> -> memref<1x80xi32, #tpu.memory_space<vmem>>
      %dma_wait3A_429 = tpu.memref_squeeze %dma_wait3A_428 : memref<1x80xi32, #tpu.memory_space<vmem>> -> memref<80xi32, #tpu.memory_space<vmem>>
      %dma_wait3A_430 = arith.constant 0 : i32
      %dma_wait3A_431 = arith.constant 0 : i32
      %dma_wait3A_432 = tpu.memref_slice %arg11[%dma_wait3A_430, %dma_wait3A_431] : memref<10000x64xbf16, #tpu.memory_space<vmem_shared>> -> memref<10000x64xbf16, #tpu.memory_space<vmem_shared>>
      tpu.wait_indirect_dma semaphore(%arg18 : memref<!tpu.dma_semaphore, #tpu.memory_space<semaphore_mem>>) src(%dma_wait3A_432 : memref<10000x64xbf16, #tpu.memory_space<vmem_shared>>) dst(%arg15 : memref<80x64xbf16, #tpu.memory_space<vmem>>)
      %dma_start3A_433 = arith.constant 0 : i32
      %dma_start3A_434 = tpu.memref_slice %arg13[%add3A_425, %dma_start3A_433] : memref<125x80xi32, #tpu.memory_space<vmem>> -> memref<1x80xi32, #tpu.memory_space<vmem>>
      %dma_start3A_435 = tpu.memref_squeeze %dma_start3A_434 : memref<1x80xi32, #tpu.memory_space<vmem>> -> memref<80xi32, #tpu.memory_space<vmem>>
      %dma_start3A_436 = arith.constant 0 : i32
      %dma_start3A_437 = arith.constant 0 : i32
      %dma_start3A_438 = tpu.memref_slice %arg10[%dma_start3A_436, %dma_start3A_437] : memref<40960x64xbf16, #tpu.memory_space<vmem_shared>> -> memref<40960x64xbf16, #tpu.memory_space<vmem_shared>>
      tpu.enqueue_indirect_dma source(%arg15 : memref<80x64xbf16, #tpu.memory_space<vmem>>) target(%dma_start3A_438 : memref<40960x64xbf16, #tpu.memory_space<vmem_shared>>) offsets(%dma_start3A_435 : memref<80xi32, #tpu.memory_space<vmem>>) semaphore(%arg21 : memref<!tpu.dma_semaphore, #tpu.memory_space<semaphore_mem>>) {add = true}
      %dma_wait3A_439 = arith.constant 0 : i32
      %dma_wait3A_440 = arith.constant 0 : i32
      %dma_wait3A_441 = tpu.memref_slice %arg13[%dma_wait3A_439, %dma_wait3A_440] : memref<125x80xi32, #tpu.memory_space<vmem>> -> memref<1x80xi32, #tpu.memory_space<vmem>>
      %dma_wait3A_442 = tpu.memref_squeeze %dma_wait3A_441 : memref<1x80xi32, #tpu.memory_space<vmem>> -> memref<80xi32, #tpu.memory_space<vmem>>
      %dma_wait3A_443 = arith.constant 0 : i32
      %dma_wait3A_444 = arith.constant 0 : i32
      %dma_wait3A_445 = tpu.memref_slice %arg10[%dma_wait3A_443, %dma_wait3A_444] : memref<40960x64xbf16, #tpu.memory_space<vmem_shared>> -> memref<40960x64xbf16, #tpu.memory_space<vmem_shared>>
      tpu.wait_indirect_dma semaphore(%arg22 : memref<!tpu.dma_semaphore, #tpu.memory_space<semaphore_mem>>) src(%arg16 : memref<80x64xbf16, #tpu.memory_space<vmem>>) dst(%dma_wait3A_445 : memref<40960x64xbf16, #tpu.memory_space<vmem_shared>>)
      %add3A_446 = arith.constant 1 : i32
      %add3A_447 = arith.addi %add3A_425, %add3A_446 : i32
      %dma_start3A_448 = arith.constant 0 : i32
      %dma_start3A_449 = tpu.memref_slice %arg12[%add3A_447, %dma_start3A_448] : memref<125x80xi32, #tpu.memory_space<vmem>> -> memref<1x80xi32, #tpu.memory_space<vmem>>
      %dma_start3A_450 = tpu.memref_squeeze %dma_start3A_449 : memref<1x80xi32, #tpu.memory_space<vmem>> -> memref<80xi32, #tpu.memory_space<vmem>>
      %dma_start3A_451 = arith.constant 0 : i32
      %dma_start3A_452 = arith.constant 0 : i32
      %dma_start3A_453 = tpu.memref_slice %arg11[%dma_start3A_451, %dma_start3A_452] : memref<10000x64xbf16, #tpu.memory_space<vmem_shared>> -> memref<10000x64xbf16, #tpu.memory_space<vmem_shared>>
      tpu.enqueue_indirect_dma source(%dma_start3A_453 : memref<10000x64xbf16, #tpu.memory_space<vmem_shared>>) target(%arg16 : memref<80x64xbf16, #tpu.memory_space<vmem>>) offsets(%dma_start3A_450 : memref<80xi32, #tpu.memory_space<vmem>>) semaphore(%arg19 : memref<!tpu.dma_semaphore, #tpu.memory_space<semaphore_mem>>)
    }
    %scan3A_213 = arith.constant 40 : i32
    %dma_wait3A_214 = arith.constant 0 : i32
    %dma_wait3A_215 = arith.constant 0 : i32
    %dma_wait3A_216 = tpu.memref_slice %arg12[%dma_wait3A_214, %dma_wait3A_215] : memref<125x80xi32, #tpu.memory_space<vmem>> -> memref<1x80xi32, #tpu.memory_space<vmem>>
    %dma_wait3A_217 = tpu.memref_squeeze %dma_wait3A_216 : memref<1x80xi32, #tpu.memory_space<vmem>> -> memref<80xi32, #tpu.memory_space<vmem>>
    %dma_wait3A_218 = arith.constant 0 : i32
    %dma_wait3A_219 = arith.constant 0 : i32
    %dma_wait3A_220 = tpu.memref_slice %arg11[%dma_wait3A_218, %dma_wait3A_219] : memref<10000x64xbf16, #tpu.memory_space<vmem_shared>> -> memref<10000x64xbf16, #tpu.memory_space<vmem_shared>>
    tpu.wait_indirect_dma semaphore(%arg19 : memref<!tpu.dma_semaphore, #tpu.memory_space<semaphore_mem>>) src(%dma_wait3A_220 : memref<10000x64xbf16, #tpu.memory_space<vmem_shared>>) dst(%arg16 : memref<80x64xbf16, #tpu.memory_space<vmem>>)
    %dma_wait3A_221 = arith.constant 0 : i32
    %dma_wait3A_222 = arith.constant 0 : i32
    %dma_wait3A_223 = tpu.memref_slice %arg13[%dma_wait3A_221, %dma_wait3A_222] : memref<125x80xi32, #tpu.memory_space<vmem>> -> memref<1x80xi32, #tpu.memory_space<vmem>>
    %dma_wait3A_224 = tpu.memref_squeeze %dma_wait3A_223 : memref<1x80xi32, #tpu.memory_space<vmem>> -> memref<80xi32, #tpu.memory_space<vmem>>
    %dma_wait3A_225 = arith.constant 0 : i32
    %dma_wait3A_226 = arith.constant 0 : i32
    %dma_wait3A_227 = tpu.memref_slice %arg10[%dma_wait3A_225, %dma_wait3A_226] : memref<40960x64xbf16, #tpu.memory_space<vmem_shared>> -> memref<40960x64xbf16, #tpu.memory_space<vmem_shared>>
    tpu.wait_indirect_dma semaphore(%arg20 : memref<!tpu.dma_semaphore, #tpu.memory_space<semaphore_mem>>) src(%arg14 : memref<80x64xbf16, #tpu.memory_space<vmem>>) dst(%dma_wait3A_227 : memref<40960x64xbf16, #tpu.memory_space<vmem_shared>>)
    %dma_start3A_228 = arith.constant 123 : i32
    %dma_start3A_229 = arith.constant 0 : i32
    %dma_start3A_230 = tpu.memref_slice %arg12[%dma_start3A_228, %dma_start3A_229] : memref<125x80xi32, #tpu.memory_space<vmem>> -> memref<1x80xi32, #tpu.memory_space<vmem>>
    %dma_start3A_231 = tpu.memref_squeeze %dma_start3A_230 : memref<1x80xi32, #tpu.memory_space<vmem>> -> memref<80xi32, #tpu.memory_space<vmem>>
    %dma_start3A_232 = arith.constant 0 : i32
    %dma_start3A_233 = arith.constant 0 : i32
    %dma_start3A_234 = tpu.memref_slice %arg11[%dma_start3A_232, %dma_start3A_233] : memref<10000x64xbf16, #tpu.memory_space<vmem_shared>> -> memref<10000x64xbf16, #tpu.memory_space<vmem_shared>>
    tpu.enqueue_indirect_dma source(%dma_start3A_234 : memref<10000x64xbf16, #tpu.memory_space<vmem_shared>>) target(%arg14 : memref<80x64xbf16, #tpu.memory_space<vmem>>) offsets(%dma_start3A_231 : memref<80xi32, #tpu.memory_space<vmem>>) semaphore(%arg17 : memref<!tpu.dma_semaphore, #tpu.memory_space<semaphore_mem>>)
    %dma_start3A_235 = arith.constant 122 : i32
    %dma_start3A_236 = arith.constant 0 : i32
    %dma_start3A_237 = tpu.memref_slice %arg13[%dma_start3A_235, %dma_start3A_236] : memref<125x80xi32, #tpu.memory_space<vmem>> -> memref<1x80xi32, #tpu.memory_space<vmem>>
    %dma_start3A_238 = tpu.memref_squeeze %dma_start3A_237 : memref<1x80xi32, #tpu.memory_space<vmem>> -> memref<80xi32, #tpu.memory_space<vmem>>
    %dma_start3A_239 = arith.constant 0 : i32
    %dma_start3A_240 = arith.constant 0 : i32
    %dma_start3A_241 = tpu.memref_slice %arg10[%dma_start3A_239, %dma_start3A_240] : memref<40960x64xbf16, #tpu.memory_space<vmem_shared>> -> memref<40960x64xbf16, #tpu.memory_space<vmem_shared>>
    tpu.enqueue_indirect_dma source(%arg16 : memref<80x64xbf16, #tpu.memory_space<vmem>>) target(%dma_start3A_241 : memref<40960x64xbf16, #tpu.memory_space<vmem_shared>>) offsets(%dma_start3A_238 : memref<80xi32, #tpu.memory_space<vmem>>) semaphore(%arg22 : memref<!tpu.dma_semaphore, #tpu.memory_space<semaphore_mem>>) {add = true}
    %dma_wait3A_242 = arith.constant 0 : i32
    %dma_wait3A_243 = arith.constant 0 : i32
    %dma_wait3A_244 = tpu.memref_slice %arg12[%dma_wait3A_242, %dma_wait3A_243] : memref<125x80xi32, #tpu.memory_space<vmem>> -> memref<1x80xi32, #tpu.memory_space<vmem>>
    %dma_wait3A_245 = tpu.memref_squeeze %dma_wait3A_244 : memref<1x80xi32, #tpu.memory_space<vmem>> -> memref<80xi32, #tpu.memory_space<vmem>>
    %dma_wait3A_246 = arith.constant 0 : i32
    %dma_wait3A_247 = arith.constant 0 : i32
    %dma_wait3A_248 = tpu.memref_slice %arg11[%dma_wait3A_246, %dma_wait3A_247] : memref<10000x64xbf16, #tpu.memory_space<vmem_shared>> -> memref<10000x64xbf16, #tpu.memory_space<vmem_shared>>
    tpu.wait_indirect_dma semaphore(%arg17 : memref<!tpu.dma_semaphore, #tpu.memory_space<semaphore_mem>>) src(%dma_wait3A_248 : memref<10000x64xbf16, #tpu.memory_space<vmem_shared>>) dst(%arg14 : memref<80x64xbf16, #tpu.memory_space<vmem>>)
    %dma_wait3A_249 = arith.constant 0 : i32
    %dma_wait3A_250 = arith.constant 0 : i32
    %dma_wait3A_251 = tpu.memref_slice %arg13[%dma_wait3A_249, %dma_wait3A_250] : memref<125x80xi32, #tpu.memory_space<vmem>> -> memref<1x80xi32, #tpu.memory_space<vmem>>
    %dma_wait3A_252 = tpu.memref_squeeze %dma_wait3A_251 : memref<1x80xi32, #tpu.memory_space<vmem>> -> memref<80xi32, #tpu.memory_space<vmem>>
    %dma_wait3A_253 = arith.constant 0 : i32
    %dma_wait3A_254 = arith.constant 0 : i32
    %dma_wait3A_255 = tpu.memref_slice %arg10[%dma_wait3A_253, %dma_wait3A_254] : memref<40960x64xbf16, #tpu.memory_space<vmem_shared>> -> memref<40960x64xbf16, #tpu.memory_space<vmem_shared>>
    tpu.wait_indirect_dma semaphore(%arg21 : memref<!tpu.dma_semaphore, #tpu.memory_space<semaphore_mem>>) src(%arg15 : memref<80x64xbf16, #tpu.memory_space<vmem>>) dst(%dma_wait3A_255 : memref<40960x64xbf16, #tpu.memory_space<vmem_shared>>)
    %dma_start3A_256 = arith.constant 124 : i32
    %dma_start3A_257 = arith.constant 0 : i32
    %dma_start3A_258 = tpu.memref_slice %arg12[%dma_start3A_256, %dma_start3A_257] : memref<125x80xi32, #tpu.memory_space<vmem>> -> memref<1x80xi32, #tpu.memory_space<vmem>>
    %dma_start3A_259 = tpu.memref_squeeze %dma_start3A_258 : memref<1x80xi32, #tpu.memory_space<vmem>> -> memref<80xi32, #tpu.memory_space<vmem>>
    %dma_start3A_260 = arith.constant 0 : i32
    %dma_start3A_261 = arith.constant 0 : i32
    %dma_start3A_262 = tpu.memref_slice %arg11[%dma_start3A_260, %dma_start3A_261] : memref<10000x64xbf16, #tpu.memory_space<vmem_shared>> -> memref<10000x64xbf16, #tpu.memory_space<vmem_shared>>
    tpu.enqueue_indirect_dma source(%dma_start3A_262 : memref<10000x64xbf16, #tpu.memory_space<vmem_shared>>) target(%arg15 : memref<80x64xbf16, #tpu.memory_space<vmem>>) offsets(%dma_start3A_259 : memref<80xi32, #tpu.memory_space<vmem>>) semaphore(%arg18 : memref<!tpu.dma_semaphore, #tpu.memory_space<semaphore_mem>>)
    %dma_start3A_263 = arith.constant 123 : i32
    %dma_start3A_264 = arith.constant 0 : i32
    %dma_start3A_265 = tpu.memref_slice %arg13[%dma_start3A_263, %dma_start3A_264] : memref<125x80xi32, #tpu.memory_space<vmem>> -> memref<1x80xi32, #tpu.memory_space<vmem>>
    %dma_start3A_266 = tpu.memref_squeeze %dma_start3A_265 : memref<1x80xi32, #tpu.memory_space<vmem>> -> memref<80xi32, #tpu.memory_space<vmem>>
    %dma_start3A_267 = arith.constant 0 : i32
    %dma_start3A_268 = arith.constant 0 : i32
    %dma_start3A_269 = tpu.memref_slice %arg10[%dma_start3A_267, %dma_start3A_268] : memref<40960x64xbf16, #tpu.memory_space<vmem_shared>> -> memref<40960x64xbf16, #tpu.memory_space<vmem_shared>>
    tpu.enqueue_indirect_dma source(%arg14 : memref<80x64xbf16, #tpu.memory_space<vmem>>) target(%dma_start3A_269 : memref<40960x64xbf16, #tpu.memory_space<vmem_shared>>) offsets(%dma_start3A_266 : memref<80xi32, #tpu.memory_space<vmem>>) semaphore(%arg20 : memref<!tpu.dma_semaphore, #tpu.memory_space<semaphore_mem>>) {add = true}
    %dma_wait3A_270 = arith.constant 0 : i32
    %dma_wait3A_271 = arith.constant 0 : i32
    %dma_wait3A_272 = tpu.memref_slice %arg12[%dma_wait3A_270, %dma_wait3A_271] : memref<125x80xi32, #tpu.memory_space<vmem>> -> memref<1x80xi32, #tpu.memory_space<vmem>>
    %dma_wait3A_273 = tpu.memref_squeeze %dma_wait3A_272 : memref<1x80xi32, #tpu.memory_space<vmem>> -> memref<80xi32, #tpu.memory_space<vmem>>
    %dma_wait3A_274 = arith.constant 0 : i32
    %dma_wait3A_275 = arith.constant 0 : i32
    %dma_wait3A_276 = tpu.memref_slice %arg11[%dma_wait3A_274, %dma_wait3A_275] : memref<10000x64xbf16, #tpu.memory_space<vmem_shared>> -> memref<10000x64xbf16, #tpu.memory_space<vmem_shared>>
    tpu.wait_indirect_dma semaphore(%arg18 : memref<!tpu.dma_semaphore, #tpu.memory_space<semaphore_mem>>) src(%dma_wait3A_276 : memref<10000x64xbf16, #tpu.memory_space<vmem_shared>>) dst(%arg15 : memref<80x64xbf16, #tpu.memory_space<vmem>>)
    %dma_start3A_277 = arith.constant 124 : i32
    %dma_start3A_278 = arith.constant 0 : i32
    %dma_start3A_279 = tpu.memref_slice %arg13[%dma_start3A_277, %dma_start3A_278] : memref<125x80xi32, #tpu.memory_space<vmem>> -> memref<1x80xi32, #tpu.memory_space<vmem>>
    %dma_start3A_280 = tpu.memref_squeeze %dma_start3A_279 : memref<1x80xi32, #tpu.memory_space<vmem>> -> memref<80xi32, #tpu.memory_space<vmem>>
    %dma_start3A_281 = arith.constant 0 : i32
    %dma_start3A_282 = arith.constant 0 : i32
    %dma_start3A_283 = tpu.memref_slice %arg10[%dma_start3A_281, %dma_start3A_282] : memref<40960x64xbf16, #tpu.memory_space<vmem_shared>> -> memref<40960x64xbf16, #tpu.memory_space<vmem_shared>>
    tpu.enqueue_indirect_dma source(%arg15 : memref<80x64xbf16, #tpu.memory_space<vmem>>) target(%dma_start3A_283 : memref<40960x64xbf16, #tpu.memory_space<vmem_shared>>) offsets(%dma_start3A_280 : memref<80xi32, #tpu.memory_space<vmem>>) semaphore(%arg21 : memref<!tpu.dma_semaphore, #tpu.memory_space<semaphore_mem>>) {add = true}
    %dma_wait3A_284 = arith.constant 0 : i32
    %dma_wait3A_285 = arith.constant 0 : i32
    %dma_wait3A_286 = tpu.memref_slice %arg13[%dma_wait3A_284, %dma_wait3A_285] : memref<125x80xi32, #tpu.memory_space<vmem>> -> memref<1x80xi32, #tpu.memory_space<vmem>>
    %dma_wait3A_287 = tpu.memref_squeeze %dma_wait3A_286 : memref<1x80xi32, #tpu.memory_space<vmem>> -> memref<80xi32, #tpu.memory_space<vmem>>
    %dma_wait3A_288 = arith.constant 0 : i32
    %dma_wait3A_289 = arith.constant 0 : i32
    %dma_wait3A_290 = tpu.memref_slice %arg10[%dma_wait3A_288, %dma_wait3A_289] : memref<40960x64xbf16, #tpu.memory_space<vmem_shared>> -> memref<40960x64xbf16, #tpu.memory_space<vmem_shared>>
    tpu.wait_indirect_dma semaphore(%arg20 : memref<!tpu.dma_semaphore, #tpu.memory_space<semaphore_mem>>) src(%arg14 : memref<80x64xbf16, #tpu.memory_space<vmem>>) dst(%dma_wait3A_290 : memref<40960x64xbf16, #tpu.memory_space<vmem_shared>>)
    %dma_wait3A_291 = arith.constant 0 : i32
    %dma_wait3A_292 = arith.constant 0 : i32
    %dma_wait3A_293 = tpu.memref_slice %arg13[%dma_wait3A_291, %dma_wait3A_292] : memref<125x80xi32, #tpu.memory_space<vmem>> -> memref<1x80xi32, #tpu.memory_space<vmem>>
    %dma_wait3A_294 = tpu.memref_squeeze %dma_wait3A_293 : memref<1x80xi32, #tpu.memory_space<vmem>> -> memref<80xi32, #tpu.memory_space<vmem>>
    %dma_wait3A_295 = arith.constant 0 : i32
    %dma_wait3A_296 = arith.constant 0 : i32
    %dma_wait3A_297 = tpu.memref_slice %arg10[%dma_wait3A_295, %dma_wait3A_296] : memref<40960x64xbf16, #tpu.memory_space<vmem_shared>> -> memref<40960x64xbf16, #tpu.memory_space<vmem_shared>>
    tpu.wait_indirect_dma semaphore(%arg21 : memref<!tpu.dma_semaphore, #tpu.memory_space<semaphore_mem>>) src(%arg15 : memref<80x64xbf16, #tpu.memory_space<vmem>>) dst(%dma_wait3A_297 : memref<40960x64xbf16, #tpu.memory_space<vmem_shared>>)
    %dma_wait3A_298 = arith.constant 0 : i32
    %dma_wait3A_299 = arith.constant 0 : i32
    %dma_wait3A_300 = tpu.memref_slice %arg13[%dma_wait3A_298, %dma_wait3A_299] : memref<125x80xi32, #tpu.memory_space<vmem>> -> memref<1x80xi32, #tpu.memory_space<vmem>>
    %dma_wait3A_301 = tpu.memref_squeeze %dma_wait3A_300 : memref<1x80xi32, #tpu.memory_space<vmem>> -> memref<80xi32, #tpu.memory_space<vmem>>
    %dma_wait3A_302 = arith.constant 0 : i32
    %dma_wait3A_303 = arith.constant 0 : i32
    %dma_wait3A_304 = tpu.memref_slice %arg10[%dma_wait3A_302, %dma_wait3A_303] : memref<40960x64xbf16, #tpu.memory_space<vmem_shared>> -> memref<40960x64xbf16, #tpu.memory_space<vmem_shared>>
    tpu.wait_indirect_dma semaphore(%arg22 : memref<!tpu.dma_semaphore, #tpu.memory_space<semaphore_mem>>) src(%arg16 : memref<80x64xbf16, #tpu.memory_space<vmem>>) dst(%dma_wait3A_304 : memref<40960x64xbf16, #tpu.memory_space<vmem_shared>>)
    %barrier3A_305 = arith.constant 0 : index
    tpu.barrier barrier_id(%barrier3A_305)
    "tpu.region"() ({
      %run_scoped3A = tpu.sem_alloc : memref<!tpu.dma_semaphore, #tpu.memory_space<semaphore_mem>>
      %dma_start3A_355 = arith.constant 64 : i32
      %dma_start3A_356 = tpu.memref_slice %arg8[%arg0, %mul3A_2, %dma_start3A_355] : memref<2x40960x128xbf16, #tpu.memory_space<hbm>> -> memref<1x2560x64xbf16, #tpu.memory_space<hbm>>
      %dma_start3A_357 = tpu.memref_squeeze %dma_start3A_356 : memref<1x2560x64xbf16, #tpu.memory_space<hbm>> -> memref<2560x64xbf16, #tpu.memory_space<hbm>>
      %dma_start3A_358 = arith.constant 0 : i32
      %dma_start3A_359 = tpu.memref_slice %arg10[%mul3A_2, %dma_start3A_358] : memref<40960x64xbf16, #tpu.memory_space<vmem_shared>> -> memref<2560x64xbf16, #tpu.memory_space<vmem_shared>>
      tpu.enqueue_dma source(%dma_start3A_359 : memref<2560x64xbf16, #tpu.memory_space<vmem_shared>>) target(%dma_start3A_357 : memref<2560x64xbf16, #tpu.memory_space<hbm>>) target_semaphore(%run_scoped3A : memref<!tpu.dma_semaphore, #tpu.memory_space<semaphore_mem>>)
      %dma_wait3A_360 = arith.constant 64 : i32
      %dma_wait3A_361 = tpu.memref_slice %arg8[%arg0, %mul3A_2, %dma_wait3A_360] : memref<2x40960x128xbf16, #tpu.memory_space<hbm>> -> memref<1x2560x64xbf16, #tpu.memory_space<hbm>>
      %dma_wait3A_362 = tpu.memref_squeeze %dma_wait3A_361 : memref<1x2560x64xbf16, #tpu.memory_space<hbm>> -> memref<2560x64xbf16, #tpu.memory_space<hbm>>
      %dma_wait3A_363 = arith.constant 0 : i32
      %dma_wait3A_364 = tpu.memref_slice %arg10[%mul3A_2, %dma_wait3A_363] : memref<40960x64xbf16, #tpu.memory_space<vmem_shared>> -> memref<2560x64xbf16, #tpu.memory_space<vmem_shared>>
      tpu.wait_dma2 semaphore(%run_scoped3A : memref<!tpu.dma_semaphore, #tpu.memory_space<semaphore_mem>>) src(%dma_wait3A_364 : memref<2560x64xbf16, #tpu.memory_space<vmem_shared>>) dst(%dma_wait3A_362 : memref<2560x64xbf16, #tpu.memory_space<hbm>>)
      tpu.yield
    }) : () -> ()
    "tpu.region"() ({
      %run_scoped3A = tpu.sem_alloc : memref<!tpu.dma_semaphore, #tpu.memory_space<semaphore_mem>>
      %dma_start3A_355 = arith.constant 0 : i32
      %dma_start3A_356 = tpu.memref_slice %arg10[%mul3A_2, %dma_start3A_355] : memref<40960x64xbf16, #tpu.memory_space<vmem_shared>> -> memref<2560x64xbf16, #tpu.memory_space<vmem_shared>>
      tpu.enqueue_dma source(%arg7 : memref<2560x64xbf16, #tpu.memory_space<hbm>>) target(%dma_start3A_356 : memref<2560x64xbf16, #tpu.memory_space<vmem_shared>>) target_semaphore(%run_scoped3A : memref<!tpu.dma_semaphore, #tpu.memory_space<semaphore_mem>>)
      %dma_wait3A_357 = arith.constant 0 : i32
      %dma_wait3A_358 = tpu.memref_slice %arg10[%mul3A_2, %dma_wait3A_357] : memref<40960x64xbf16, #tpu.memory_space<vmem_shared>> -> memref<2560x64xbf16, #tpu.memory_space<vmem_shared>>
      tpu.wait_dma2 semaphore(%run_scoped3A : memref<!tpu.dma_semaphore, #tpu.memory_space<semaphore_mem>>) src(%arg7 : memref<2560x64xbf16, #tpu.memory_space<hbm>>) dst(%dma_wait3A_358 : memref<2560x64xbf16, #tpu.memory_space<vmem_shared>>)
      tpu.yield
    }) : () -> ()
    "tpu.region"() ({
      %run_scoped3A = tpu.sem_alloc : memref<!tpu.dma_semaphore, #tpu.memory_space<semaphore_mem>>
      tpu.enqueue_dma source(%arg6 : memref<80x64xbf16, #tpu.memory_space<hbm>>) target(%arg14 : memref<80x64xbf16, #tpu.memory_space<vmem>>) target_semaphore(%run_scoped3A : memref<!tpu.dma_semaphore, #tpu.memory_space<semaphore_mem>>)
      tpu.wait_dma2 semaphore(%run_scoped3A : memref<!tpu.dma_semaphore, #tpu.memory_space<semaphore_mem>>) src(%arg6 : memref<80x64xbf16, #tpu.memory_space<hbm>>) dst(%arg14 : memref<80x64xbf16, #tpu.memory_space<vmem>>)
      tpu.yield
    }) : () -> ()
    %barrier3A_306 = arith.constant 0 : index
    tpu.barrier barrier_id(%barrier3A_306)
    %dma_start3A_307 = arith.constant 0 : i32
    %dma_start3A_308 = arith.constant 0 : i32
    %dma_start3A_309 = tpu.memref_slice %arg13[%dma_start3A_307, %dma_start3A_308] : memref<125x80xi32, #tpu.memory_space<vmem>> -> memref<1x80xi32, #tpu.memory_space<vmem>>
    %dma_start3A_310 = tpu.memref_squeeze %dma_start3A_309 : memref<1x80xi32, #tpu.memory_space<vmem>> -> memref<80xi32, #tpu.memory_space<vmem>>
    %dma_start3A_311 = arith.constant 0 : i32
    %dma_start3A_312 = arith.constant 0 : i32
    %dma_start3A_313 = tpu.memref_slice %arg10[%dma_start3A_311, %dma_start3A_312] : memref<40960x64xbf16, #tpu.memory_space<vmem_shared>> -> memref<40960x64xbf16, #tpu.memory_space<vmem_shared>>
    tpu.enqueue_indirect_dma source(%arg14 : memref<80x64xbf16, #tpu.memory_space<vmem>>) target(%dma_start3A_313 : memref<40960x64xbf16, #tpu.memory_space<vmem_shared>>) offsets(%dma_start3A_310 : memref<80xi32, #tpu.memory_space<vmem>>) semaphore(%arg20 : memref<!tpu.dma_semaphore, #tpu.memory_space<semaphore_mem>>) {add = true}
    %dma_start3A_314 = arith.constant 1 : i32
    %dma_start3A_315 = arith.constant 0 : i32
    %dma_start3A_316 = tpu.memref_slice %arg13[%dma_start3A_314, %dma_start3A_315] : memref<125x80xi32, #tpu.memory_space<vmem>> -> memref<1x80xi32, #tpu.memory_space<vmem>>
    %dma_start3A_317 = tpu.memref_squeeze %dma_start3A_316 : memref<1x80xi32, #tpu.memory_space<vmem>> -> memref<80xi32, #tpu.memory_space<vmem>>
    %dma_start3A_318 = arith.constant 0 : i32
    %dma_start3A_319 = arith.constant 0 : i32
    %dma_start3A_320 = tpu.memref_slice %arg10[%dma_start3A_318, %dma_start3A_319] : memref<40960x64xbf16, #tpu.memory_space<vmem_shared>> -> memref<40960x64xbf16, #tpu.memory_space<vmem_shared>>
    tpu.enqueue_indirect_dma source(%arg14 : memref<80x64xbf16, #tpu.memory_space<vmem>>) target(%dma_start3A_320 : memref<40960x64xbf16, #tpu.memory_space<vmem_shared>>) offsets(%dma_start3A_317 : memref<80xi32, #tpu.memory_space<vmem>>) semaphore(%arg20 : memref<!tpu.dma_semaphore, #tpu.memory_space<semaphore_mem>>) {add = true}
    %dma_start3A_321 = arith.constant 2 : i32
    %dma_start3A_322 = arith.constant 0 : i32
    %dma_start3A_323 = tpu.memref_slice %arg13[%dma_start3A_321, %dma_start3A_322] : memref<125x80xi32, #tpu.memory_space<vmem>> -> memref<1x80xi32, #tpu.memory_space<vmem>>
    %dma_start3A_324 = tpu.memref_squeeze %dma_start3A_323 : memref<1x80xi32, #tpu.memory_space<vmem>> -> memref<80xi32, #tpu.memory_space<vmem>>
    %dma_start3A_325 = arith.constant 0 : i32
    %dma_start3A_326 = arith.constant 0 : i32
    %dma_start3A_327 = tpu.memref_slice %arg10[%dma_start3A_325, %dma_start3A_326] : memref<40960x64xbf16, #tpu.memory_space<vmem_shared>> -> memref<40960x64xbf16, #tpu.memory_space<vmem_shared>>
    tpu.enqueue_indirect_dma source(%arg14 : memref<80x64xbf16, #tpu.memory_space<vmem>>) target(%dma_start3A_327 : memref<40960x64xbf16, #tpu.memory_space<vmem_shared>>) offsets(%dma_start3A_324 : memref<80xi32, #tpu.memory_space<vmem>>) semaphore(%arg20 : memref<!tpu.dma_semaphore, #tpu.memory_space<semaphore_mem>>) {add = true}
    %scan3A_328 = arith.constant 0 : i32
    %scan3A_329 = arith.constant 122 : i32
    %scan3A_330 = arith.addi %scan3A_328, %scan3A_329 : i32
    %scan3A_331 = arith.constant 1 : i32
    scf.for %scan3A_355 = %scan3A_328 to %scan3A_330 step %scan3A_331  : i32 {
      %mul3A_356 = arith.constant 1 : i32
      %mul3A_357 = arith.muli %scan3A_355, %mul3A_356 : i32
      %add3A_358 = arith.constant 3 : i32
      %add3A_359 = arith.addi %add3A_358, %mul3A_357 : i32
      %dma_wait3A_360 = arith.constant 0 : i32
      %dma_wait3A_361 = arith.constant 0 : i32
      %dma_wait3A_362 = tpu.memref_slice %arg13[%dma_wait3A_360, %dma_wait3A_361] : memref<125x80xi32, #tpu.memory_space<vmem>> -> memref<1x80xi32, #tpu.memory_space<vmem>>
      %dma_wait3A_363 = tpu.memref_squeeze %dma_wait3A_362 : memref<1x80xi32, #tpu.memory_space<vmem>> -> memref<80xi32, #tpu.memory_space<vmem>>
      %dma_wait3A_364 = arith.constant 0 : i32
      %dma_wait3A_365 = arith.constant 0 : i32
      %dma_wait3A_366 = tpu.memref_slice %arg10[%dma_wait3A_364, %dma_wait3A_365] : memref<40960x64xbf16, #tpu.memory_space<vmem_shared>> -> memref<40960x64xbf16, #tpu.memory_space<vmem_shared>>
      tpu.wait_indirect_dma semaphore(%arg20 : memref<!tpu.dma_semaphore, #tpu.memory_space<semaphore_mem>>) src(%arg14 : memref<80x64xbf16, #tpu.memory_space<vmem>>) dst(%dma_wait3A_366 : memref<40960x64xbf16, #tpu.memory_space<vmem_shared>>)
      %dma_start3A_367 = arith.constant 0 : i32
      %dma_start3A_368 = tpu.memref_slice %arg13[%add3A_359, %dma_start3A_367] : memref<125x80xi32, #tpu.memory_space<vmem>> -> memref<1x80xi32, #tpu.memory_space<vmem>>
      %dma_start3A_369 = tpu.memref_squeeze %dma_start3A_368 : memref<1x80xi32, #tpu.memory_space<vmem>> -> memref<80xi32, #tpu.memory_space<vmem>>
      %dma_start3A_370 = arith.constant 0 : i32
      %dma_start3A_371 = arith.constant 0 : i32
      %dma_start3A_372 = tpu.memref_slice %arg10[%dma_start3A_370, %dma_start3A_371] : memref<40960x64xbf16, #tpu.memory_space<vmem_shared>> -> memref<40960x64xbf16, #tpu.memory_space<vmem_shared>>
      tpu.enqueue_indirect_dma source(%arg14 : memref<80x64xbf16, #tpu.memory_space<vmem>>) target(%dma_start3A_372 : memref<40960x64xbf16, #tpu.memory_space<vmem_shared>>) offsets(%dma_start3A_369 : memref<80xi32, #tpu.memory_space<vmem>>) semaphore(%arg20 : memref<!tpu.dma_semaphore, #tpu.memory_space<semaphore_mem>>) {add = true}
    }
    %scan3A_332 = arith.constant 122 : i32
    %dma_wait3A_333 = arith.constant 0 : i32
    %dma_wait3A_334 = arith.constant 0 : i32
    %dma_wait3A_335 = tpu.memref_slice %arg13[%dma_wait3A_333, %dma_wait3A_334] : memref<125x80xi32, #tpu.memory_space<vmem>> -> memref<1x80xi32, #tpu.memory_space<vmem>>
    %dma_wait3A_336 = tpu.memref_squeeze %dma_wait3A_335 : memref<1x80xi32, #tpu.memory_space<vmem>> -> memref<80xi32, #tpu.memory_space<vmem>>
    %dma_wait3A_337 = arith.constant 0 : i32
    %dma_wait3A_338 = arith.constant 0 : i32
    %dma_wait3A_339 = tpu.memref_slice %arg10[%dma_wait3A_337, %dma_wait3A_338] : memref<40960x64xbf16, #tpu.memory_space<vmem_shared>> -> memref<40960x64xbf16, #tpu.memory_space<vmem_shared>>
    tpu.wait_indirect_dma semaphore(%arg20 : memref<!tpu.dma_semaphore, #tpu.memory_space<semaphore_mem>>) src(%arg14 : memref<80x64xbf16, #tpu.memory_space<vmem>>) dst(%dma_wait3A_339 : memref<40960x64xbf16, #tpu.memory_space<vmem_shared>>)
    %dma_wait3A_340 = arith.constant 0 : i32
    %dma_wait3A_341 = arith.constant 0 : i32
    %dma_wait3A_342 = tpu.memref_slice %arg13[%dma_wait3A_340, %dma_wait3A_341] : memref<125x80xi32, #tpu.memory_space<vmem>> -> memref<1x80xi32, #tpu.memory_space<vmem>>
    %dma_wait3A_343 = tpu.memref_squeeze %dma_wait3A_342 : memref<1x80xi32, #tpu.memory_space<vmem>> -> memref<80xi32, #tpu.memory_space<vmem>>
    %dma_wait3A_344 = arith.constant 0 : i32
    %dma_wait3A_345 = arith.constant 0 : i32
    %dma_wait3A_346 = tpu.memref_slice %arg10[%dma_wait3A_344, %dma_wait3A_345] : memref<40960x64xbf16, #tpu.memory_space<vmem_shared>> -> memref<40960x64xbf16, #tpu.memory_space<vmem_shared>>
    tpu.wait_indirect_dma semaphore(%arg20 : memref<!tpu.dma_semaphore, #tpu.memory_space<semaphore_mem>>) src(%arg14 : memref<80x64xbf16, #tpu.memory_space<vmem>>) dst(%dma_wait3A_346 : memref<40960x64xbf16, #tpu.memory_space<vmem_shared>>)
    %dma_wait3A_347 = arith.constant 0 : i32
    %dma_wait3A_348 = arith.constant 0 : i32
    %dma_wait3A_349 = tpu.memref_slice %arg13[%dma_wait3A_347, %dma_wait3A_348] : memref<125x80xi32, #tpu.memory_space<vmem>> -> memref<1x80xi32, #tpu.memory_space<vmem>>
    %dma_wait3A_350 = tpu.memref_squeeze %dma_wait3A_349 : memref<1x80xi32, #tpu.memory_space<vmem>> -> memref<80xi32, #tpu.memory_space<vmem>>
    %dma_wait3A_351 = arith.constant 0 : i32
    %dma_wait3A_352 = arith.constant 0 : i32
    %dma_wait3A_353 = tpu.memref_slice %arg10[%dma_wait3A_351, %dma_wait3A_352] : memref<40960x64xbf16, #tpu.memory_space<vmem_shared>> -> memref<40960x64xbf16, #tpu.memory_space<vmem_shared>>
    tpu.wait_indirect_dma semaphore(%arg20 : memref<!tpu.dma_semaphore, #tpu.memory_space<semaphore_mem>>) src(%arg14 : memref<80x64xbf16, #tpu.memory_space<vmem>>) dst(%dma_wait3A_353 : memref<40960x64xbf16, #tpu.memory_space<vmem_shared>>)
    %barrier3A_354 = arith.constant 0 : index
    tpu.barrier barrier_id(%barrier3A_354)
    "tpu.region"() ({
      %run_scoped3A = tpu.sem_alloc : memref<!tpu.dma_semaphore, #tpu.memory_space<semaphore_mem>>
      %dma_start3A_355 = arith.constant 0 : i32
      %dma_start3A_356 = tpu.memref_slice %arg9[%arg0, %mul3A_2, %dma_start3A_355] : memref<2x40960x16xbf16, #tpu.memory_space<hbm>> -> memref<1x2560x16xbf16, #tpu.memory_space<hbm>>
      %dma_start3A_357 = tpu.memref_squeeze %dma_start3A_356 : memref<1x2560x16xbf16, #tpu.memory_space<hbm>> -> memref<2560x16xbf16, #tpu.memory_space<hbm>>
      %dma_start3A_358 = arith.constant 0 : i32
      %dma_start3A_359 = tpu.memref_slice %arg10[%mul3A_2, %dma_start3A_358] : memref<40960x64xbf16, #tpu.memory_space<vmem_shared>> -> memref<2560x16xbf16, #tpu.memory_space<vmem_shared>>
      tpu.enqueue_dma source(%dma_start3A_359 : memref<2560x16xbf16, #tpu.memory_space<vmem_shared>>) target(%dma_start3A_357 : memref<2560x16xbf16, #tpu.memory_space<hbm>>) target_semaphore(%run_scoped3A : memref<!tpu.dma_semaphore, #tpu.memory_space<semaphore_mem>>)
      %dma_wait3A_360 = arith.constant 0 : i32
      %dma_wait3A_361 = tpu.memref_slice %arg9[%arg0, %mul3A_2, %dma_wait3A_360] : memref<2x40960x16xbf16, #tpu.memory_space<hbm>> -> memref<1x2560x16xbf16, #tpu.memory_space<hbm>>
      %dma_wait3A_362 = tpu.memref_squeeze %dma_wait3A_361 : memref<1x2560x16xbf16, #tpu.memory_space<hbm>> -> memref<2560x16xbf16, #tpu.memory_space<hbm>>
      %dma_wait3A_363 = arith.constant 0 : i32
      %dma_wait3A_364 = tpu.memref_slice %arg10[%mul3A_2, %dma_wait3A_363] : memref<40960x64xbf16, #tpu.memory_space<vmem_shared>> -> memref<2560x16xbf16, #tpu.memory_space<vmem_shared>>
      tpu.wait_dma2 semaphore(%run_scoped3A : memref<!tpu.dma_semaphore, #tpu.memory_space<semaphore_mem>>) src(%dma_wait3A_364 : memref<2560x16xbf16, #tpu.memory_space<vmem_shared>>) dst(%dma_wait3A_362 : memref<2560x16xbf16, #tpu.memory_space<hbm>>)
      tpu.yield
    }) : () -> ()
    return
  }
}

#map = affine_map<(d0, d1) -> (0, 0)>
#map1 = affine_map<(d0, d1) -> (0, 0, 0)>
module attributes {stable_mosaic.version = 14 : i64} {
  func.func @_sc_body(%arg0: i32, %arg1: i32, %arg2: memref<10000x128xbf16, #tpu.memory_space<hbm>>, %arg3: memref<32x125x80xi32, #tpu.memory_space<hbm>>, %arg4: memref<32x125x80xi32, #tpu.memory_space<hbm>>, %arg5: memref<32x125x80xi32, #tpu.memory_space<hbm>>, %arg6: memref<80x64xbf16, #tpu.memory_space<hbm>>, %arg7: memref<2560x64xbf16, #tpu.memory_space<hbm>>, %arg8: memref<2x40960x128xbf16, #tpu.memory_space<hbm>>, %arg9: memref<40960x64xbf16, #tpu.memory_space<vmem_shared>>, %arg10: memref<10000x64xbf16, #tpu.memory_space<vmem_shared>>, %arg11: memref<125x80xi32, #tpu.memory_space<vmem>>, %arg12: memref<125x80xi32, #tpu.memory_space<vmem>>, %arg13: memref<80x64xbf16, #tpu.memory_space<vmem>>, %arg14: memref<80x64xbf16, #tpu.memory_space<vmem>>, %arg15: memref<80x64xbf16, #tpu.memory_space<vmem>>, %arg16: memref<!tpu.dma_semaphore, #tpu.memory_space<semaphore_mem>>, %arg17: memref<!tpu.dma_semaphore, #tpu.memory_space<semaphore_mem>>, %arg18: memref<!tpu.dma_semaphore, #tpu.memory_space<semaphore_mem>>, %arg19: memref<!tpu.dma_semaphore, #tpu.memory_space<semaphore_mem>>, %arg20: memref<!tpu.dma_semaphore, #tpu.memory_space<semaphore_mem>>, %arg21: memref<!tpu.dma_semaphore, #tpu.memory_space<semaphore_mem>>) attributes {dimension_semantics = [#tpu.dimension_semantics<core_parallel>, #tpu.dimension_semantics<subcore_parallel>], iteration_bounds = array<i64: 2, 16>, scalar_prefetch = 0 : i64, scratch_operands = 13 : i64, tpu.core_type = #tpu.core_type<sc_vector_subcore>, window_params = [{transform_indices = #map}, {transform_indices = #map1}, {transform_indices = #map1}, {transform_indices = #map1}, {transform_indices = #map}, {transform_indices = #map}, {transform_indices = #map1}]} {
    %mul3A = arith.constant 16 : i32
    %mul3A_0 = arith.muli %arg0, %mul3A : i32
    %add3A = arith.addi %mul3A_0, %arg1 : i32
    %mul3A_1 = arith.constant 2560 : i32
    %mul3A_2 = arith.muli %arg1, %mul3A_1 : i32
    "tpu.region"() ({
      %run_scoped3A = tpu.sem_alloc : memref<!tpu.dma_semaphore, #tpu.memory_space<semaphore_mem>>
      %dma_start3A_306 = arith.constant 0 : i32
      %dma_start3A_307 = arith.constant 0 : i32
      %dma_start3A_308 = tpu.memref_slice %arg4[%add3A, %dma_start3A_306, %dma_start3A_307] : memref<32x125x80xi32, #tpu.memory_space<hbm>> -> memref<1x125x80xi32, #tpu.memory_space<hbm>>
      %dma_start3A_309 = tpu.memref_squeeze %dma_start3A_308 : memref<1x125x80xi32, #tpu.memory_space<hbm>> -> memref<125x80xi32, #tpu.memory_space<hbm>>
      %dma_start3A_310 = arith.constant 0 : i32
      %dma_start3A_311 = arith.constant 0 : i32
      %dma_start3A_312 = tpu.memref_slice %arg4[%add3A, %dma_start3A_310, %dma_start3A_311] : memref<32x125x80xi32, #tpu.memory_space<hbm>> -> memref<1x125x80xi32, #tpu.memory_space<hbm>>
      %dma_start3A_313 = tpu.memref_squeeze %dma_start3A_312 : memref<1x125x80xi32, #tpu.memory_space<hbm>> -> memref<125x80xi32, #tpu.memory_space<hbm>>
      tpu.enqueue_dma source(%dma_start3A_313 : memref<125x80xi32, #tpu.memory_space<hbm>>) target(%arg12 : memref<125x80xi32, #tpu.memory_space<vmem>>) target_semaphore(%run_scoped3A : memref<!tpu.dma_semaphore, #tpu.memory_space<semaphore_mem>>)
      %dma_wait3A_314 = arith.constant 0 : i32
      %dma_wait3A_315 = arith.constant 0 : i32
      %dma_wait3A_316 = tpu.memref_slice %arg4[%add3A, %dma_wait3A_314, %dma_wait3A_315] : memref<32x125x80xi32, #tpu.memory_space<hbm>> -> memref<1x125x80xi32, #tpu.memory_space<hbm>>
      %dma_wait3A_317 = tpu.memref_squeeze %dma_wait3A_316 : memref<1x125x80xi32, #tpu.memory_space<hbm>> -> memref<125x80xi32, #tpu.memory_space<hbm>>
      %dma_wait3A_318 = arith.constant 0 : i32
      %dma_wait3A_319 = arith.constant 0 : i32
      %dma_wait3A_320 = tpu.memref_slice %arg4[%add3A, %dma_wait3A_318, %dma_wait3A_319] : memref<32x125x80xi32, #tpu.memory_space<hbm>> -> memref<1x125x80xi32, #tpu.memory_space<hbm>>
      %dma_wait3A_321 = tpu.memref_squeeze %dma_wait3A_320 : memref<1x125x80xi32, #tpu.memory_space<hbm>> -> memref<125x80xi32, #tpu.memory_space<hbm>>
      tpu.wait_dma2 semaphore(%run_scoped3A : memref<!tpu.dma_semaphore, #tpu.memory_space<semaphore_mem>>) src(%dma_wait3A_321 : memref<125x80xi32, #tpu.memory_space<hbm>>) dst(%arg12 : memref<125x80xi32, #tpu.memory_space<vmem>>)
      tpu.yield
    }) : () -> ()
    "tpu.region"() ({
      %run_scoped3A = tpu.sem_alloc : memref<!tpu.dma_semaphore, #tpu.memory_space<semaphore_mem>>
      %dma_start3A_306 = arith.constant 0 : i32
      %dma_start3A_307 = arith.constant 0 : i32
      %dma_start3A_308 = tpu.memref_slice %arg5[%add3A, %dma_start3A_306, %dma_start3A_307] : memref<32x125x80xi32, #tpu.memory_space<hbm>> -> memref<1x125x80xi32, #tpu.memory_space<hbm>>
      %dma_start3A_309 = tpu.memref_squeeze %dma_start3A_308 : memref<1x125x80xi32, #tpu.memory_space<hbm>> -> memref<125x80xi32, #tpu.memory_space<hbm>>
      %dma_start3A_310 = arith.constant 0 : i32
      %dma_start3A_311 = arith.constant 0 : i32
      %dma_start3A_312 = tpu.memref_slice %arg5[%add3A, %dma_start3A_310, %dma_start3A_311] : memref<32x125x80xi32, #tpu.memory_space<hbm>> -> memref<1x125x80xi32, #tpu.memory_space<hbm>>
      %dma_start3A_313 = tpu.memref_squeeze %dma_start3A_312 : memref<1x125x80xi32, #tpu.memory_space<hbm>> -> memref<125x80xi32, #tpu.memory_space<hbm>>
      tpu.enqueue_dma source(%dma_start3A_313 : memref<125x80xi32, #tpu.memory_space<hbm>>) target(%arg11 : memref<125x80xi32, #tpu.memory_space<vmem>>) target_semaphore(%run_scoped3A : memref<!tpu.dma_semaphore, #tpu.memory_space<semaphore_mem>>)
      %dma_wait3A_314 = arith.constant 0 : i32
      %dma_wait3A_315 = arith.constant 0 : i32
      %dma_wait3A_316 = tpu.memref_slice %arg5[%add3A, %dma_wait3A_314, %dma_wait3A_315] : memref<32x125x80xi32, #tpu.memory_space<hbm>> -> memref<1x125x80xi32, #tpu.memory_space<hbm>>
      %dma_wait3A_317 = tpu.memref_squeeze %dma_wait3A_316 : memref<1x125x80xi32, #tpu.memory_space<hbm>> -> memref<125x80xi32, #tpu.memory_space<hbm>>
      %dma_wait3A_318 = arith.constant 0 : i32
      %dma_wait3A_319 = arith.constant 0 : i32
      %dma_wait3A_320 = tpu.memref_slice %arg5[%add3A, %dma_wait3A_318, %dma_wait3A_319] : memref<32x125x80xi32, #tpu.memory_space<hbm>> -> memref<1x125x80xi32, #tpu.memory_space<hbm>>
      %dma_wait3A_321 = tpu.memref_squeeze %dma_wait3A_320 : memref<1x125x80xi32, #tpu.memory_space<hbm>> -> memref<125x80xi32, #tpu.memory_space<hbm>>
      tpu.wait_dma2 semaphore(%run_scoped3A : memref<!tpu.dma_semaphore, #tpu.memory_space<semaphore_mem>>) src(%dma_wait3A_321 : memref<125x80xi32, #tpu.memory_space<hbm>>) dst(%arg11 : memref<125x80xi32, #tpu.memory_space<vmem>>)
      tpu.yield
    }) : () -> ()
    %scan3A = arith.constant 0 : i32
    %scan3A_3 = arith.constant 125 : i32
    %scan3A_4 = arith.addi %scan3A, %scan3A_3 : i32
    %scan3A_5 = arith.constant 1 : i32
    scf.for %scan3A_306 = %scan3A to %scan3A_4 step %scan3A_5  : i32 {
      %mul3A_307 = arith.constant 1 : i32
      %mul3A_308 = arith.muli %scan3A_306, %mul3A_307 : i32
      %add3A_309 = arith.constant 0 : i32
      %add3A_310 = arith.addi %add3A_309, %mul3A_308 : i32
      %get3A = arith.index_cast %add3A_310 : i32 to index
      %get3A_311 = arith.constant 0 : index
      %get3A_312 = tpu.vector_load %arg11[%get3A, %get3A_311] {strides = array<i32>} : memref<125x80xi32, #tpu.memory_space<vmem>>, vector<1x16xi32>,
      %get3A_313 = vector.shape_cast %get3A_312 : vector<1x16xi32> to vector<16xi32>
      %mul3A_314 = arith.constant 10240 : i32
      %mul3A_315 = vector.broadcast %mul3A_314 : i32 to vector<16xi32>
      %mul3A_316 = arith.muli %get3A_313, %mul3A_315 : vector<16xi32>
      %get3A_317 = arith.index_cast %add3A_310 : i32 to index
      %get3A_318 = arith.constant 0 : index
      %get3A_319 = tpu.vector_load %arg12[%get3A_317, %get3A_318] {strides = array<i32>} : memref<125x80xi32, #tpu.memory_space<vmem>>, vector<1x16xi32>,
      %get3A_320 = vector.shape_cast %get3A_319 : vector<1x16xi32> to vector<16xi32>
      %add3A_321 = arith.addi %mul3A_316, %get3A_320 : vector<16xi32>
      %swap3A = arith.index_cast %add3A_310 : i32 to index
      %swap3A_322 = arith.constant 0 : index
      %swap3A_323 = tpu.vector_load %arg12[%swap3A, %swap3A_322] {strides = array<i32>} : memref<125x80xi32, #tpu.memory_space<vmem>>, vector<1x16xi32>,
      %swap3A_324 = vector.shape_cast %swap3A_323 : vector<1x16xi32> to vector<16xi32>
      %swap3A_325 = vector.shape_cast %add3A_321 : vector<16xi32> to vector<1x16xi32>
      tpu.vector_store %arg12[%swap3A, %swap3A_322], %swap3A_325 {strides = array<i32>} : memref<125x80xi32, #tpu.memory_space<vmem>>, vector<1x16xi32>,
      %get3A_326 = arith.index_cast %add3A_310 : i32 to index
      %get3A_327 = arith.constant 16 : index
      %get3A_328 = tpu.vector_load %arg11[%get3A_326, %get3A_327] {strides = array<i32>} : memref<125x80xi32, #tpu.memory_space<vmem>>, vector<1x16xi32>,
      %get3A_329 = vector.shape_cast %get3A_328 : vector<1x16xi32> to vector<16xi32>
      %mul3A_330 = arith.constant 10240 : i32
      %mul3A_331 = vector.broadcast %mul3A_330 : i32 to vector<16xi32>
      %mul3A_332 = arith.muli %get3A_329, %mul3A_331 : vector<16xi32>
      %get3A_333 = arith.index_cast %add3A_310 : i32 to index
      %get3A_334 = arith.constant 16 : index
      %get3A_335 = tpu.vector_load %arg12[%get3A_333, %get3A_334] {strides = array<i32>} : memref<125x80xi32, #tpu.memory_space<vmem>>, vector<1x16xi32>,
      %get3A_336 = vector.shape_cast %get3A_335 : vector<1x16xi32> to vector<16xi32>
      %add3A_337 = arith.addi %mul3A_332, %get3A_336 : vector<16xi32>
      %swap3A_338 = arith.index_cast %add3A_310 : i32 to index
      %swap3A_339 = arith.constant 16 : index
      %swap3A_340 = tpu.vector_load %arg12[%swap3A_338, %swap3A_339] {strides = array<i32>} : memref<125x80xi32, #tpu.memory_space<vmem>>, vector<1x16xi32>,
      %swap3A_341 = vector.shape_cast %swap3A_340 : vector<1x16xi32> to vector<16xi32>
      %swap3A_342 = vector.shape_cast %add3A_337 : vector<16xi32> to vector<1x16xi32>
      tpu.vector_store %arg12[%swap3A_338, %swap3A_339], %swap3A_342 {strides = array<i32>} : memref<125x80xi32, #tpu.memory_space<vmem>>, vector<1x16xi32>,
      %get3A_343 = arith.index_cast %add3A_310 : i32 to index
      %get3A_344 = arith.constant 32 : index
      %get3A_345 = tpu.vector_load %arg11[%get3A_343, %get3A_344] {strides = array<i32>} : memref<125x80xi32, #tpu.memory_space<vmem>>, vector<1x16xi32>,
      %get3A_346 = vector.shape_cast %get3A_345 : vector<1x16xi32> to vector<16xi32>
      %mul3A_347 = arith.constant 10240 : i32
      %mul3A_348 = vector.broadcast %mul3A_347 : i32 to vector<16xi32>
      %mul3A_349 = arith.muli %get3A_346, %mul3A_348 : vector<16xi32>
      %get3A_350 = arith.index_cast %add3A_310 : i32 to index
      %get3A_351 = arith.constant 32 : index
      %get3A_352 = tpu.vector_load %arg12[%get3A_350, %get3A_351] {strides = array<i32>} : memref<125x80xi32, #tpu.memory_space<vmem>>, vector<1x16xi32>,
      %get3A_353 = vector.shape_cast %get3A_352 : vector<1x16xi32> to vector<16xi32>
      %add3A_354 = arith.addi %mul3A_349, %get3A_353 : vector<16xi32>
      %swap3A_355 = arith.index_cast %add3A_310 : i32 to index
      %swap3A_356 = arith.constant 32 : index
      %swap3A_357 = tpu.vector_load %arg12[%swap3A_355, %swap3A_356] {strides = array<i32>} : memref<125x80xi32, #tpu.memory_space<vmem>>, vector<1x16xi32>,
      %swap3A_358 = vector.shape_cast %swap3A_357 : vector<1x16xi32> to vector<16xi32>
      %swap3A_359 = vector.shape_cast %add3A_354 : vector<16xi32> to vector<1x16xi32>
      tpu.vector_store %arg12[%swap3A_355, %swap3A_356], %swap3A_359 {strides = array<i32>} : memref<125x80xi32, #tpu.memory_space<vmem>>, vector<1x16xi32>,
      %get3A_360 = arith.index_cast %add3A_310 : i32 to index
      %get3A_361 = arith.constant 48 : index
      %get3A_362 = tpu.vector_load %arg11[%get3A_360, %get3A_361] {strides = array<i32>} : memref<125x80xi32, #tpu.memory_space<vmem>>, vector<1x16xi32>,
      %get3A_363 = vector.shape_cast %get3A_362 : vector<1x16xi32> to vector<16xi32>
      %mul3A_364 = arith.constant 10240 : i32
      %mul3A_365 = vector.broadcast %mul3A_364 : i32 to vector<16xi32>
      %mul3A_366 = arith.muli %get3A_363, %mul3A_365 : vector<16xi32>
      %get3A_367 = arith.index_cast %add3A_310 : i32 to index
      %get3A_368 = arith.constant 48 : index
      %get3A_369 = tpu.vector_load %arg12[%get3A_367, %get3A_368] {strides = array<i32>} : memref<125x80xi32, #tpu.memory_space<vmem>>, vector<1x16xi32>,
      %get3A_370 = vector.shape_cast %get3A_369 : vector<1x16xi32> to vector<16xi32>
      %add3A_371 = arith.addi %mul3A_366, %get3A_370 : vector<16xi32>
      %swap3A_372 = arith.index_cast %add3A_310 : i32 to index
      %swap3A_373 = arith.constant 48 : index
      %swap3A_374 = tpu.vector_load %arg12[%swap3A_372, %swap3A_373] {strides = array<i32>} : memref<125x80xi32, #tpu.memory_space<vmem>>, vector<1x16xi32>,
      %swap3A_375 = vector.shape_cast %swap3A_374 : vector<1x16xi32> to vector<16xi32>
      %swap3A_376 = vector.shape_cast %add3A_371 : vector<16xi32> to vector<1x16xi32>
      tpu.vector_store %arg12[%swap3A_372, %swap3A_373], %swap3A_376 {strides = array<i32>} : memref<125x80xi32, #tpu.memory_space<vmem>>, vector<1x16xi32>,
      %get3A_377 = arith.index_cast %add3A_310 : i32 to index
      %get3A_378 = arith.constant 64 : index
      %get3A_379 = tpu.vector_load %arg11[%get3A_377, %get3A_378] {strides = array<i32>} : memref<125x80xi32, #tpu.memory_space<vmem>>, vector<1x16xi32>,
      %get3A_380 = vector.shape_cast %get3A_379 : vector<1x16xi32> to vector<16xi32>
      %mul3A_381 = arith.constant 10240 : i32
      %mul3A_382 = vector.broadcast %mul3A_381 : i32 to vector<16xi32>
      %mul3A_383 = arith.muli %get3A_380, %mul3A_382 : vector<16xi32>
      %get3A_384 = arith.index_cast %add3A_310 : i32 to index
      %get3A_385 = arith.constant 64 : index
      %get3A_386 = tpu.vector_load %arg12[%get3A_384, %get3A_385] {strides = array<i32>} : memref<125x80xi32, #tpu.memory_space<vmem>>, vector<1x16xi32>,
      %get3A_387 = vector.shape_cast %get3A_386 : vector<1x16xi32> to vector<16xi32>
      %add3A_388 = arith.addi %mul3A_383, %get3A_387 : vector<16xi32>
      %swap3A_389 = arith.index_cast %add3A_310 : i32 to index
      %swap3A_390 = arith.constant 64 : index
      %swap3A_391 = tpu.vector_load %arg12[%swap3A_389, %swap3A_390] {strides = array<i32>} : memref<125x80xi32, #tpu.memory_space<vmem>>, vector<1x16xi32>,
      %swap3A_392 = vector.shape_cast %swap3A_391 : vector<1x16xi32> to vector<16xi32>
      %swap3A_393 = vector.shape_cast %add3A_388 : vector<16xi32> to vector<1x16xi32>
      tpu.vector_store %arg12[%swap3A_389, %swap3A_390], %swap3A_393 {strides = array<i32>} : memref<125x80xi32, #tpu.memory_space<vmem>>, vector<1x16xi32>,
    }
    %scan3A_6 = arith.constant 125 : i32
    "tpu.region"() ({
      %run_scoped3A = tpu.sem_alloc : memref<!tpu.dma_semaphore, #tpu.memory_space<semaphore_mem>>
      %dma_start3A_306 = arith.constant 0 : i32
      %dma_start3A_307 = arith.constant 0 : i32
      %dma_start3A_308 = tpu.memref_slice %arg3[%add3A, %dma_start3A_306, %dma_start3A_307] : memref<32x125x80xi32, #tpu.memory_space<hbm>> -> memref<1x125x80xi32, #tpu.memory_space<hbm>>
      %dma_start3A_309 = tpu.memref_squeeze %dma_start3A_308 : memref<1x125x80xi32, #tpu.memory_space<hbm>> -> memref<125x80xi32, #tpu.memory_space<hbm>>
      %dma_start3A_310 = arith.constant 0 : i32
      %dma_start3A_311 = arith.constant 0 : i32
      %dma_start3A_312 = tpu.memref_slice %arg3[%add3A, %dma_start3A_310, %dma_start3A_311] : memref<32x125x80xi32, #tpu.memory_space<hbm>> -> memref<1x125x80xi32, #tpu.memory_space<hbm>>
      %dma_start3A_313 = tpu.memref_squeeze %dma_start3A_312 : memref<1x125x80xi32, #tpu.memory_space<hbm>> -> memref<125x80xi32, #tpu.memory_space<hbm>>
      tpu.enqueue_dma source(%dma_start3A_313 : memref<125x80xi32, #tpu.memory_space<hbm>>) target(%arg11 : memref<125x80xi32, #tpu.memory_space<vmem>>) target_semaphore(%run_scoped3A : memref<!tpu.dma_semaphore, #tpu.memory_space<semaphore_mem>>)
      %dma_wait3A_314 = arith.constant 0 : i32
      %dma_wait3A_315 = arith.constant 0 : i32
      %dma_wait3A_316 = tpu.memref_slice %arg3[%add3A, %dma_wait3A_314, %dma_wait3A_315] : memref<32x125x80xi32, #tpu.memory_space<hbm>> -> memref<1x125x80xi32, #tpu.memory_space<hbm>>
      %dma_wait3A_317 = tpu.memref_squeeze %dma_wait3A_316 : memref<1x125x80xi32, #tpu.memory_space<hbm>> -> memref<125x80xi32, #tpu.memory_space<hbm>>
      %dma_wait3A_318 = arith.constant 0 : i32
      %dma_wait3A_319 = arith.constant 0 : i32
      %dma_wait3A_320 = tpu.memref_slice %arg3[%add3A, %dma_wait3A_318, %dma_wait3A_319] : memref<32x125x80xi32, #tpu.memory_space<hbm>> -> memref<1x125x80xi32, #tpu.memory_space<hbm>>
      %dma_wait3A_321 = tpu.memref_squeeze %dma_wait3A_320 : memref<1x125x80xi32, #tpu.memory_space<hbm>> -> memref<125x80xi32, #tpu.memory_space<hbm>>
      tpu.wait_dma2 semaphore(%run_scoped3A : memref<!tpu.dma_semaphore, #tpu.memory_space<semaphore_mem>>) src(%dma_wait3A_321 : memref<125x80xi32, #tpu.memory_space<hbm>>) dst(%arg11 : memref<125x80xi32, #tpu.memory_space<vmem>>)
      tpu.yield
    }) : () -> ()
    "tpu.region"() ({
      %run_scoped3A = tpu.sem_alloc : memref<!tpu.dma_semaphore, #tpu.memory_space<semaphore_mem>>
      %dma_start3A_306 = arith.constant 0 : i32
      %dma_start3A_307 = tpu.memref_slice %arg9[%mul3A_2, %dma_start3A_306] : memref<40960x64xbf16, #tpu.memory_space<vmem_shared>> -> memref<2560x64xbf16, #tpu.memory_space<vmem_shared>>
      tpu.enqueue_dma source(%arg7 : memref<2560x64xbf16, #tpu.memory_space<hbm>>) target(%dma_start3A_307 : memref<2560x64xbf16, #tpu.memory_space<vmem_shared>>) target_semaphore(%run_scoped3A : memref<!tpu.dma_semaphore, #tpu.memory_space<semaphore_mem>>)
      %dma_wait3A_308 = arith.constant 0 : i32
      %dma_wait3A_309 = tpu.memref_slice %arg9[%mul3A_2, %dma_wait3A_308] : memref<40960x64xbf16, #tpu.memory_space<vmem_shared>> -> memref<2560x64xbf16, #tpu.memory_space<vmem_shared>>
      tpu.wait_dma2 semaphore(%run_scoped3A : memref<!tpu.dma_semaphore, #tpu.memory_space<semaphore_mem>>) src(%arg7 : memref<2560x64xbf16, #tpu.memory_space<hbm>>) dst(%dma_wait3A_309 : memref<2560x64xbf16, #tpu.memory_space<vmem_shared>>)
      tpu.yield
    }) : () -> ()
    %mul3A_7 = arith.constant 625 : i32
    %mul3A_8 = arith.muli %arg1, %mul3A_7 : i32
    %mul3A_9 = arith.constant 625 : i32
    %mul3A_10 = arith.muli %arg1, %mul3A_9 : i32
    "tpu.region"() ({
      %run_scoped3A = tpu.sem_alloc : memref<!tpu.dma_semaphore, #tpu.memory_space<semaphore_mem>>
      %dma_start3A_306 = arith.constant 0 : i32
      %dma_start3A_307 = tpu.memref_slice %arg10[%mul3A_10, %dma_start3A_306] : memref<10000x64xbf16, #tpu.memory_space<vmem_shared>> -> memref<625x64xbf16, #tpu.memory_space<vmem_shared>>
      %dma_start3A_308 = arith.constant 0 : i32
      %dma_start3A_309 = tpu.memref_slice %arg2[%mul3A_8, %dma_start3A_308] : memref<10000x128xbf16, #tpu.memory_space<hbm>> -> memref<625x64xbf16, #tpu.memory_space<hbm>>
      tpu.enqueue_dma source(%dma_start3A_309 : memref<625x64xbf16, #tpu.memory_space<hbm>>) target(%dma_start3A_307 : memref<625x64xbf16, #tpu.memory_space<vmem_shared>>) target_semaphore(%run_scoped3A : memref<!tpu.dma_semaphore, #tpu.memory_space<semaphore_mem>>)
      %dma_wait3A_310 = arith.constant 0 : i32
      %dma_wait3A_311 = tpu.memref_slice %arg10[%mul3A_10, %dma_wait3A_310] : memref<10000x64xbf16, #tpu.memory_space<vmem_shared>> -> memref<625x64xbf16, #tpu.memory_space<vmem_shared>>
      %dma_wait3A_312 = arith.constant 0 : i32
      %dma_wait3A_313 = tpu.memref_slice %arg2[%mul3A_8, %dma_wait3A_312] : memref<10000x128xbf16, #tpu.memory_space<hbm>> -> memref<625x64xbf16, #tpu.memory_space<hbm>>
      tpu.wait_dma2 semaphore(%run_scoped3A : memref<!tpu.dma_semaphore, #tpu.memory_space<semaphore_mem>>) src(%dma_wait3A_313 : memref<625x64xbf16, #tpu.memory_space<hbm>>) dst(%dma_wait3A_311 : memref<625x64xbf16, #tpu.memory_space<vmem_shared>>)
      tpu.yield
    }) : () -> ()
    %barrier3A = arith.constant 0 : index
    tpu.barrier barrier_id(%barrier3A)
    %dma_start3A = arith.constant 0 : i32
    %dma_start3A_11 = arith.constant 0 : i32
    %dma_start3A_12 = tpu.memref_slice %arg11[%dma_start3A, %dma_start3A_11] : memref<125x80xi32, #tpu.memory_space<vmem>> -> memref<1x80xi32, #tpu.memory_space<vmem>>
    %dma_start3A_13 = tpu.memref_squeeze %dma_start3A_12 : memref<1x80xi32, #tpu.memory_space<vmem>> -> memref<80xi32, #tpu.memory_space<vmem>>
    %dma_start3A_14 = arith.constant 0 : i32
    %dma_start3A_15 = arith.constant 0 : i32
    %dma_start3A_16 = tpu.memref_slice %arg10[%dma_start3A_14, %dma_start3A_15] : memref<10000x64xbf16, #tpu.memory_space<vmem_shared>> -> memref<10000x64xbf16, #tpu.memory_space<vmem_shared>>
    tpu.enqueue_indirect_dma source(%dma_start3A_16 : memref<10000x64xbf16, #tpu.memory_space<vmem_shared>>) target(%arg13 : memref<80x64xbf16, #tpu.memory_space<vmem>>) offsets(%dma_start3A_13 : memref<80xi32, #tpu.memory_space<vmem>>) semaphore(%arg16 : memref<!tpu.dma_semaphore, #tpu.memory_space<semaphore_mem>>)
    %dma_wait3A = arith.constant 0 : i32
    %dma_wait3A_17 = arith.constant 0 : i32
    %dma_wait3A_18 = tpu.memref_slice %arg11[%dma_wait3A, %dma_wait3A_17] : memref<125x80xi32, #tpu.memory_space<vmem>> -> memref<1x80xi32, #tpu.memory_space<vmem>>
    %dma_wait3A_19 = tpu.memref_squeeze %dma_wait3A_18 : memref<1x80xi32, #tpu.memory_space<vmem>> -> memref<80xi32, #tpu.memory_space<vmem>>
    %dma_wait3A_20 = arith.constant 0 : i32
    %dma_wait3A_21 = arith.constant 0 : i32
    %dma_wait3A_22 = tpu.memref_slice %arg10[%dma_wait3A_20, %dma_wait3A_21] : memref<10000x64xbf16, #tpu.memory_space<vmem_shared>> -> memref<10000x64xbf16, #tpu.memory_space<vmem_shared>>
    tpu.wait_indirect_dma semaphore(%arg16 : memref<!tpu.dma_semaphore, #tpu.memory_space<semaphore_mem>>) src(%dma_wait3A_22 : memref<10000x64xbf16, #tpu.memory_space<vmem_shared>>) dst(%arg13 : memref<80x64xbf16, #tpu.memory_space<vmem>>)
    %dma_start3A_23 = arith.constant 0 : i32
    %dma_start3A_24 = arith.constant 0 : i32
    %dma_start3A_25 = tpu.memref_slice %arg12[%dma_start3A_23, %dma_start3A_24] : memref<125x80xi32, #tpu.memory_space<vmem>> -> memref<1x80xi32, #tpu.memory_space<vmem>>
    %dma_start3A_26 = tpu.memref_squeeze %dma_start3A_25 : memref<1x80xi32, #tpu.memory_space<vmem>> -> memref<80xi32, #tpu.memory_space<vmem>>
    %dma_start3A_27 = arith.constant 0 : i32
    %dma_start3A_28 = arith.constant 0 : i32
    %dma_start3A_29 = tpu.memref_slice %arg9[%dma_start3A_27, %dma_start3A_28] : memref<40960x64xbf16, #tpu.memory_space<vmem_shared>> -> memref<40960x64xbf16, #tpu.memory_space<vmem_shared>>
    tpu.enqueue_indirect_dma source(%arg13 : memref<80x64xbf16, #tpu.memory_space<vmem>>) target(%dma_start3A_29 : memref<40960x64xbf16, #tpu.memory_space<vmem_shared>>) offsets(%dma_start3A_26 : memref<80xi32, #tpu.memory_space<vmem>>) semaphore(%arg19 : memref<!tpu.dma_semaphore, #tpu.memory_space<semaphore_mem>>) {add = true}
    %dma_start3A_30 = arith.constant 1 : i32
    %dma_start3A_31 = arith.constant 0 : i32
    %dma_start3A_32 = tpu.memref_slice %arg11[%dma_start3A_30, %dma_start3A_31] : memref<125x80xi32, #tpu.memory_space<vmem>> -> memref<1x80xi32, #tpu.memory_space<vmem>>
    %dma_start3A_33 = tpu.memref_squeeze %dma_start3A_32 : memref<1x80xi32, #tpu.memory_space<vmem>> -> memref<80xi32, #tpu.memory_space<vmem>>
    %dma_start3A_34 = arith.constant 0 : i32
    %dma_start3A_35 = arith.constant 0 : i32
    %dma_start3A_36 = tpu.memref_slice %arg10[%dma_start3A_34, %dma_start3A_35] : memref<10000x64xbf16, #tpu.memory_space<vmem_shared>> -> memref<10000x64xbf16, #tpu.memory_space<vmem_shared>>
    tpu.enqueue_indirect_dma source(%dma_start3A_36 : memref<10000x64xbf16, #tpu.memory_space<vmem_shared>>) target(%arg14 : memref<80x64xbf16, #tpu.memory_space<vmem>>) offsets(%dma_start3A_33 : memref<80xi32, #tpu.memory_space<vmem>>) semaphore(%arg17 : memref<!tpu.dma_semaphore, #tpu.memory_space<semaphore_mem>>)
    %dma_wait3A_37 = arith.constant 0 : i32
    %dma_wait3A_38 = arith.constant 0 : i32
    %dma_wait3A_39 = tpu.memref_slice %arg11[%dma_wait3A_37, %dma_wait3A_38] : memref<125x80xi32, #tpu.memory_space<vmem>> -> memref<1x80xi32, #tpu.memory_space<vmem>>
    %dma_wait3A_40 = tpu.memref_squeeze %dma_wait3A_39 : memref<1x80xi32, #tpu.memory_space<vmem>> -> memref<80xi32, #tpu.memory_space<vmem>>
    %dma_wait3A_41 = arith.constant 0 : i32
    %dma_wait3A_42 = arith.constant 0 : i32
    %dma_wait3A_43 = tpu.memref_slice %arg10[%dma_wait3A_41, %dma_wait3A_42] : memref<10000x64xbf16, #tpu.memory_space<vmem_shared>> -> memref<10000x64xbf16, #tpu.memory_space<vmem_shared>>
    tpu.wait_indirect_dma semaphore(%arg17 : memref<!tpu.dma_semaphore, #tpu.memory_space<semaphore_mem>>) src(%dma_wait3A_43 : memref<10000x64xbf16, #tpu.memory_space<vmem_shared>>) dst(%arg14 : memref<80x64xbf16, #tpu.memory_space<vmem>>)
    %dma_start3A_44 = arith.constant 1 : i32
    %dma_start3A_45 = arith.constant 0 : i32
    %dma_start3A_46 = tpu.memref_slice %arg12[%dma_start3A_44, %dma_start3A_45] : memref<125x80xi32, #tpu.memory_space<vmem>> -> memref<1x80xi32, #tpu.memory_space<vmem>>
    %dma_start3A_47 = tpu.memref_squeeze %dma_start3A_46 : memref<1x80xi32, #tpu.memory_space<vmem>> -> memref<80xi32, #tpu.memory_space<vmem>>
    %dma_start3A_48 = arith.constant 0 : i32
    %dma_start3A_49 = arith.constant 0 : i32
    %dma_start3A_50 = tpu.memref_slice %arg9[%dma_start3A_48, %dma_start3A_49] : memref<40960x64xbf16, #tpu.memory_space<vmem_shared>> -> memref<40960x64xbf16, #tpu.memory_space<vmem_shared>>
    tpu.enqueue_indirect_dma source(%arg14 : memref<80x64xbf16, #tpu.memory_space<vmem>>) target(%dma_start3A_50 : memref<40960x64xbf16, #tpu.memory_space<vmem_shared>>) offsets(%dma_start3A_47 : memref<80xi32, #tpu.memory_space<vmem>>) semaphore(%arg20 : memref<!tpu.dma_semaphore, #tpu.memory_space<semaphore_mem>>) {add = true}
    %dma_start3A_51 = arith.constant 2 : i32
    %dma_start3A_52 = arith.constant 0 : i32
    %dma_start3A_53 = tpu.memref_slice %arg11[%dma_start3A_51, %dma_start3A_52] : memref<125x80xi32, #tpu.memory_space<vmem>> -> memref<1x80xi32, #tpu.memory_space<vmem>>
    %dma_start3A_54 = tpu.memref_squeeze %dma_start3A_53 : memref<1x80xi32, #tpu.memory_space<vmem>> -> memref<80xi32, #tpu.memory_space<vmem>>
    %dma_start3A_55 = arith.constant 0 : i32
    %dma_start3A_56 = arith.constant 0 : i32
    %dma_start3A_57 = tpu.memref_slice %arg10[%dma_start3A_55, %dma_start3A_56] : memref<10000x64xbf16, #tpu.memory_space<vmem_shared>> -> memref<10000x64xbf16, #tpu.memory_space<vmem_shared>>
    tpu.enqueue_indirect_dma source(%dma_start3A_57 : memref<10000x64xbf16, #tpu.memory_space<vmem_shared>>) target(%arg15 : memref<80x64xbf16, #tpu.memory_space<vmem>>) offsets(%dma_start3A_54 : memref<80xi32, #tpu.memory_space<vmem>>) semaphore(%arg18 : memref<!tpu.dma_semaphore, #tpu.memory_space<semaphore_mem>>)
    %scan3A_58 = arith.constant 0 : i32
    %scan3A_59 = arith.constant 40 : i32
    %scan3A_60 = arith.addi %scan3A_58, %scan3A_59 : i32
    %scan3A_61 = arith.constant 1 : i32
    scf.for %scan3A_306 = %scan3A_58 to %scan3A_60 step %scan3A_61  : i32 {
      %mul3A_307 = arith.constant 1 : i32
      %mul3A_308 = arith.muli %scan3A_306, %mul3A_307 : i32
      %add3A_309 = arith.constant 0 : i32
      %add3A_310 = arith.addi %add3A_309, %mul3A_308 : i32
      %mul3A_311 = arith.constant 3 : i32
      %mul3A_312 = arith.muli %add3A_310, %mul3A_311 : i32
      %add3A_313 = arith.constant 2 : i32
      %add3A_314 = arith.addi %add3A_313, %mul3A_312 : i32
      %add3A_315 = arith.constant 0 : i32
      %add3A_316 = arith.addi %add3A_314, %add3A_315 : i32
      %dma_wait3A_317 = arith.constant 0 : i32
      %dma_wait3A_318 = arith.constant 0 : i32
      %dma_wait3A_319 = tpu.memref_slice %arg11[%dma_wait3A_317, %dma_wait3A_318] : memref<125x80xi32, #tpu.memory_space<vmem>> -> memref<1x80xi32, #tpu.memory_space<vmem>>
      %dma_wait3A_320 = tpu.memref_squeeze %dma_wait3A_319 : memref<1x80xi32, #tpu.memory_space<vmem>> -> memref<80xi32, #tpu.memory_space<vmem>>
      %dma_wait3A_321 = arith.constant 0 : i32
      %dma_wait3A_322 = arith.constant 0 : i32
      %dma_wait3A_323 = tpu.memref_slice %arg10[%dma_wait3A_321, %dma_wait3A_322] : memref<10000x64xbf16, #tpu.memory_space<vmem_shared>> -> memref<10000x64xbf16, #tpu.memory_space<vmem_shared>>
      tpu.wait_indirect_dma semaphore(%arg18 : memref<!tpu.dma_semaphore, #tpu.memory_space<semaphore_mem>>) src(%dma_wait3A_323 : memref<10000x64xbf16, #tpu.memory_space<vmem_shared>>) dst(%arg15 : memref<80x64xbf16, #tpu.memory_space<vmem>>)
      %dma_start3A_324 = arith.constant 0 : i32
      %dma_start3A_325 = tpu.memref_slice %arg12[%add3A_316, %dma_start3A_324] : memref<125x80xi32, #tpu.memory_space<vmem>> -> memref<1x80xi32, #tpu.memory_space<vmem>>
      %dma_start3A_326 = tpu.memref_squeeze %dma_start3A_325 : memref<1x80xi32, #tpu.memory_space<vmem>> -> memref<80xi32, #tpu.memory_space<vmem>>
      %dma_start3A_327 = arith.constant 0 : i32
      %dma_start3A_328 = arith.constant 0 : i32
      %dma_start3A_329 = tpu.memref_slice %arg9[%dma_start3A_327, %dma_start3A_328] : memref<40960x64xbf16, #tpu.memory_space<vmem_shared>> -> memref<40960x64xbf16, #tpu.memory_space<vmem_shared>>
      tpu.enqueue_indirect_dma source(%arg15 : memref<80x64xbf16, #tpu.memory_space<vmem>>) target(%dma_start3A_329 : memref<40960x64xbf16, #tpu.memory_space<vmem_shared>>) offsets(%dma_start3A_326 : memref<80xi32, #tpu.memory_space<vmem>>) semaphore(%arg21 : memref<!tpu.dma_semaphore, #tpu.memory_space<semaphore_mem>>) {add = true}
      %dma_wait3A_330 = arith.constant 0 : i32
      %dma_wait3A_331 = arith.constant 0 : i32
      %dma_wait3A_332 = tpu.memref_slice %arg12[%dma_wait3A_330, %dma_wait3A_331] : memref<125x80xi32, #tpu.memory_space<vmem>> -> memref<1x80xi32, #tpu.memory_space<vmem>>
      %dma_wait3A_333 = tpu.memref_squeeze %dma_wait3A_332 : memref<1x80xi32, #tpu.memory_space<vmem>> -> memref<80xi32, #tpu.memory_space<vmem>>
      %dma_wait3A_334 = arith.constant 0 : i32
      %dma_wait3A_335 = arith.constant 0 : i32
      %dma_wait3A_336 = tpu.memref_slice %arg9[%dma_wait3A_334, %dma_wait3A_335] : memref<40960x64xbf16, #tpu.memory_space<vmem_shared>> -> memref<40960x64xbf16, #tpu.memory_space<vmem_shared>>
      tpu.wait_indirect_dma semaphore(%arg19 : memref<!tpu.dma_semaphore, #tpu.memory_space<semaphore_mem>>) src(%arg13 : memref<80x64xbf16, #tpu.memory_space<vmem>>) dst(%dma_wait3A_336 : memref<40960x64xbf16, #tpu.memory_space<vmem_shared>>)
      %add3A_337 = arith.constant 1 : i32
      %add3A_338 = arith.addi %add3A_316, %add3A_337 : i32
      %dma_start3A_339 = arith.constant 0 : i32
      %dma_start3A_340 = tpu.memref_slice %arg11[%add3A_338, %dma_start3A_339] : memref<125x80xi32, #tpu.memory_space<vmem>> -> memref<1x80xi32, #tpu.memory_space<vmem>>
      %dma_start3A_341 = tpu.memref_squeeze %dma_start3A_340 : memref<1x80xi32, #tpu.memory_space<vmem>> -> memref<80xi32, #tpu.memory_space<vmem>>
      %dma_start3A_342 = arith.constant 0 : i32
      %dma_start3A_343 = arith.constant 0 : i32
      %dma_start3A_344 = tpu.memref_slice %arg10[%dma_start3A_342, %dma_start3A_343] : memref<10000x64xbf16, #tpu.memory_space<vmem_shared>> -> memref<10000x64xbf16, #tpu.memory_space<vmem_shared>>
      tpu.enqueue_indirect_dma source(%dma_start3A_344 : memref<10000x64xbf16, #tpu.memory_space<vmem_shared>>) target(%arg13 : memref<80x64xbf16, #tpu.memory_space<vmem>>) offsets(%dma_start3A_341 : memref<80xi32, #tpu.memory_space<vmem>>) semaphore(%arg16 : memref<!tpu.dma_semaphore, #tpu.memory_space<semaphore_mem>>)
      %add3A_345 = arith.constant 1 : i32
      %add3A_346 = arith.addi %add3A_314, %add3A_345 : i32
      %dma_wait3A_347 = arith.constant 0 : i32
      %dma_wait3A_348 = arith.constant 0 : i32
      %dma_wait3A_349 = tpu.memref_slice %arg11[%dma_wait3A_347, %dma_wait3A_348] : memref<125x80xi32, #tpu.memory_space<vmem>> -> memref<1x80xi32, #tpu.memory_space<vmem>>
      %dma_wait3A_350 = tpu.memref_squeeze %dma_wait3A_349 : memref<1x80xi32, #tpu.memory_space<vmem>> -> memref<80xi32, #tpu.memory_space<vmem>>
      %dma_wait3A_351 = arith.constant 0 : i32
      %dma_wait3A_352 = arith.constant 0 : i32
      %dma_wait3A_353 = tpu.memref_slice %arg10[%dma_wait3A_351, %dma_wait3A_352] : memref<10000x64xbf16, #tpu.memory_space<vmem_shared>> -> memref<10000x64xbf16, #tpu.memory_space<vmem_shared>>
      tpu.wait_indirect_dma semaphore(%arg16 : memref<!tpu.dma_semaphore, #tpu.memory_space<semaphore_mem>>) src(%dma_wait3A_353 : memref<10000x64xbf16, #tpu.memory_space<vmem_shared>>) dst(%arg13 : memref<80x64xbf16, #tpu.memory_space<vmem>>)
      %dma_start3A_354 = arith.constant 0 : i32
      %dma_start3A_355 = tpu.memref_slice %arg12[%add3A_346, %dma_start3A_354] : memref<125x80xi32, #tpu.memory_space<vmem>> -> memref<1x80xi32, #tpu.memory_space<vmem>>
      %dma_start3A_356 = tpu.memref_squeeze %dma_start3A_355 : memref<1x80xi32, #tpu.memory_space<vmem>> -> memref<80xi32, #tpu.memory_space<vmem>>
      %dma_start3A_357 = arith.constant 0 : i32
      %dma_start3A_358 = arith.constant 0 : i32
      %dma_start3A_359 = tpu.memref_slice %arg9[%dma_start3A_357, %dma_start3A_358] : memref<40960x64xbf16, #tpu.memory_space<vmem_shared>> -> memref<40960x64xbf16, #tpu.memory_space<vmem_shared>>
      tpu.enqueue_indirect_dma source(%arg13 : memref<80x64xbf16, #tpu.memory_space<vmem>>) target(%dma_start3A_359 : memref<40960x64xbf16, #tpu.memory_space<vmem_shared>>) offsets(%dma_start3A_356 : memref<80xi32, #tpu.memory_space<vmem>>) semaphore(%arg19 : memref<!tpu.dma_semaphore, #tpu.memory_space<semaphore_mem>>) {add = true}
      %dma_wait3A_360 = arith.constant 0 : i32
      %dma_wait3A_361 = arith.constant 0 : i32
      %dma_wait3A_362 = tpu.memref_slice %arg12[%dma_wait3A_360, %dma_wait3A_361] : memref<125x80xi32, #tpu.memory_space<vmem>> -> memref<1x80xi32, #tpu.memory_space<vmem>>
      %dma_wait3A_363 = tpu.memref_squeeze %dma_wait3A_362 : memref<1x80xi32, #tpu.memory_space<vmem>> -> memref<80xi32, #tpu.memory_space<vmem>>
      %dma_wait3A_364 = arith.constant 0 : i32
      %dma_wait3A_365 = arith.constant 0 : i32
      %dma_wait3A_366 = tpu.memref_slice %arg9[%dma_wait3A_364, %dma_wait3A_365] : memref<40960x64xbf16, #tpu.memory_space<vmem_shared>> -> memref<40960x64xbf16, #tpu.memory_space<vmem_shared>>
      tpu.wait_indirect_dma semaphore(%arg20 : memref<!tpu.dma_semaphore, #tpu.memory_space<semaphore_mem>>) src(%arg14 : memref<80x64xbf16, #tpu.memory_space<vmem>>) dst(%dma_wait3A_366 : memref<40960x64xbf16, #tpu.memory_space<vmem_shared>>)
      %add3A_367 = arith.constant 1 : i32
      %add3A_368 = arith.addi %add3A_346, %add3A_367 : i32
      %dma_start3A_369 = arith.constant 0 : i32
      %dma_start3A_370 = tpu.memref_slice %arg11[%add3A_368, %dma_start3A_369] : memref<125x80xi32, #tpu.memory_space<vmem>> -> memref<1x80xi32, #tpu.memory_space<vmem>>
      %dma_start3A_371 = tpu.memref_squeeze %dma_start3A_370 : memref<1x80xi32, #tpu.memory_space<vmem>> -> memref<80xi32, #tpu.memory_space<vmem>>
      %dma_start3A_372 = arith.constant 0 : i32
      %dma_start3A_373 = arith.constant 0 : i32
      %dma_start3A_374 = tpu.memref_slice %arg10[%dma_start3A_372, %dma_start3A_373] : memref<10000x64xbf16, #tpu.memory_space<vmem_shared>> -> memref<10000x64xbf16, #tpu.memory_space<vmem_shared>>
      tpu.enqueue_indirect_dma source(%dma_start3A_374 : memref<10000x64xbf16, #tpu.memory_space<vmem_shared>>) target(%arg14 : memref<80x64xbf16, #tpu.memory_space<vmem>>) offsets(%dma_start3A_371 : memref<80xi32, #tpu.memory_space<vmem>>) semaphore(%arg17 : memref<!tpu.dma_semaphore, #tpu.memory_space<semaphore_mem>>)
      %add3A_375 = arith.constant 2 : i32
      %add3A_376 = arith.addi %add3A_314, %add3A_375 : i32
      %dma_wait3A_377 = arith.constant 0 : i32
      %dma_wait3A_378 = arith.constant 0 : i32
      %dma_wait3A_379 = tpu.memref_slice %arg11[%dma_wait3A_377, %dma_wait3A_378] : memref<125x80xi32, #tpu.memory_space<vmem>> -> memref<1x80xi32, #tpu.memory_space<vmem>>
      %dma_wait3A_380 = tpu.memref_squeeze %dma_wait3A_379 : memref<1x80xi32, #tpu.memory_space<vmem>> -> memref<80xi32, #tpu.memory_space<vmem>>
      %dma_wait3A_381 = arith.constant 0 : i32
      %dma_wait3A_382 = arith.constant 0 : i32
      %dma_wait3A_383 = tpu.memref_slice %arg10[%dma_wait3A_381, %dma_wait3A_382] : memref<10000x64xbf16, #tpu.memory_space<vmem_shared>> -> memref<10000x64xbf16, #tpu.memory_space<vmem_shared>>
      tpu.wait_indirect_dma semaphore(%arg17 : memref<!tpu.dma_semaphore, #tpu.memory_space<semaphore_mem>>) src(%dma_wait3A_383 : memref<10000x64xbf16, #tpu.memory_space<vmem_shared>>) dst(%arg14 : memref<80x64xbf16, #tpu.memory_space<vmem>>)
      %dma_start3A_384 = arith.constant 0 : i32
      %dma_start3A_385 = tpu.memref_slice %arg12[%add3A_376, %dma_start3A_384] : memref<125x80xi32, #tpu.memory_space<vmem>> -> memref<1x80xi32, #tpu.memory_space<vmem>>
      %dma_start3A_386 = tpu.memref_squeeze %dma_start3A_385 : memref<1x80xi32, #tpu.memory_space<vmem>> -> memref<80xi32, #tpu.memory_space<vmem>>
      %dma_start3A_387 = arith.constant 0 : i32
      %dma_start3A_388 = arith.constant 0 : i32
      %dma_start3A_389 = tpu.memref_slice %arg9[%dma_start3A_387, %dma_start3A_388] : memref<40960x64xbf16, #tpu.memory_space<vmem_shared>> -> memref<40960x64xbf16, #tpu.memory_space<vmem_shared>>
      tpu.enqueue_indirect_dma source(%arg14 : memref<80x64xbf16, #tpu.memory_space<vmem>>) target(%dma_start3A_389 : memref<40960x64xbf16, #tpu.memory_space<vmem_shared>>) offsets(%dma_start3A_386 : memref<80xi32, #tpu.memory_space<vmem>>) semaphore(%arg20 : memref<!tpu.dma_semaphore, #tpu.memory_space<semaphore_mem>>) {add = true}
      %dma_wait3A_390 = arith.constant 0 : i32
      %dma_wait3A_391 = arith.constant 0 : i32
      %dma_wait3A_392 = tpu.memref_slice %arg12[%dma_wait3A_390, %dma_wait3A_391] : memref<125x80xi32, #tpu.memory_space<vmem>> -> memref<1x80xi32, #tpu.memory_space<vmem>>
      %dma_wait3A_393 = tpu.memref_squeeze %dma_wait3A_392 : memref<1x80xi32, #tpu.memory_space<vmem>> -> memref<80xi32, #tpu.memory_space<vmem>>
      %dma_wait3A_394 = arith.constant 0 : i32
      %dma_wait3A_395 = arith.constant 0 : i32
      %dma_wait3A_396 = tpu.memref_slice %arg9[%dma_wait3A_394, %dma_wait3A_395] : memref<40960x64xbf16, #tpu.memory_space<vmem_shared>> -> memref<40960x64xbf16, #tpu.memory_space<vmem_shared>>
      tpu.wait_indirect_dma semaphore(%arg21 : memref<!tpu.dma_semaphore, #tpu.memory_space<semaphore_mem>>) src(%arg15 : memref<80x64xbf16, #tpu.memory_space<vmem>>) dst(%dma_wait3A_396 : memref<40960x64xbf16, #tpu.memory_space<vmem_shared>>)
      %add3A_397 = arith.constant 1 : i32
      %add3A_398 = arith.addi %add3A_376, %add3A_397 : i32
      %dma_start3A_399 = arith.constant 0 : i32
      %dma_start3A_400 = tpu.memref_slice %arg11[%add3A_398, %dma_start3A_399] : memref<125x80xi32, #tpu.memory_space<vmem>> -> memref<1x80xi32, #tpu.memory_space<vmem>>
      %dma_start3A_401 = tpu.memref_squeeze %dma_start3A_400 : memref<1x80xi32, #tpu.memory_space<vmem>> -> memref<80xi32, #tpu.memory_space<vmem>>
      %dma_start3A_402 = arith.constant 0 : i32
      %dma_start3A_403 = arith.constant 0 : i32
      %dma_start3A_404 = tpu.memref_slice %arg10[%dma_start3A_402, %dma_start3A_403] : memref<10000x64xbf16, #tpu.memory_space<vmem_shared>> -> memref<10000x64xbf16, #tpu.memory_space<vmem_shared>>
      tpu.enqueue_indirect_dma source(%dma_start3A_404 : memref<10000x64xbf16, #tpu.memory_space<vmem_shared>>) target(%arg15 : memref<80x64xbf16, #tpu.memory_space<vmem>>) offsets(%dma_start3A_401 : memref<80xi32, #tpu.memory_space<vmem>>) semaphore(%arg18 : memref<!tpu.dma_semaphore, #tpu.memory_space<semaphore_mem>>)
    }
    %scan3A_62 = arith.constant 40 : i32
    %dma_wait3A_63 = arith.constant 0 : i32
    %dma_wait3A_64 = arith.constant 0 : i32
    %dma_wait3A_65 = tpu.memref_slice %arg11[%dma_wait3A_63, %dma_wait3A_64] : memref<125x80xi32, #tpu.memory_space<vmem>> -> memref<1x80xi32, #tpu.memory_space<vmem>>
    %dma_wait3A_66 = tpu.memref_squeeze %dma_wait3A_65 : memref<1x80xi32, #tpu.memory_space<vmem>> -> memref<80xi32, #tpu.memory_space<vmem>>
    %dma_wait3A_67 = arith.constant 0 : i32
    %dma_wait3A_68 = arith.constant 0 : i32
    %dma_wait3A_69 = tpu.memref_slice %arg10[%dma_wait3A_67, %dma_wait3A_68] : memref<10000x64xbf16, #tpu.memory_space<vmem_shared>> -> memref<10000x64xbf16, #tpu.memory_space<vmem_shared>>
    tpu.wait_indirect_dma semaphore(%arg18 : memref<!tpu.dma_semaphore, #tpu.memory_space<semaphore_mem>>) src(%dma_wait3A_69 : memref<10000x64xbf16, #tpu.memory_space<vmem_shared>>) dst(%arg15 : memref<80x64xbf16, #tpu.memory_space<vmem>>)
    %dma_wait3A_70 = arith.constant 0 : i32
    %dma_wait3A_71 = arith.constant 0 : i32
    %dma_wait3A_72 = tpu.memref_slice %arg12[%dma_wait3A_70, %dma_wait3A_71] : memref<125x80xi32, #tpu.memory_space<vmem>> -> memref<1x80xi32, #tpu.memory_space<vmem>>
    %dma_wait3A_73 = tpu.memref_squeeze %dma_wait3A_72 : memref<1x80xi32, #tpu.memory_space<vmem>> -> memref<80xi32, #tpu.memory_space<vmem>>
    %dma_wait3A_74 = arith.constant 0 : i32
    %dma_wait3A_75 = arith.constant 0 : i32
    %dma_wait3A_76 = tpu.memref_slice %arg9[%dma_wait3A_74, %dma_wait3A_75] : memref<40960x64xbf16, #tpu.memory_space<vmem_shared>> -> memref<40960x64xbf16, #tpu.memory_space<vmem_shared>>
    tpu.wait_indirect_dma semaphore(%arg19 : memref<!tpu.dma_semaphore, #tpu.memory_space<semaphore_mem>>) src(%arg13 : memref<80x64xbf16, #tpu.memory_space<vmem>>) dst(%dma_wait3A_76 : memref<40960x64xbf16, #tpu.memory_space<vmem_shared>>)
    %dma_start3A_77 = arith.constant 123 : i32
    %dma_start3A_78 = arith.constant 0 : i32
    %dma_start3A_79 = tpu.memref_slice %arg11[%dma_start3A_77, %dma_start3A_78] : memref<125x80xi32, #tpu.memory_space<vmem>> -> memref<1x80xi32, #tpu.memory_space<vmem>>
    %dma_start3A_80 = tpu.memref_squeeze %dma_start3A_79 : memref<1x80xi32, #tpu.memory_space<vmem>> -> memref<80xi32, #tpu.memory_space<vmem>>
    %dma_start3A_81 = arith.constant 0 : i32
    %dma_start3A_82 = arith.constant 0 : i32
    %dma_start3A_83 = tpu.memref_slice %arg10[%dma_start3A_81, %dma_start3A_82] : memref<10000x64xbf16, #tpu.memory_space<vmem_shared>> -> memref<10000x64xbf16, #tpu.memory_space<vmem_shared>>
    tpu.enqueue_indirect_dma source(%dma_start3A_83 : memref<10000x64xbf16, #tpu.memory_space<vmem_shared>>) target(%arg13 : memref<80x64xbf16, #tpu.memory_space<vmem>>) offsets(%dma_start3A_80 : memref<80xi32, #tpu.memory_space<vmem>>) semaphore(%arg16 : memref<!tpu.dma_semaphore, #tpu.memory_space<semaphore_mem>>)
    %dma_start3A_84 = arith.constant 122 : i32
    %dma_start3A_85 = arith.constant 0 : i32
    %dma_start3A_86 = tpu.memref_slice %arg12[%dma_start3A_84, %dma_start3A_85] : memref<125x80xi32, #tpu.memory_space<vmem>> -> memref<1x80xi32, #tpu.memory_space<vmem>>
    %dma_start3A_87 = tpu.memref_squeeze %dma_start3A_86 : memref<1x80xi32, #tpu.memory_space<vmem>> -> memref<80xi32, #tpu.memory_space<vmem>>
    %dma_start3A_88 = arith.constant 0 : i32
    %dma_start3A_89 = arith.constant 0 : i32
    %dma_start3A_90 = tpu.memref_slice %arg9[%dma_start3A_88, %dma_start3A_89] : memref<40960x64xbf16, #tpu.memory_space<vmem_shared>> -> memref<40960x64xbf16, #tpu.memory_space<vmem_shared>>
    tpu.enqueue_indirect_dma source(%arg15 : memref<80x64xbf16, #tpu.memory_space<vmem>>) target(%dma_start3A_90 : memref<40960x64xbf16, #tpu.memory_space<vmem_shared>>) offsets(%dma_start3A_87 : memref<80xi32, #tpu.memory_space<vmem>>) semaphore(%arg21 : memref<!tpu.dma_semaphore, #tpu.memory_space<semaphore_mem>>) {add = true}
    %dma_wait3A_91 = arith.constant 0 : i32
    %dma_wait3A_92 = arith.constant 0 : i32
    %dma_wait3A_93 = tpu.memref_slice %arg11[%dma_wait3A_91, %dma_wait3A_92] : memref<125x80xi32, #tpu.memory_space<vmem>> -> memref<1x80xi32, #tpu.memory_space<vmem>>
    %dma_wait3A_94 = tpu.memref_squeeze %dma_wait3A_93 : memref<1x80xi32, #tpu.memory_space<vmem>> -> memref<80xi32, #tpu.memory_space<vmem>>
    %dma_wait3A_95 = arith.constant 0 : i32
    %dma_wait3A_96 = arith.constant 0 : i32
    %dma_wait3A_97 = tpu.memref_slice %arg10[%dma_wait3A_95, %dma_wait3A_96] : memref<10000x64xbf16, #tpu.memory_space<vmem_shared>> -> memref<10000x64xbf16, #tpu.memory_space<vmem_shared>>
    tpu.wait_indirect_dma semaphore(%arg16 : memref<!tpu.dma_semaphore, #tpu.memory_space<semaphore_mem>>) src(%dma_wait3A_97 : memref<10000x64xbf16, #tpu.memory_space<vmem_shared>>) dst(%arg13 : memref<80x64xbf16, #tpu.memory_space<vmem>>)
    %dma_wait3A_98 = arith.constant 0 : i32
    %dma_wait3A_99 = arith.constant 0 : i32
    %dma_wait3A_100 = tpu.memref_slice %arg12[%dma_wait3A_98, %dma_wait3A_99] : memref<125x80xi32, #tpu.memory_space<vmem>> -> memref<1x80xi32, #tpu.memory_space<vmem>>
    %dma_wait3A_101 = tpu.memref_squeeze %dma_wait3A_100 : memref<1x80xi32, #tpu.memory_space<vmem>> -> memref<80xi32, #tpu.memory_space<vmem>>
    %dma_wait3A_102 = arith.constant 0 : i32
    %dma_wait3A_103 = arith.constant 0 : i32
    %dma_wait3A_104 = tpu.memref_slice %arg9[%dma_wait3A_102, %dma_wait3A_103] : memref<40960x64xbf16, #tpu.memory_space<vmem_shared>> -> memref<40960x64xbf16, #tpu.memory_space<vmem_shared>>
    tpu.wait_indirect_dma semaphore(%arg20 : memref<!tpu.dma_semaphore, #tpu.memory_space<semaphore_mem>>) src(%arg14 : memref<80x64xbf16, #tpu.memory_space<vmem>>) dst(%dma_wait3A_104 : memref<40960x64xbf16, #tpu.memory_space<vmem_shared>>)
    %dma_start3A_105 = arith.constant 124 : i32
    %dma_start3A_106 = arith.constant 0 : i32
    %dma_start3A_107 = tpu.memref_slice %arg11[%dma_start3A_105, %dma_start3A_106] : memref<125x80xi32, #tpu.memory_space<vmem>> -> memref<1x80xi32, #tpu.memory_space<vmem>>
    %dma_start3A_108 = tpu.memref_squeeze %dma_start3A_107 : memref<1x80xi32, #tpu.memory_space<vmem>> -> memref<80xi32, #tpu.memory_space<vmem>>
    %dma_start3A_109 = arith.constant 0 : i32
    %dma_start3A_110 = arith.constant 0 : i32
    %dma_start3A_111 = tpu.memref_slice %arg10[%dma_start3A_109, %dma_start3A_110] : memref<10000x64xbf16, #tpu.memory_space<vmem_shared>> -> memref<10000x64xbf16, #tpu.memory_space<vmem_shared>>
    tpu.enqueue_indirect_dma source(%dma_start3A_111 : memref<10000x64xbf16, #tpu.memory_space<vmem_shared>>) target(%arg14 : memref<80x64xbf16, #tpu.memory_space<vmem>>) offsets(%dma_start3A_108 : memref<80xi32, #tpu.memory_space<vmem>>) semaphore(%arg17 : memref<!tpu.dma_semaphore, #tpu.memory_space<semaphore_mem>>)
    %dma_start3A_112 = arith.constant 123 : i32
    %dma_start3A_113 = arith.constant 0 : i32
    %dma_start3A_114 = tpu.memref_slice %arg12[%dma_start3A_112, %dma_start3A_113] : memref<125x80xi32, #tpu.memory_space<vmem>> -> memref<1x80xi32, #tpu.memory_space<vmem>>
    %dma_start3A_115 = tpu.memref_squeeze %dma_start3A_114 : memref<1x80xi32, #tpu.memory_space<vmem>> -> memref<80xi32, #tpu.memory_space<vmem>>
    %dma_start3A_116 = arith.constant 0 : i32
    %dma_start3A_117 = arith.constant 0 : i32
    %dma_start3A_118 = tpu.memref_slice %arg9[%dma_start3A_116, %dma_start3A_117] : memref<40960x64xbf16, #tpu.memory_space<vmem_shared>> -> memref<40960x64xbf16, #tpu.memory_space<vmem_shared>>
    tpu.enqueue_indirect_dma source(%arg13 : memref<80x64xbf16, #tpu.memory_space<vmem>>) target(%dma_start3A_118 : memref<40960x64xbf16, #tpu.memory_space<vmem_shared>>) offsets(%dma_start3A_115 : memref<80xi32, #tpu.memory_space<vmem>>) semaphore(%arg19 : memref<!tpu.dma_semaphore, #tpu.memory_space<semaphore_mem>>) {add = true}
    %dma_wait3A_119 = arith.constant 0 : i32
    %dma_wait3A_120 = arith.constant 0 : i32
    %dma_wait3A_121 = tpu.memref_slice %arg11[%dma_wait3A_119, %dma_wait3A_120] : memref<125x80xi32, #tpu.memory_space<vmem>> -> memref<1x80xi32, #tpu.memory_space<vmem>>
    %dma_wait3A_122 = tpu.memref_squeeze %dma_wait3A_121 : memref<1x80xi32, #tpu.memory_space<vmem>> -> memref<80xi32, #tpu.memory_space<vmem>>
    %dma_wait3A_123 = arith.constant 0 : i32
    %dma_wait3A_124 = arith.constant 0 : i32
    %dma_wait3A_125 = tpu.memref_slice %arg10[%dma_wait3A_123, %dma_wait3A_124] : memref<10000x64xbf16, #tpu.memory_space<vmem_shared>> -> memref<10000x64xbf16, #tpu.memory_space<vmem_shared>>
    tpu.wait_indirect_dma semaphore(%arg17 : memref<!tpu.dma_semaphore, #tpu.memory_space<semaphore_mem>>) src(%dma_wait3A_125 : memref<10000x64xbf16, #tpu.memory_space<vmem_shared>>) dst(%arg14 : memref<80x64xbf16, #tpu.memory_space<vmem>>)
    %dma_start3A_126 = arith.constant 124 : i32
    %dma_start3A_127 = arith.constant 0 : i32
    %dma_start3A_128 = tpu.memref_slice %arg12[%dma_start3A_126, %dma_start3A_127] : memref<125x80xi32, #tpu.memory_space<vmem>> -> memref<1x80xi32, #tpu.memory_space<vmem>>
    %dma_start3A_129 = tpu.memref_squeeze %dma_start3A_128 : memref<1x80xi32, #tpu.memory_space<vmem>> -> memref<80xi32, #tpu.memory_space<vmem>>
    %dma_start3A_130 = arith.constant 0 : i32
    %dma_start3A_131 = arith.constant 0 : i32
    %dma_start3A_132 = tpu.memref_slice %arg9[%dma_start3A_130, %dma_start3A_131] : memref<40960x64xbf16, #tpu.memory_space<vmem_shared>> -> memref<40960x64xbf16, #tpu.memory_space<vmem_shared>>
    tpu.enqueue_indirect_dma source(%arg14 : memref<80x64xbf16, #tpu.memory_space<vmem>>) target(%dma_start3A_132 : memref<40960x64xbf16, #tpu.memory_space<vmem_shared>>) offsets(%dma_start3A_129 : memref<80xi32, #tpu.memory_space<vmem>>) semaphore(%arg20 : memref<!tpu.dma_semaphore, #tpu.memory_space<semaphore_mem>>) {add = true}
    %dma_wait3A_133 = arith.constant 0 : i32
    %dma_wait3A_134 = arith.constant 0 : i32
    %dma_wait3A_135 = tpu.memref_slice %arg12[%dma_wait3A_133, %dma_wait3A_134] : memref<125x80xi32, #tpu.memory_space<vmem>> -> memref<1x80xi32, #tpu.memory_space<vmem>>
    %dma_wait3A_136 = tpu.memref_squeeze %dma_wait3A_135 : memref<1x80xi32, #tpu.memory_space<vmem>> -> memref<80xi32, #tpu.memory_space<vmem>>
    %dma_wait3A_137 = arith.constant 0 : i32
    %dma_wait3A_138 = arith.constant 0 : i32
    %dma_wait3A_139 = tpu.memref_slice %arg9[%dma_wait3A_137, %dma_wait3A_138] : memref<40960x64xbf16, #tpu.memory_space<vmem_shared>> -> memref<40960x64xbf16, #tpu.memory_space<vmem_shared>>
    tpu.wait_indirect_dma semaphore(%arg19 : memref<!tpu.dma_semaphore, #tpu.memory_space<semaphore_mem>>) src(%arg13 : memref<80x64xbf16, #tpu.memory_space<vmem>>) dst(%dma_wait3A_139 : memref<40960x64xbf16, #tpu.memory_space<vmem_shared>>)
    %dma_wait3A_140 = arith.constant 0 : i32
    %dma_wait3A_141 = arith.constant 0 : i32
    %dma_wait3A_142 = tpu.memref_slice %arg12[%dma_wait3A_140, %dma_wait3A_141] : memref<125x80xi32, #tpu.memory_space<vmem>> -> memref<1x80xi32, #tpu.memory_space<vmem>>
    %dma_wait3A_143 = tpu.memref_squeeze %dma_wait3A_142 : memref<1x80xi32, #tpu.memory_space<vmem>> -> memref<80xi32, #tpu.memory_space<vmem>>
    %dma_wait3A_144 = arith.constant 0 : i32
    %dma_wait3A_145 = arith.constant 0 : i32
    %dma_wait3A_146 = tpu.memref_slice %arg9[%dma_wait3A_144, %dma_wait3A_145] : memref<40960x64xbf16, #tpu.memory_space<vmem_shared>> -> memref<40960x64xbf16, #tpu.memory_space<vmem_shared>>
    tpu.wait_indirect_dma semaphore(%arg20 : memref<!tpu.dma_semaphore, #tpu.memory_space<semaphore_mem>>) src(%arg14 : memref<80x64xbf16, #tpu.memory_space<vmem>>) dst(%dma_wait3A_146 : memref<40960x64xbf16, #tpu.memory_space<vmem_shared>>)
    %dma_wait3A_147 = arith.constant 0 : i32
    %dma_wait3A_148 = arith.constant 0 : i32
    %dma_wait3A_149 = tpu.memref_slice %arg12[%dma_wait3A_147, %dma_wait3A_148] : memref<125x80xi32, #tpu.memory_space<vmem>> -> memref<1x80xi32, #tpu.memory_space<vmem>>
    %dma_wait3A_150 = tpu.memref_squeeze %dma_wait3A_149 : memref<1x80xi32, #tpu.memory_space<vmem>> -> memref<80xi32, #tpu.memory_space<vmem>>
    %dma_wait3A_151 = arith.constant 0 : i32
    %dma_wait3A_152 = arith.constant 0 : i32
    %dma_wait3A_153 = tpu.memref_slice %arg9[%dma_wait3A_151, %dma_wait3A_152] : memref<40960x64xbf16, #tpu.memory_space<vmem_shared>> -> memref<40960x64xbf16, #tpu.memory_space<vmem_shared>>
    tpu.wait_indirect_dma semaphore(%arg21 : memref<!tpu.dma_semaphore, #tpu.memory_space<semaphore_mem>>) src(%arg15 : memref<80x64xbf16, #tpu.memory_space<vmem>>) dst(%dma_wait3A_153 : memref<40960x64xbf16, #tpu.memory_space<vmem_shared>>)
    %barrier3A_154 = arith.constant 0 : index
    tpu.barrier barrier_id(%barrier3A_154)
    "tpu.region"() ({
      %run_scoped3A = tpu.sem_alloc : memref<!tpu.dma_semaphore, #tpu.memory_space<semaphore_mem>>
      %dma_start3A_306 = arith.constant 0 : i32
      %dma_start3A_307 = tpu.memref_slice %arg8[%arg0, %mul3A_2, %dma_start3A_306] : memref<2x40960x128xbf16, #tpu.memory_space<hbm>> -> memref<1x2560x64xbf16, #tpu.memory_space<hbm>>
      %dma_start3A_308 = tpu.memref_squeeze %dma_start3A_307 : memref<1x2560x64xbf16, #tpu.memory_space<hbm>> -> memref<2560x64xbf16, #tpu.memory_space<hbm>>
      %dma_start3A_309 = arith.constant 0 : i32
      %dma_start3A_310 = tpu.memref_slice %arg9[%mul3A_2, %dma_start3A_309] : memref<40960x64xbf16, #tpu.memory_space<vmem_shared>> -> memref<2560x64xbf16, #tpu.memory_space<vmem_shared>>
      tpu.enqueue_dma source(%dma_start3A_310 : memref<2560x64xbf16, #tpu.memory_space<vmem_shared>>) target(%dma_start3A_308 : memref<2560x64xbf16, #tpu.memory_space<hbm>>) target_semaphore(%run_scoped3A : memref<!tpu.dma_semaphore, #tpu.memory_space<semaphore_mem>>)
      %dma_wait3A_311 = arith.constant 0 : i32
      %dma_wait3A_312 = tpu.memref_slice %arg8[%arg0, %mul3A_2, %dma_wait3A_311] : memref<2x40960x128xbf16, #tpu.memory_space<hbm>> -> memref<1x2560x64xbf16, #tpu.memory_space<hbm>>
      %dma_wait3A_313 = tpu.memref_squeeze %dma_wait3A_312 : memref<1x2560x64xbf16, #tpu.memory_space<hbm>> -> memref<2560x64xbf16, #tpu.memory_space<hbm>>
      %dma_wait3A_314 = arith.constant 0 : i32
      %dma_wait3A_315 = tpu.memref_slice %arg9[%mul3A_2, %dma_wait3A_314] : memref<40960x64xbf16, #tpu.memory_space<vmem_shared>> -> memref<2560x64xbf16, #tpu.memory_space<vmem_shared>>
      tpu.wait_dma2 semaphore(%run_scoped3A : memref<!tpu.dma_semaphore, #tpu.memory_space<semaphore_mem>>) src(%dma_wait3A_315 : memref<2560x64xbf16, #tpu.memory_space<vmem_shared>>) dst(%dma_wait3A_313 : memref<2560x64xbf16, #tpu.memory_space<hbm>>)
      tpu.yield
    }) : () -> ()
    "tpu.region"() ({
      %run_scoped3A = tpu.sem_alloc : memref<!tpu.dma_semaphore, #tpu.memory_space<semaphore_mem>>
      %dma_start3A_306 = arith.constant 0 : i32
      %dma_start3A_307 = tpu.memref_slice %arg9[%mul3A_2, %dma_start3A_306] : memref<40960x64xbf16, #tpu.memory_space<vmem_shared>> -> memref<2560x64xbf16, #tpu.memory_space<vmem_shared>>
      tpu.enqueue_dma source(%arg7 : memref<2560x64xbf16, #tpu.memory_space<hbm>>) target(%dma_start3A_307 : memref<2560x64xbf16, #tpu.memory_space<vmem_shared>>) target_semaphore(%run_scoped3A : memref<!tpu.dma_semaphore, #tpu.memory_space<semaphore_mem>>)
      %dma_wait3A_308 = arith.constant 0 : i32
      %dma_wait3A_309 = tpu.memref_slice %arg9[%mul3A_2, %dma_wait3A_308] : memref<40960x64xbf16, #tpu.memory_space<vmem_shared>> -> memref<2560x64xbf16, #tpu.memory_space<vmem_shared>>
      tpu.wait_dma2 semaphore(%run_scoped3A : memref<!tpu.dma_semaphore, #tpu.memory_space<semaphore_mem>>) src(%arg7 : memref<2560x64xbf16, #tpu.memory_space<hbm>>) dst(%dma_wait3A_309 : memref<2560x64xbf16, #tpu.memory_space<vmem_shared>>)
      tpu.yield
    }) : () -> ()
    %mul3A_155 = arith.constant 625 : i32
    %mul3A_156 = arith.muli %arg1, %mul3A_155 : i32
    %mul3A_157 = arith.constant 625 : i32
    %mul3A_158 = arith.muli %arg1, %mul3A_157 : i32
    "tpu.region"() ({
      %run_scoped3A = tpu.sem_alloc : memref<!tpu.dma_semaphore, #tpu.memory_space<semaphore_mem>>
      %dma_start3A_306 = arith.constant 0 : i32
      %dma_start3A_307 = tpu.memref_slice %arg10[%mul3A_158, %dma_start3A_306] : memref<10000x64xbf16, #tpu.memory_space<vmem_shared>> -> memref<625x64xbf16, #tpu.memory_space<vmem_shared>>
      %dma_start3A_308 = arith.constant 64 : i32
      %dma_start3A_309 = tpu.memref_slice %arg2[%mul3A_156, %dma_start3A_308] : memref<10000x128xbf16, #tpu.memory_space<hbm>> -> memref<625x64xbf16, #tpu.memory_space<hbm>>
      tpu.enqueue_dma source(%dma_start3A_309 : memref<625x64xbf16, #tpu.memory_space<hbm>>) target(%dma_start3A_307 : memref<625x64xbf16, #tpu.memory_space<vmem_shared>>) target_semaphore(%run_scoped3A : memref<!tpu.dma_semaphore, #tpu.memory_space<semaphore_mem>>)
      %dma_wait3A_310 = arith.constant 0 : i32
      %dma_wait3A_311 = tpu.memref_slice %arg10[%mul3A_158, %dma_wait3A_310] : memref<10000x64xbf16, #tpu.memory_space<vmem_shared>> -> memref<625x64xbf16, #tpu.memory_space<vmem_shared>>
      %dma_wait3A_312 = arith.constant 64 : i32
      %dma_wait3A_313 = tpu.memref_slice %arg2[%mul3A_156, %dma_wait3A_312] : memref<10000x128xbf16, #tpu.memory_space<hbm>> -> memref<625x64xbf16, #tpu.memory_space<hbm>>
      tpu.wait_dma2 semaphore(%run_scoped3A : memref<!tpu.dma_semaphore, #tpu.memory_space<semaphore_mem>>) src(%dma_wait3A_313 : memref<625x64xbf16, #tpu.memory_space<hbm>>) dst(%dma_wait3A_311 : memref<625x64xbf16, #tpu.memory_space<vmem_shared>>)
      tpu.yield
    }) : () -> ()
    %barrier3A_159 = arith.constant 0 : index
    tpu.barrier barrier_id(%barrier3A_159)
    %dma_start3A_160 = arith.constant 0 : i32
    %dma_start3A_161 = arith.constant 0 : i32
    %dma_start3A_162 = tpu.memref_slice %arg11[%dma_start3A_160, %dma_start3A_161] : memref<125x80xi32, #tpu.memory_space<vmem>> -> memref<1x80xi32, #tpu.memory_space<vmem>>
    %dma_start3A_163 = tpu.memref_squeeze %dma_start3A_162 : memref<1x80xi32, #tpu.memory_space<vmem>> -> memref<80xi32, #tpu.memory_space<vmem>>
    %dma_start3A_164 = arith.constant 0 : i32
    %dma_start3A_165 = arith.constant 0 : i32
    %dma_start3A_166 = tpu.memref_slice %arg10[%dma_start3A_164, %dma_start3A_165] : memref<10000x64xbf16, #tpu.memory_space<vmem_shared>> -> memref<10000x64xbf16, #tpu.memory_space<vmem_shared>>
    tpu.enqueue_indirect_dma source(%dma_start3A_166 : memref<10000x64xbf16, #tpu.memory_space<vmem_shared>>) target(%arg13 : memref<80x64xbf16, #tpu.memory_space<vmem>>) offsets(%dma_start3A_163 : memref<80xi32, #tpu.memory_space<vmem>>) semaphore(%arg16 : memref<!tpu.dma_semaphore, #tpu.memory_space<semaphore_mem>>)
    %dma_wait3A_167 = arith.constant 0 : i32
    %dma_wait3A_168 = arith.constant 0 : i32
    %dma_wait3A_169 = tpu.memref_slice %arg11[%dma_wait3A_167, %dma_wait3A_168] : memref<125x80xi32, #tpu.memory_space<vmem>> -> memref<1x80xi32, #tpu.memory_space<vmem>>
    %dma_wait3A_170 = tpu.memref_squeeze %dma_wait3A_169 : memref<1x80xi32, #tpu.memory_space<vmem>> -> memref<80xi32, #tpu.memory_space<vmem>>
    %dma_wait3A_171 = arith.constant 0 : i32
    %dma_wait3A_172 = arith.constant 0 : i32
    %dma_wait3A_173 = tpu.memref_slice %arg10[%dma_wait3A_171, %dma_wait3A_172] : memref<10000x64xbf16, #tpu.memory_space<vmem_shared>> -> memref<10000x64xbf16, #tpu.memory_space<vmem_shared>>
    tpu.wait_indirect_dma semaphore(%arg16 : memref<!tpu.dma_semaphore, #tpu.memory_space<semaphore_mem>>) src(%dma_wait3A_173 : memref<10000x64xbf16, #tpu.memory_space<vmem_shared>>) dst(%arg13 : memref<80x64xbf16, #tpu.memory_space<vmem>>)
    %dma_start3A_174 = arith.constant 0 : i32
    %dma_start3A_175 = arith.constant 0 : i32
    %dma_start3A_176 = tpu.memref_slice %arg12[%dma_start3A_174, %dma_start3A_175] : memref<125x80xi32, #tpu.memory_space<vmem>> -> memref<1x80xi32, #tpu.memory_space<vmem>>
    %dma_start3A_177 = tpu.memref_squeeze %dma_start3A_176 : memref<1x80xi32, #tpu.memory_space<vmem>> -> memref<80xi32, #tpu.memory_space<vmem>>
    %dma_start3A_178 = arith.constant 0 : i32
    %dma_start3A_179 = arith.constant 0 : i32
    %dma_start3A_180 = tpu.memref_slice %arg9[%dma_start3A_178, %dma_start3A_179] : memref<40960x64xbf16, #tpu.memory_space<vmem_shared>> -> memref<40960x64xbf16, #tpu.memory_space<vmem_shared>>
    tpu.enqueue_indirect_dma source(%arg13 : memref<80x64xbf16, #tpu.memory_space<vmem>>) target(%dma_start3A_180 : memref<40960x64xbf16, #tpu.memory_space<vmem_shared>>) offsets(%dma_start3A_177 : memref<80xi32, #tpu.memory_space<vmem>>) semaphore(%arg19 : memref<!tpu.dma_semaphore, #tpu.memory_space<semaphore_mem>>) {add = true}
    %dma_start3A_181 = arith.constant 1 : i32
    %dma_start3A_182 = arith.constant 0 : i32
    %dma_start3A_183 = tpu.memref_slice %arg11[%dma_start3A_181, %dma_start3A_182] : memref<125x80xi32, #tpu.memory_space<vmem>> -> memref<1x80xi32, #tpu.memory_space<vmem>>
    %dma_start3A_184 = tpu.memref_squeeze %dma_start3A_183 : memref<1x80xi32, #tpu.memory_space<vmem>> -> memref<80xi32, #tpu.memory_space<vmem>>
    %dma_start3A_185 = arith.constant 0 : i32
    %dma_start3A_186 = arith.constant 0 : i32
    %dma_start3A_187 = tpu.memref_slice %arg10[%dma_start3A_185, %dma_start3A_186] : memref<10000x64xbf16, #tpu.memory_space<vmem_shared>> -> memref<10000x64xbf16, #tpu.memory_space<vmem_shared>>
    tpu.enqueue_indirect_dma source(%dma_start3A_187 : memref<10000x64xbf16, #tpu.memory_space<vmem_shared>>) target(%arg14 : memref<80x64xbf16, #tpu.memory_space<vmem>>) offsets(%dma_start3A_184 : memref<80xi32, #tpu.memory_space<vmem>>) semaphore(%arg17 : memref<!tpu.dma_semaphore, #tpu.memory_space<semaphore_mem>>)
    %dma_wait3A_188 = arith.constant 0 : i32
    %dma_wait3A_189 = arith.constant 0 : i32
    %dma_wait3A_190 = tpu.memref_slice %arg11[%dma_wait3A_188, %dma_wait3A_189] : memref<125x80xi32, #tpu.memory_space<vmem>> -> memref<1x80xi32, #tpu.memory_space<vmem>>
    %dma_wait3A_191 = tpu.memref_squeeze %dma_wait3A_190 : memref<1x80xi32, #tpu.memory_space<vmem>> -> memref<80xi32, #tpu.memory_space<vmem>>
    %dma_wait3A_192 = arith.constant 0 : i32
    %dma_wait3A_193 = arith.constant 0 : i32
    %dma_wait3A_194 = tpu.memref_slice %arg10[%dma_wait3A_192, %dma_wait3A_193] : memref<10000x64xbf16, #tpu.memory_space<vmem_shared>> -> memref<10000x64xbf16, #tpu.memory_space<vmem_shared>>
    tpu.wait_indirect_dma semaphore(%arg17 : memref<!tpu.dma_semaphore, #tpu.memory_space<semaphore_mem>>) src(%dma_wait3A_194 : memref<10000x64xbf16, #tpu.memory_space<vmem_shared>>) dst(%arg14 : memref<80x64xbf16, #tpu.memory_space<vmem>>)
    %dma_start3A_195 = arith.constant 1 : i32
    %dma_start3A_196 = arith.constant 0 : i32
    %dma_start3A_197 = tpu.memref_slice %arg12[%dma_start3A_195, %dma_start3A_196] : memref<125x80xi32, #tpu.memory_space<vmem>> -> memref<1x80xi32, #tpu.memory_space<vmem>>
    %dma_start3A_198 = tpu.memref_squeeze %dma_start3A_197 : memref<1x80xi32, #tpu.memory_space<vmem>> -> memref<80xi32, #tpu.memory_space<vmem>>
    %dma_start3A_199 = arith.constant 0 : i32
    %dma_start3A_200 = arith.constant 0 : i32
    %dma_start3A_201 = tpu.memref_slice %arg9[%dma_start3A_199, %dma_start3A_200] : memref<40960x64xbf16, #tpu.memory_space<vmem_shared>> -> memref<40960x64xbf16, #tpu.memory_space<vmem_shared>>
    tpu.enqueue_indirect_dma source(%arg14 : memref<80x64xbf16, #tpu.memory_space<vmem>>) target(%dma_start3A_201 : memref<40960x64xbf16, #tpu.memory_space<vmem_shared>>) offsets(%dma_start3A_198 : memref<80xi32, #tpu.memory_space<vmem>>) semaphore(%arg20 : memref<!tpu.dma_semaphore, #tpu.memory_space<semaphore_mem>>) {add = true}
    %dma_start3A_202 = arith.constant 2 : i32
    %dma_start3A_203 = arith.constant 0 : i32
    %dma_start3A_204 = tpu.memref_slice %arg11[%dma_start3A_202, %dma_start3A_203] : memref<125x80xi32, #tpu.memory_space<vmem>> -> memref<1x80xi32, #tpu.memory_space<vmem>>
    %dma_start3A_205 = tpu.memref_squeeze %dma_start3A_204 : memref<1x80xi32, #tpu.memory_space<vmem>> -> memref<80xi32, #tpu.memory_space<vmem>>
    %dma_start3A_206 = arith.constant 0 : i32
    %dma_start3A_207 = arith.constant 0 : i32
    %dma_start3A_208 = tpu.memref_slice %arg10[%dma_start3A_206, %dma_start3A_207] : memref<10000x64xbf16, #tpu.memory_space<vmem_shared>> -> memref<10000x64xbf16, #tpu.memory_space<vmem_shared>>
    tpu.enqueue_indirect_dma source(%dma_start3A_208 : memref<10000x64xbf16, #tpu.memory_space<vmem_shared>>) target(%arg15 : memref<80x64xbf16, #tpu.memory_space<vmem>>) offsets(%dma_start3A_205 : memref<80xi32, #tpu.memory_space<vmem>>) semaphore(%arg18 : memref<!tpu.dma_semaphore, #tpu.memory_space<semaphore_mem>>)
    %scan3A_209 = arith.constant 0 : i32
    %scan3A_210 = arith.constant 40 : i32
    %scan3A_211 = arith.addi %scan3A_209, %scan3A_210 : i32
    %scan3A_212 = arith.constant 1 : i32
    scf.for %scan3A_306 = %scan3A_209 to %scan3A_211 step %scan3A_212  : i32 {
      %mul3A_307 = arith.constant 1 : i32
      %mul3A_308 = arith.muli %scan3A_306, %mul3A_307 : i32
      %add3A_309 = arith.constant 0 : i32
      %add3A_310 = arith.addi %add3A_309, %mul3A_308 : i32
      %mul3A_311 = arith.constant 3 : i32
      %mul3A_312 = arith.muli %add3A_310, %mul3A_311 : i32
      %add3A_313 = arith.constant 2 : i32
      %add3A_314 = arith.addi %add3A_313, %mul3A_312 : i32
      %add3A_315 = arith.constant 0 : i32
      %add3A_316 = arith.addi %add3A_314, %add3A_315 : i32
      %dma_wait3A_317 = arith.constant 0 : i32
      %dma_wait3A_318 = arith.constant 0 : i32
      %dma_wait3A_319 = tpu.memref_slice %arg11[%dma_wait3A_317, %dma_wait3A_318] : memref<125x80xi32, #tpu.memory_space<vmem>> -> memref<1x80xi32, #tpu.memory_space<vmem>>
      %dma_wait3A_320 = tpu.memref_squeeze %dma_wait3A_319 : memref<1x80xi32, #tpu.memory_space<vmem>> -> memref<80xi32, #tpu.memory_space<vmem>>
      %dma_wait3A_321 = arith.constant 0 : i32
      %dma_wait3A_322 = arith.constant 0 : i32
      %dma_wait3A_323 = tpu.memref_slice %arg10[%dma_wait3A_321, %dma_wait3A_322] : memref<10000x64xbf16, #tpu.memory_space<vmem_shared>> -> memref<10000x64xbf16, #tpu.memory_space<vmem_shared>>
      tpu.wait_indirect_dma semaphore(%arg18 : memref<!tpu.dma_semaphore, #tpu.memory_space<semaphore_mem>>) src(%dma_wait3A_323 : memref<10000x64xbf16, #tpu.memory_space<vmem_shared>>) dst(%arg15 : memref<80x64xbf16, #tpu.memory_space<vmem>>)
      %dma_start3A_324 = arith.constant 0 : i32
      %dma_start3A_325 = tpu.memref_slice %arg12[%add3A_316, %dma_start3A_324] : memref<125x80xi32, #tpu.memory_space<vmem>> -> memref<1x80xi32, #tpu.memory_space<vmem>>
      %dma_start3A_326 = tpu.memref_squeeze %dma_start3A_325 : memref<1x80xi32, #tpu.memory_space<vmem>> -> memref<80xi32, #tpu.memory_space<vmem>>
      %dma_start3A_327 = arith.constant 0 : i32
      %dma_start3A_328 = arith.constant 0 : i32
      %dma_start3A_329 = tpu.memref_slice %arg9[%dma_start3A_327, %dma_start3A_328] : memref<40960x64xbf16, #tpu.memory_space<vmem_shared>> -> memref<40960x64xbf16, #tpu.memory_space<vmem_shared>>
      tpu.enqueue_indirect_dma source(%arg15 : memref<80x64xbf16, #tpu.memory_space<vmem>>) target(%dma_start3A_329 : memref<40960x64xbf16, #tpu.memory_space<vmem_shared>>) offsets(%dma_start3A_326 : memref<80xi32, #tpu.memory_space<vmem>>) semaphore(%arg21 : memref<!tpu.dma_semaphore, #tpu.memory_space<semaphore_mem>>) {add = true}
      %dma_wait3A_330 = arith.constant 0 : i32
      %dma_wait3A_331 = arith.constant 0 : i32
      %dma_wait3A_332 = tpu.memref_slice %arg12[%dma_wait3A_330, %dma_wait3A_331] : memref<125x80xi32, #tpu.memory_space<vmem>> -> memref<1x80xi32, #tpu.memory_space<vmem>>
      %dma_wait3A_333 = tpu.memref_squeeze %dma_wait3A_332 : memref<1x80xi32, #tpu.memory_space<vmem>> -> memref<80xi32, #tpu.memory_space<vmem>>
      %dma_wait3A_334 = arith.constant 0 : i32
      %dma_wait3A_335 = arith.constant 0 : i32
      %dma_wait3A_336 = tpu.memref_slice %arg9[%dma_wait3A_334, %dma_wait3A_335] : memref<40960x64xbf16, #tpu.memory_space<vmem_shared>> -> memref<40960x64xbf16, #tpu.memory_space<vmem_shared>>
      tpu.wait_indirect_dma semaphore(%arg19 : memref<!tpu.dma_semaphore, #tpu.memory_space<semaphore_mem>>) src(%arg13 : memref<80x64xbf16, #tpu.memory_space<vmem>>) dst(%dma_wait3A_336 : memref<40960x64xbf16, #tpu.memory_space<vmem_shared>>)
      %add3A_337 = arith.constant 1 : i32
      %add3A_338 = arith.addi %add3A_316, %add3A_337 : i32
      %dma_start3A_339 = arith.constant 0 : i32
      %dma_start3A_340 = tpu.memref_slice %arg11[%add3A_338, %dma_start3A_339] : memref<125x80xi32, #tpu.memory_space<vmem>> -> memref<1x80xi32, #tpu.memory_space<vmem>>
      %dma_start3A_341 = tpu.memref_squeeze %dma_start3A_340 : memref<1x80xi32, #tpu.memory_space<vmem>> -> memref<80xi32, #tpu.memory_space<vmem>>
      %dma_start3A_342 = arith.constant 0 : i32
      %dma_start3A_343 = arith.constant 0 : i32
      %dma_start3A_344 = tpu.memref_slice %arg10[%dma_start3A_342, %dma_start3A_343] : memref<10000x64xbf16, #tpu.memory_space<vmem_shared>> -> memref<10000x64xbf16, #tpu.memory_space<vmem_shared>>
      tpu.enqueue_indirect_dma source(%dma_start3A_344 : memref<10000x64xbf16, #tpu.memory_space<vmem_shared>>) target(%arg13 : memref<80x64xbf16, #tpu.memory_space<vmem>>) offsets(%dma_start3A_341 : memref<80xi32, #tpu.memory_space<vmem>>) semaphore(%arg16 : memref<!tpu.dma_semaphore, #tpu.memory_space<semaphore_mem>>)
      %add3A_345 = arith.constant 1 : i32
      %add3A_346 = arith.addi %add3A_314, %add3A_345 : i32
      %dma_wait3A_347 = arith.constant 0 : i32
      %dma_wait3A_348 = arith.constant 0 : i32
      %dma_wait3A_349 = tpu.memref_slice %arg11[%dma_wait3A_347, %dma_wait3A_348] : memref<125x80xi32, #tpu.memory_space<vmem>> -> memref<1x80xi32, #tpu.memory_space<vmem>>
      %dma_wait3A_350 = tpu.memref_squeeze %dma_wait3A_349 : memref<1x80xi32, #tpu.memory_space<vmem>> -> memref<80xi32, #tpu.memory_space<vmem>>
      %dma_wait3A_351 = arith.constant 0 : i32
      %dma_wait3A_352 = arith.constant 0 : i32
      %dma_wait3A_353 = tpu.memref_slice %arg10[%dma_wait3A_351, %dma_wait3A_352] : memref<10000x64xbf16, #tpu.memory_space<vmem_shared>> -> memref<10000x64xbf16, #tpu.memory_space<vmem_shared>>
      tpu.wait_indirect_dma semaphore(%arg16 : memref<!tpu.dma_semaphore, #tpu.memory_space<semaphore_mem>>) src(%dma_wait3A_353 : memref<10000x64xbf16, #tpu.memory_space<vmem_shared>>) dst(%arg13 : memref<80x64xbf16, #tpu.memory_space<vmem>>)
      %dma_start3A_354 = arith.constant 0 : i32
      %dma_start3A_355 = tpu.memref_slice %arg12[%add3A_346, %dma_start3A_354] : memref<125x80xi32, #tpu.memory_space<vmem>> -> memref<1x80xi32, #tpu.memory_space<vmem>>
      %dma_start3A_356 = tpu.memref_squeeze %dma_start3A_355 : memref<1x80xi32, #tpu.memory_space<vmem>> -> memref<80xi32, #tpu.memory_space<vmem>>
      %dma_start3A_357 = arith.constant 0 : i32
      %dma_start3A_358 = arith.constant 0 : i32
      %dma_start3A_359 = tpu.memref_slice %arg9[%dma_start3A_357, %dma_start3A_358] : memref<40960x64xbf16, #tpu.memory_space<vmem_shared>> -> memref<40960x64xbf16, #tpu.memory_space<vmem_shared>>
      tpu.enqueue_indirect_dma source(%arg13 : memref<80x64xbf16, #tpu.memory_space<vmem>>) target(%dma_start3A_359 : memref<40960x64xbf16, #tpu.memory_space<vmem_shared>>) offsets(%dma_start3A_356 : memref<80xi32, #tpu.memory_space<vmem>>) semaphore(%arg19 : memref<!tpu.dma_semaphore, #tpu.memory_space<semaphore_mem>>) {add = true}
      %dma_wait3A_360 = arith.constant 0 : i32
      %dma_wait3A_361 = arith.constant 0 : i32
      %dma_wait3A_362 = tpu.memref_slice %arg12[%dma_wait3A_360, %dma_wait3A_361] : memref<125x80xi32, #tpu.memory_space<vmem>> -> memref<1x80xi32, #tpu.memory_space<vmem>>
      %dma_wait3A_363 = tpu.memref_squeeze %dma_wait3A_362 : memref<1x80xi32, #tpu.memory_space<vmem>> -> memref<80xi32, #tpu.memory_space<vmem>>
      %dma_wait3A_364 = arith.constant 0 : i32
      %dma_wait3A_365 = arith.constant 0 : i32
      %dma_wait3A_366 = tpu.memref_slice %arg9[%dma_wait3A_364, %dma_wait3A_365] : memref<40960x64xbf16, #tpu.memory_space<vmem_shared>> -> memref<40960x64xbf16, #tpu.memory_space<vmem_shared>>
      tpu.wait_indirect_dma semaphore(%arg20 : memref<!tpu.dma_semaphore, #tpu.memory_space<semaphore_mem>>) src(%arg14 : memref<80x64xbf16, #tpu.memory_space<vmem>>) dst(%dma_wait3A_366 : memref<40960x64xbf16, #tpu.memory_space<vmem_shared>>)
      %add3A_367 = arith.constant 1 : i32
      %add3A_368 = arith.addi %add3A_346, %add3A_367 : i32
      %dma_start3A_369 = arith.constant 0 : i32
      %dma_start3A_370 = tpu.memref_slice %arg11[%add3A_368, %dma_start3A_369] : memref<125x80xi32, #tpu.memory_space<vmem>> -> memref<1x80xi32, #tpu.memory_space<vmem>>
      %dma_start3A_371 = tpu.memref_squeeze %dma_start3A_370 : memref<1x80xi32, #tpu.memory_space<vmem>> -> memref<80xi32, #tpu.memory_space<vmem>>
      %dma_start3A_372 = arith.constant 0 : i32
      %dma_start3A_373 = arith.constant 0 : i32
      %dma_start3A_374 = tpu.memref_slice %arg10[%dma_start3A_372, %dma_start3A_373] : memref<10000x64xbf16, #tpu.memory_space<vmem_shared>> -> memref<10000x64xbf16, #tpu.memory_space<vmem_shared>>
      tpu.enqueue_indirect_dma source(%dma_start3A_374 : memref<10000x64xbf16, #tpu.memory_space<vmem_shared>>) target(%arg14 : memref<80x64xbf16, #tpu.memory_space<vmem>>) offsets(%dma_start3A_371 : memref<80xi32, #tpu.memory_space<vmem>>) semaphore(%arg17 : memref<!tpu.dma_semaphore, #tpu.memory_space<semaphore_mem>>)
      %add3A_375 = arith.constant 2 : i32
      %add3A_376 = arith.addi %add3A_314, %add3A_375 : i32
      %dma_wait3A_377 = arith.constant 0 : i32
      %dma_wait3A_378 = arith.constant 0 : i32
      %dma_wait3A_379 = tpu.memref_slice %arg11[%dma_wait3A_377, %dma_wait3A_378] : memref<125x80xi32, #tpu.memory_space<vmem>> -> memref<1x80xi32, #tpu.memory_space<vmem>>
      %dma_wait3A_380 = tpu.memref_squeeze %dma_wait3A_379 : memref<1x80xi32, #tpu.memory_space<vmem>> -> memref<80xi32, #tpu.memory_space<vmem>>
      %dma_wait3A_381 = arith.constant 0 : i32
      %dma_wait3A_382 = arith.constant 0 : i32
      %dma_wait3A_383 = tpu.memref_slice %arg10[%dma_wait3A_381, %dma_wait3A_382] : memref<10000x64xbf16, #tpu.memory_space<vmem_shared>> -> memref<10000x64xbf16, #tpu.memory_space<vmem_shared>>
      tpu.wait_indirect_dma semaphore(%arg17 : memref<!tpu.dma_semaphore, #tpu.memory_space<semaphore_mem>>) src(%dma_wait3A_383 : memref<10000x64xbf16, #tpu.memory_space<vmem_shared>>) dst(%arg14 : memref<80x64xbf16, #tpu.memory_space<vmem>>)
      %dma_start3A_384 = arith.constant 0 : i32
      %dma_start3A_385 = tpu.memref_slice %arg12[%add3A_376, %dma_start3A_384] : memref<125x80xi32, #tpu.memory_space<vmem>> -> memref<1x80xi32, #tpu.memory_space<vmem>>
      %dma_start3A_386 = tpu.memref_squeeze %dma_start3A_385 : memref<1x80xi32, #tpu.memory_space<vmem>> -> memref<80xi32, #tpu.memory_space<vmem>>
      %dma_start3A_387 = arith.constant 0 : i32
      %dma_start3A_388 = arith.constant 0 : i32
      %dma_start3A_389 = tpu.memref_slice %arg9[%dma_start3A_387, %dma_start3A_388] : memref<40960x64xbf16, #tpu.memory_space<vmem_shared>> -> memref<40960x64xbf16, #tpu.memory_space<vmem_shared>>
      tpu.enqueue_indirect_dma source(%arg14 : memref<80x64xbf16, #tpu.memory_space<vmem>>) target(%dma_start3A_389 : memref<40960x64xbf16, #tpu.memory_space<vmem_shared>>) offsets(%dma_start3A_386 : memref<80xi32, #tpu.memory_space<vmem>>) semaphore(%arg20 : memref<!tpu.dma_semaphore, #tpu.memory_space<semaphore_mem>>) {add = true}
      %dma_wait3A_390 = arith.constant 0 : i32
      %dma_wait3A_391 = arith.constant 0 : i32
      %dma_wait3A_392 = tpu.memref_slice %arg12[%dma_wait3A_390, %dma_wait3A_391] : memref<125x80xi32, #tpu.memory_space<vmem>> -> memref<1x80xi32, #tpu.memory_space<vmem>>
      %dma_wait3A_393 = tpu.memref_squeeze %dma_wait3A_392 : memref<1x80xi32, #tpu.memory_space<vmem>> -> memref<80xi32, #tpu.memory_space<vmem>>
      %dma_wait3A_394 = arith.constant 0 : i32
      %dma_wait3A_395 = arith.constant 0 : i32
      %dma_wait3A_396 = tpu.memref_slice %arg9[%dma_wait3A_394, %dma_wait3A_395] : memref<40960x64xbf16, #tpu.memory_space<vmem_shared>> -> memref<40960x64xbf16, #tpu.memory_space<vmem_shared>>
      tpu.wait_indirect_dma semaphore(%arg21 : memref<!tpu.dma_semaphore, #tpu.memory_space<semaphore_mem>>) src(%arg15 : memref<80x64xbf16, #tpu.memory_space<vmem>>) dst(%dma_wait3A_396 : memref<40960x64xbf16, #tpu.memory_space<vmem_shared>>)
      %add3A_397 = arith.constant 1 : i32
      %add3A_398 = arith.addi %add3A_376, %add3A_397 : i32
      %dma_start3A_399 = arith.constant 0 : i32
      %dma_start3A_400 = tpu.memref_slice %arg11[%add3A_398, %dma_start3A_399] : memref<125x80xi32, #tpu.memory_space<vmem>> -> memref<1x80xi32, #tpu.memory_space<vmem>>
      %dma_start3A_401 = tpu.memref_squeeze %dma_start3A_400 : memref<1x80xi32, #tpu.memory_space<vmem>> -> memref<80xi32, #tpu.memory_space<vmem>>
      %dma_start3A_402 = arith.constant 0 : i32
      %dma_start3A_403 = arith.constant 0 : i32
      %dma_start3A_404 = tpu.memref_slice %arg10[%dma_start3A_402, %dma_start3A_403] : memref<10000x64xbf16, #tpu.memory_space<vmem_shared>> -> memref<10000x64xbf16, #tpu.memory_space<vmem_shared>>
      tpu.enqueue_indirect_dma source(%dma_start3A_404 : memref<10000x64xbf16, #tpu.memory_space<vmem_shared>>) target(%arg15 : memref<80x64xbf16, #tpu.memory_space<vmem>>) offsets(%dma_start3A_401 : memref<80xi32, #tpu.memory_space<vmem>>) semaphore(%arg18 : memref<!tpu.dma_semaphore, #tpu.memory_space<semaphore_mem>>)
    }
    %scan3A_213 = arith.constant 40 : i32
    %dma_wait3A_214 = arith.constant 0 : i32
    %dma_wait3A_215 = arith.constant 0 : i32
    %dma_wait3A_216 = tpu.memref_slice %arg11[%dma_wait3A_214, %dma_wait3A_215] : memref<125x80xi32, #tpu.memory_space<vmem>> -> memref<1x80xi32, #tpu.memory_space<vmem>>
    %dma_wait3A_217 = tpu.memref_squeeze %dma_wait3A_216 : memref<1x80xi32, #tpu.memory_space<vmem>> -> memref<80xi32, #tpu.memory_space<vmem>>
    %dma_wait3A_218 = arith.constant 0 : i32
    %dma_wait3A_219 = arith.constant 0 : i32
    %dma_wait3A_220 = tpu.memref_slice %arg10[%dma_wait3A_218, %dma_wait3A_219] : memref<10000x64xbf16, #tpu.memory_space<vmem_shared>> -> memref<10000x64xbf16, #tpu.memory_space<vmem_shared>>
    tpu.wait_indirect_dma semaphore(%arg18 : memref<!tpu.dma_semaphore, #tpu.memory_space<semaphore_mem>>) src(%dma_wait3A_220 : memref<10000x64xbf16, #tpu.memory_space<vmem_shared>>) dst(%arg15 : memref<80x64xbf16, #tpu.memory_space<vmem>>)
    %dma_wait3A_221 = arith.constant 0 : i32
    %dma_wait3A_222 = arith.constant 0 : i32
    %dma_wait3A_223 = tpu.memref_slice %arg12[%dma_wait3A_221, %dma_wait3A_222] : memref<125x80xi32, #tpu.memory_space<vmem>> -> memref<1x80xi32, #tpu.memory_space<vmem>>
    %dma_wait3A_224 = tpu.memref_squeeze %dma_wait3A_223 : memref<1x80xi32, #tpu.memory_space<vmem>> -> memref<80xi32, #tpu.memory_space<vmem>>
    %dma_wait3A_225 = arith.constant 0 : i32
    %dma_wait3A_226 = arith.constant 0 : i32
    %dma_wait3A_227 = tpu.memref_slice %arg9[%dma_wait3A_225, %dma_wait3A_226] : memref<40960x64xbf16, #tpu.memory_space<vmem_shared>> -> memref<40960x64xbf16, #tpu.memory_space<vmem_shared>>
    tpu.wait_indirect_dma semaphore(%arg19 : memref<!tpu.dma_semaphore, #tpu.memory_space<semaphore_mem>>) src(%arg13 : memref<80x64xbf16, #tpu.memory_space<vmem>>) dst(%dma_wait3A_227 : memref<40960x64xbf16, #tpu.memory_space<vmem_shared>>)
    %dma_start3A_228 = arith.constant 123 : i32
    %dma_start3A_229 = arith.constant 0 : i32
    %dma_start3A_230 = tpu.memref_slice %arg11[%dma_start3A_228, %dma_start3A_229] : memref<125x80xi32, #tpu.memory_space<vmem>> -> memref<1x80xi32, #tpu.memory_space<vmem>>
    %dma_start3A_231 = tpu.memref_squeeze %dma_start3A_230 : memref<1x80xi32, #tpu.memory_space<vmem>> -> memref<80xi32, #tpu.memory_space<vmem>>
    %dma_start3A_232 = arith.constant 0 : i32
    %dma_start3A_233 = arith.constant 0 : i32
    %dma_start3A_234 = tpu.memref_slice %arg10[%dma_start3A_232, %dma_start3A_233] : memref<10000x64xbf16, #tpu.memory_space<vmem_shared>> -> memref<10000x64xbf16, #tpu.memory_space<vmem_shared>>
    tpu.enqueue_indirect_dma source(%dma_start3A_234 : memref<10000x64xbf16, #tpu.memory_space<vmem_shared>>) target(%arg13 : memref<80x64xbf16, #tpu.memory_space<vmem>>) offsets(%dma_start3A_231 : memref<80xi32, #tpu.memory_space<vmem>>) semaphore(%arg16 : memref<!tpu.dma_semaphore, #tpu.memory_space<semaphore_mem>>)
    %dma_start3A_235 = arith.constant 122 : i32
    %dma_start3A_236 = arith.constant 0 : i32
    %dma_start3A_237 = tpu.memref_slice %arg12[%dma_start3A_235, %dma_start3A_236] : memref<125x80xi32, #tpu.memory_space<vmem>> -> memref<1x80xi32, #tpu.memory_space<vmem>>
    %dma_start3A_238 = tpu.memref_squeeze %dma_start3A_237 : memref<1x80xi32, #tpu.memory_space<vmem>> -> memref<80xi32, #tpu.memory_space<vmem>>
    %dma_start3A_239 = arith.constant 0 : i32
    %dma_start3A_240 = arith.constant 0 : i32
    %dma_start3A_241 = tpu.memref_slice %arg9[%dma_start3A_239, %dma_start3A_240] : memref<40960x64xbf16, #tpu.memory_space<vmem_shared>> -> memref<40960x64xbf16, #tpu.memory_space<vmem_shared>>
    tpu.enqueue_indirect_dma source(%arg15 : memref<80x64xbf16, #tpu.memory_space<vmem>>) target(%dma_start3A_241 : memref<40960x64xbf16, #tpu.memory_space<vmem_shared>>) offsets(%dma_start3A_238 : memref<80xi32, #tpu.memory_space<vmem>>) semaphore(%arg21 : memref<!tpu.dma_semaphore, #tpu.memory_space<semaphore_mem>>) {add = true}
    %dma_wait3A_242 = arith.constant 0 : i32
    %dma_wait3A_243 = arith.constant 0 : i32
    %dma_wait3A_244 = tpu.memref_slice %arg11[%dma_wait3A_242, %dma_wait3A_243] : memref<125x80xi32, #tpu.memory_space<vmem>> -> memref<1x80xi32, #tpu.memory_space<vmem>>
    %dma_wait3A_245 = tpu.memref_squeeze %dma_wait3A_244 : memref<1x80xi32, #tpu.memory_space<vmem>> -> memref<80xi32, #tpu.memory_space<vmem>>
    %dma_wait3A_246 = arith.constant 0 : i32
    %dma_wait3A_247 = arith.constant 0 : i32
    %dma_wait3A_248 = tpu.memref_slice %arg10[%dma_wait3A_246, %dma_wait3A_247] : memref<10000x64xbf16, #tpu.memory_space<vmem_shared>> -> memref<10000x64xbf16, #tpu.memory_space<vmem_shared>>
    tpu.wait_indirect_dma semaphore(%arg16 : memref<!tpu.dma_semaphore, #tpu.memory_space<semaphore_mem>>) src(%dma_wait3A_248 : memref<10000x64xbf16, #tpu.memory_space<vmem_shared>>) dst(%arg13 : memref<80x64xbf16, #tpu.memory_space<vmem>>)
    %dma_wait3A_249 = arith.constant 0 : i32
    %dma_wait3A_250 = arith.constant 0 : i32
    %dma_wait3A_251 = tpu.memref_slice %arg12[%dma_wait3A_249, %dma_wait3A_250] : memref<125x80xi32, #tpu.memory_space<vmem>> -> memref<1x80xi32, #tpu.memory_space<vmem>>
    %dma_wait3A_252 = tpu.memref_squeeze %dma_wait3A_251 : memref<1x80xi32, #tpu.memory_space<vmem>> -> memref<80xi32, #tpu.memory_space<vmem>>
    %dma_wait3A_253 = arith.constant 0 : i32
    %dma_wait3A_254 = arith.constant 0 : i32
    %dma_wait3A_255 = tpu.memref_slice %arg9[%dma_wait3A_253, %dma_wait3A_254] : memref<40960x64xbf16, #tpu.memory_space<vmem_shared>> -> memref<40960x64xbf16, #tpu.memory_space<vmem_shared>>
    tpu.wait_indirect_dma semaphore(%arg20 : memref<!tpu.dma_semaphore, #tpu.memory_space<semaphore_mem>>) src(%arg14 : memref<80x64xbf16, #tpu.memory_space<vmem>>) dst(%dma_wait3A_255 : memref<40960x64xbf16, #tpu.memory_space<vmem_shared>>)
    %dma_start3A_256 = arith.constant 124 : i32
    %dma_start3A_257 = arith.constant 0 : i32
    %dma_start3A_258 = tpu.memref_slice %arg11[%dma_start3A_256, %dma_start3A_257] : memref<125x80xi32, #tpu.memory_space<vmem>> -> memref<1x80xi32, #tpu.memory_space<vmem>>
    %dma_start3A_259 = tpu.memref_squeeze %dma_start3A_258 : memref<1x80xi32, #tpu.memory_space<vmem>> -> memref<80xi32, #tpu.memory_space<vmem>>
    %dma_start3A_260 = arith.constant 0 : i32
    %dma_start3A_261 = arith.constant 0 : i32
    %dma_start3A_262 = tpu.memref_slice %arg10[%dma_start3A_260, %dma_start3A_261] : memref<10000x64xbf16, #tpu.memory_space<vmem_shared>> -> memref<10000x64xbf16, #tpu.memory_space<vmem_shared>>
    tpu.enqueue_indirect_dma source(%dma_start3A_262 : memref<10000x64xbf16, #tpu.memory_space<vmem_shared>>) target(%arg14 : memref<80x64xbf16, #tpu.memory_space<vmem>>) offsets(%dma_start3A_259 : memref<80xi32, #tpu.memory_space<vmem>>) semaphore(%arg17 : memref<!tpu.dma_semaphore, #tpu.memory_space<semaphore_mem>>)
    %dma_start3A_263 = arith.constant 123 : i32
    %dma_start3A_264 = arith.constant 0 : i32
    %dma_start3A_265 = tpu.memref_slice %arg12[%dma_start3A_263, %dma_start3A_264] : memref<125x80xi32, #tpu.memory_space<vmem>> -> memref<1x80xi32, #tpu.memory_space<vmem>>
    %dma_start3A_266 = tpu.memref_squeeze %dma_start3A_265 : memref<1x80xi32, #tpu.memory_space<vmem>> -> memref<80xi32, #tpu.memory_space<vmem>>
    %dma_start3A_267 = arith.constant 0 : i32
    %dma_start3A_268 = arith.constant 0 : i32
    %dma_start3A_269 = tpu.memref_slice %arg9[%dma_start3A_267, %dma_start3A_268] : memref<40960x64xbf16, #tpu.memory_space<vmem_shared>> -> memref<40960x64xbf16, #tpu.memory_space<vmem_shared>>
    tpu.enqueue_indirect_dma source(%arg13 : memref<80x64xbf16, #tpu.memory_space<vmem>>) target(%dma_start3A_269 : memref<40960x64xbf16, #tpu.memory_space<vmem_shared>>) offsets(%dma_start3A_266 : memref<80xi32, #tpu.memory_space<vmem>>) semaphore(%arg19 : memref<!tpu.dma_semaphore, #tpu.memory_space<semaphore_mem>>) {add = true}
    %dma_wait3A_270 = arith.constant 0 : i32
    %dma_wait3A_271 = arith.constant 0 : i32
    %dma_wait3A_272 = tpu.memref_slice %arg11[%dma_wait3A_270, %dma_wait3A_271] : memref<125x80xi32, #tpu.memory_space<vmem>> -> memref<1x80xi32, #tpu.memory_space<vmem>>
    %dma_wait3A_273 = tpu.memref_squeeze %dma_wait3A_272 : memref<1x80xi32, #tpu.memory_space<vmem>> -> memref<80xi32, #tpu.memory_space<vmem>>
    %dma_wait3A_274 = arith.constant 0 : i32
    %dma_wait3A_275 = arith.constant 0 : i32
    %dma_wait3A_276 = tpu.memref_slice %arg10[%dma_wait3A_274, %dma_wait3A_275] : memref<10000x64xbf16, #tpu.memory_space<vmem_shared>> -> memref<10000x64xbf16, #tpu.memory_space<vmem_shared>>
    tpu.wait_indirect_dma semaphore(%arg17 : memref<!tpu.dma_semaphore, #tpu.memory_space<semaphore_mem>>) src(%dma_wait3A_276 : memref<10000x64xbf16, #tpu.memory_space<vmem_shared>>) dst(%arg14 : memref<80x64xbf16, #tpu.memory_space<vmem>>)
    %dma_start3A_277 = arith.constant 124 : i32
    %dma_start3A_278 = arith.constant 0 : i32
    %dma_start3A_279 = tpu.memref_slice %arg12[%dma_start3A_277, %dma_start3A_278] : memref<125x80xi32, #tpu.memory_space<vmem>> -> memref<1x80xi32, #tpu.memory_space<vmem>>
    %dma_start3A_280 = tpu.memref_squeeze %dma_start3A_279 : memref<1x80xi32, #tpu.memory_space<vmem>> -> memref<80xi32, #tpu.memory_space<vmem>>
    %dma_start3A_281 = arith.constant 0 : i32
    %dma_start3A_282 = arith.constant 0 : i32
    %dma_start3A_283 = tpu.memref_slice %arg9[%dma_start3A_281, %dma_start3A_282] : memref<40960x64xbf16, #tpu.memory_space<vmem_shared>> -> memref<40960x64xbf16, #tpu.memory_space<vmem_shared>>
    tpu.enqueue_indirect_dma source(%arg14 : memref<80x64xbf16, #tpu.memory_space<vmem>>) target(%dma_start3A_283 : memref<40960x64xbf16, #tpu.memory_space<vmem_shared>>) offsets(%dma_start3A_280 : memref<80xi32, #tpu.memory_space<vmem>>) semaphore(%arg20 : memref<!tpu.dma_semaphore, #tpu.memory_space<semaphore_mem>>) {add = true}
    %dma_wait3A_284 = arith.constant 0 : i32
    %dma_wait3A_285 = arith.constant 0 : i32
    %dma_wait3A_286 = tpu.memref_slice %arg12[%dma_wait3A_284, %dma_wait3A_285] : memref<125x80xi32, #tpu.memory_space<vmem>> -> memref<1x80xi32, #tpu.memory_space<vmem>>
    %dma_wait3A_287 = tpu.memref_squeeze %dma_wait3A_286 : memref<1x80xi32, #tpu.memory_space<vmem>> -> memref<80xi32, #tpu.memory_space<vmem>>
    %dma_wait3A_288 = arith.constant 0 : i32
    %dma_wait3A_289 = arith.constant 0 : i32
    %dma_wait3A_290 = tpu.memref_slice %arg9[%dma_wait3A_288, %dma_wait3A_289] : memref<40960x64xbf16, #tpu.memory_space<vmem_shared>> -> memref<40960x64xbf16, #tpu.memory_space<vmem_shared>>
    tpu.wait_indirect_dma semaphore(%arg19 : memref<!tpu.dma_semaphore, #tpu.memory_space<semaphore_mem>>) src(%arg13 : memref<80x64xbf16, #tpu.memory_space<vmem>>) dst(%dma_wait3A_290 : memref<40960x64xbf16, #tpu.memory_space<vmem_shared>>)
    %dma_wait3A_291 = arith.constant 0 : i32
    %dma_wait3A_292 = arith.constant 0 : i32
    %dma_wait3A_293 = tpu.memref_slice %arg12[%dma_wait3A_291, %dma_wait3A_292] : memref<125x80xi32, #tpu.memory_space<vmem>> -> memref<1x80xi32, #tpu.memory_space<vmem>>
    %dma_wait3A_294 = tpu.memref_squeeze %dma_wait3A_293 : memref<1x80xi32, #tpu.memory_space<vmem>> -> memref<80xi32, #tpu.memory_space<vmem>>
    %dma_wait3A_295 = arith.constant 0 : i32
    %dma_wait3A_296 = arith.constant 0 : i32
    %dma_wait3A_297 = tpu.memref_slice %arg9[%dma_wait3A_295, %dma_wait3A_296] : memref<40960x64xbf16, #tpu.memory_space<vmem_shared>> -> memref<40960x64xbf16, #tpu.memory_space<vmem_shared>>
    tpu.wait_indirect_dma semaphore(%arg20 : memref<!tpu.dma_semaphore, #tpu.memory_space<semaphore_mem>>) src(%arg14 : memref<80x64xbf16, #tpu.memory_space<vmem>>) dst(%dma_wait3A_297 : memref<40960x64xbf16, #tpu.memory_space<vmem_shared>>)
    %dma_wait3A_298 = arith.constant 0 : i32
    %dma_wait3A_299 = arith.constant 0 : i32
    %dma_wait3A_300 = tpu.memref_slice %arg12[%dma_wait3A_298, %dma_wait3A_299] : memref<125x80xi32, #tpu.memory_space<vmem>> -> memref<1x80xi32, #tpu.memory_space<vmem>>
    %dma_wait3A_301 = tpu.memref_squeeze %dma_wait3A_300 : memref<1x80xi32, #tpu.memory_space<vmem>> -> memref<80xi32, #tpu.memory_space<vmem>>
    %dma_wait3A_302 = arith.constant 0 : i32
    %dma_wait3A_303 = arith.constant 0 : i32
    %dma_wait3A_304 = tpu.memref_slice %arg9[%dma_wait3A_302, %dma_wait3A_303] : memref<40960x64xbf16, #tpu.memory_space<vmem_shared>> -> memref<40960x64xbf16, #tpu.memory_space<vmem_shared>>
    tpu.wait_indirect_dma semaphore(%arg21 : memref<!tpu.dma_semaphore, #tpu.memory_space<semaphore_mem>>) src(%arg15 : memref<80x64xbf16, #tpu.memory_space<vmem>>) dst(%dma_wait3A_304 : memref<40960x64xbf16, #tpu.memory_space<vmem_shared>>)
    %barrier3A_305 = arith.constant 0 : index
    tpu.barrier barrier_id(%barrier3A_305)
    "tpu.region"() ({
      %run_scoped3A = tpu.sem_alloc : memref<!tpu.dma_semaphore, #tpu.memory_space<semaphore_mem>>
      %dma_start3A_306 = arith.constant 64 : i32
      %dma_start3A_307 = tpu.memref_slice %arg8[%arg0, %mul3A_2, %dma_start3A_306] : memref<2x40960x128xbf16, #tpu.memory_space<hbm>> -> memref<1x2560x64xbf16, #tpu.memory_space<hbm>>
      %dma_start3A_308 = tpu.memref_squeeze %dma_start3A_307 : memref<1x2560x64xbf16, #tpu.memory_space<hbm>> -> memref<2560x64xbf16, #tpu.memory_space<hbm>>
      %dma_start3A_309 = arith.constant 0 : i32
      %dma_start3A_310 = tpu.memref_slice %arg9[%mul3A_2, %dma_start3A_309] : memref<40960x64xbf16, #tpu.memory_space<vmem_shared>> -> memref<2560x64xbf16, #tpu.memory_space<vmem_shared>>
      tpu.enqueue_dma source(%dma_start3A_310 : memref<2560x64xbf16, #tpu.memory_space<vmem_shared>>) target(%dma_start3A_308 : memref<2560x64xbf16, #tpu.memory_space<hbm>>) target_semaphore(%run_scoped3A : memref<!tpu.dma_semaphore, #tpu.memory_space<semaphore_mem>>)
      %dma_wait3A_311 = arith.constant 64 : i32
      %dma_wait3A_312 = tpu.memref_slice %arg8[%arg0, %mul3A_2, %dma_wait3A_311] : memref<2x40960x128xbf16, #tpu.memory_space<hbm>> -> memref<1x2560x64xbf16, #tpu.memory_space<hbm>>
      %dma_wait3A_313 = tpu.memref_squeeze %dma_wait3A_312 : memref<1x2560x64xbf16, #tpu.memory_space<hbm>> -> memref<2560x64xbf16, #tpu.memory_space<hbm>>
      %dma_wait3A_314 = arith.constant 0 : i32
      %dma_wait3A_315 = tpu.memref_slice %arg9[%mul3A_2, %dma_wait3A_314] : memref<40960x64xbf16, #tpu.memory_space<vmem_shared>> -> memref<2560x64xbf16, #tpu.memory_space<vmem_shared>>
      tpu.wait_dma2 semaphore(%run_scoped3A : memref<!tpu.dma_semaphore, #tpu.memory_space<semaphore_mem>>) src(%dma_wait3A_315 : memref<2560x64xbf16, #tpu.memory_space<vmem_shared>>) dst(%dma_wait3A_313 : memref<2560x64xbf16, #tpu.memory_space<hbm>>)
      tpu.yield
    }) : () -> ()
    return
  }
}

module attributes {stable_mosaic.version = 14 : i64} {
  func.func @_dense_body(%arg0: i32, %arg1: memref<2048x128xf32, #tpu.memory_space<vmem>>, %arg2: memref<2x4x2048x128xbf16, #tpu.memory_space<vmem>>, %arg3: memref<2x4x2048x16xbf16, #tpu.memory_space<vmem>>, %arg4: memref<128x128xf32, #tpu.memory_space<vmem>>, %arg5: memref<1x128xf32, #tpu.memory_space<vmem>>, %arg6: memref<4x128x128xf32, #tpu.memory_space<vmem>>, %arg7: memref<2048x128xf32, #tpu.memory_space<vmem>>) attributes {dimension_semantics = [#tpu.dimension_semantics<arbitrary>], iteration_bounds = array<i64: 5>, scalar_prefetch = 0 : i64, scratch_operands = 0 : i64, tpu.core_type = #tpu.core_type<tc>, window_params = [{transform_indices = @transform_0, window_bounds = array<i64: 2048, 128>}, {transform_indices = @transform_1, window_bounds = array<i64: 2, 4, 2048, 128>}, {transform_indices = @transform_2, window_bounds = array<i64: 2, 4, 2048, 16>}, {pipeline_mode = #tpu.pipeline_mode<synchronous>, transform_indices = @transform_3, window_bounds = array<i64: 128, 128>}, {pipeline_mode = #tpu.pipeline_mode<synchronous>, transform_indices = @transform_4, window_bounds = array<i64: 1, 128>}, {pipeline_mode = #tpu.pipeline_mode<synchronous>, transform_indices = @transform_5, window_bounds = array<i64: 4, 128, 128>}, {transform_indices = @transform_6, window_bounds = array<i64: 2048, 128>}]} {
    %get3A = arith.constant 0 : index
    %get3A_0 = arith.constant 0 : index
    %get3A_1 = vector.load %arg1[%get3A, %get3A_0] : memref<2048x128xf32, #tpu.memory_space<vmem>>, vector<2048x128xf32>
    %get3A_2 = arith.constant 0 : index
    %get3A_3 = arith.constant 0 : index
    %get3A_4 = vector.load %arg4[%get3A_2, %get3A_3] : memref<128x128xf32, #tpu.memory_space<vmem>>, vector<128x128xf32>
    %dot_general3A = arith.constant dense<0.000000e+00> : vector<2048x128xf32>
    %dot_general3A_5 = tpu.matmul %get3A_1, %get3A_4, %dot_general3A {dimension_numbers = #tpu.dot_dimension_numbers<[1], [0], [0], [1], [0, 0, 1, 1], [], []>, transpose_lhs_hint = false} : vector<2048x128xf32>, vector<128x128xf32>, vector<2048x128xf32> -> vector<2048x128xf32>
    %get3A_6 = arith.constant 0 : index
    %get3A_7 = arith.constant 0 : index
    %get3A_8 = vector.load %arg5[%get3A_6, %get3A_7] : memref<1x128xf32, #tpu.memory_space<vmem>>, vector<1x128xf32>
    %add3A = vector.broadcast %get3A_8 : vector<1x128xf32> to vector<2048x128xf32>
    %add3A_9 = arith.addf %dot_general3A_5, %add3A : vector<2048x128xf32>
    %get3A_10 = arith.constant 0 : index
    %get3A_11 = arith.constant 0 : index
    %get3A_12 = arith.constant 0 : index
    %get3A_13 = arith.constant 0 : index
    %get3A_14 = vector.load %arg2[%get3A_10, %get3A_11, %get3A_12, %get3A_13] : memref<2x4x2048x128xbf16, #tpu.memory_space<vmem>>, vector<2x4x2048x128xbf16>
    %convert_element_type3A = arith.extf %get3A_14 : vector<2x4x2048x128xbf16> to vector<2x4x2048x128xf32>
    %slice3A = vector.extract_strided_slice %convert_element_type3A {offsets = [0, 0, 0, 0], sizes = [1, 4, 2048, 128], strides = [1, 1, 1, 1]} : vector<2x4x2048x128xf32> to vector<1x4x2048x128xf32>
    %squeeze3A = vector.shape_cast %slice3A : vector<1x4x2048x128xf32> to vector<4x2048x128xf32>
    %slice3A_15 = vector.extract_strided_slice %convert_element_type3A {offsets = [1, 0, 0, 0], sizes = [1, 4, 2048, 128], strides = [1, 1, 1, 1]} : vector<2x4x2048x128xf32> to vector<1x4x2048x128xf32>
    %squeeze3A_16 = vector.shape_cast %slice3A_15 : vector<1x4x2048x128xf32> to vector<4x2048x128xf32>
    %add3A_17 = arith.addf %squeeze3A, %squeeze3A_16 : vector<4x2048x128xf32>
    %get3A_18 = arith.constant 0 : index
    %get3A_19 = arith.constant 0 : index
    %get3A_20 = arith.constant 0 : index
    %get3A_21 = arith.constant 0 : index
    %get3A_22 = vector.load %arg3[%get3A_18, %get3A_19, %get3A_20, %get3A_21] : memref<2x4x2048x16xbf16, #tpu.memory_space<vmem>>, vector<2x4x2048x16xbf16>
    %convert_element_type3A_23 = arith.extf %get3A_22 : vector<2x4x2048x16xbf16> to vector<2x4x2048x16xf32>
    %slice3A_24 = vector.extract_strided_slice %convert_element_type3A_23 {offsets = [0, 0, 0, 0], sizes = [1, 4, 2048, 1], strides = [1, 1, 1, 1]} : vector<2x4x2048x16xf32> to vector<1x4x2048x1xf32>
    %squeeze3A_25 = vector.shape_cast %slice3A_24 : vector<1x4x2048x1xf32> to vector<4x2048xf32>
    %slice3A_26 = vector.extract_strided_slice %convert_element_type3A_23 {offsets = [1, 0, 0, 0], sizes = [1, 4, 2048, 1], strides = [1, 1, 1, 1]} : vector<2x4x2048x16xf32> to vector<1x4x2048x1xf32>
    %squeeze3A_27 = vector.shape_cast %slice3A_26 : vector<1x4x2048x1xf32> to vector<4x2048xf32>
    %add3A_28 = arith.addf %squeeze3A_25, %squeeze3A_27 : vector<4x2048xf32>
    %max3A = arith.constant 1.000000e+00 : f32
    %max3A_29 = vector.broadcast %max3A : f32 to vector<4x2048xf32>
    %max3A_30 = arith.maximumf %add3A_28, %max3A_29 : vector<4x2048xf32>
    %get3A_31 = arith.constant 0 : index
    %get3A_32 = arith.constant 0 : index
    %get3A_33 = arith.constant 0 : index
    %get3A_34 = vector.load %arg6[%get3A_31, %get3A_32, %get3A_33] : memref<4x128x128xf32, #tpu.memory_space<vmem>>, vector<4x128x128xf32>
    %slice3A_35 = vector.extract_strided_slice %add3A_17 {offsets = [0, 0, 0], sizes = [1, 2048, 128], strides = [1, 1, 1]} : vector<4x2048x128xf32> to vector<1x2048x128xf32>
    %squeeze3A_36 = vector.shape_cast %slice3A_35 : vector<1x2048x128xf32> to vector<2048x128xf32>
    %slice3A_37 = vector.extract_strided_slice %max3A_30 {offsets = [0, 0], sizes = [1, 2048], strides = [1, 1]} : vector<4x2048xf32> to vector<1x2048xf32>
    %squeeze3A_38 = vector.shape_cast %slice3A_37 : vector<1x2048xf32> to vector<2048xf32>
    %broadcast_in_dim3A = vector.shape_cast %squeeze3A_38 : vector<2048xf32> to vector<2048x1xf32>
    %div3A = vector.broadcast %broadcast_in_dim3A : vector<2048x1xf32> to vector<2048x128xf32>
    %div3A_39 = arith.divf %squeeze3A_36, %div3A : vector<2048x128xf32>
    %slice3A_40 = vector.extract_strided_slice %get3A_34 {offsets = [0, 0, 0], sizes = [1, 128, 128], strides = [1, 1, 1]} : vector<4x128x128xf32> to vector<1x128x128xf32>
    %squeeze3A_41 = vector.shape_cast %slice3A_40 : vector<1x128x128xf32> to vector<128x128xf32>
    %dot_general3A_42 = arith.constant dense<0.000000e+00> : vector<2048x128xf32>
    %dot_general3A_43 = tpu.matmul %div3A_39, %squeeze3A_41, %dot_general3A_42 {dimension_numbers = #tpu.dot_dimension_numbers<[1], [0], [0], [1], [0, 0, 1, 1], [], []>, transpose_lhs_hint = false} : vector<2048x128xf32>, vector<128x128xf32>, vector<2048x128xf32> -> vector<2048x128xf32>
    %add3A_44 = arith.addf %add3A_9, %dot_general3A_43 : vector<2048x128xf32>
    %slice3A_45 = vector.extract_strided_slice %add3A_17 {offsets = [1, 0, 0], sizes = [1, 2048, 128], strides = [1, 1, 1]} : vector<4x2048x128xf32> to vector<1x2048x128xf32>
    %squeeze3A_46 = vector.shape_cast %slice3A_45 : vector<1x2048x128xf32> to vector<2048x128xf32>
    %slice3A_47 = vector.extract_strided_slice %max3A_30 {offsets = [1, 0], sizes = [1, 2048], strides = [1, 1]} : vector<4x2048xf32> to vector<1x2048xf32>
    %squeeze3A_48 = vector.shape_cast %slice3A_47 : vector<1x2048xf32> to vector<2048xf32>
    %broadcast_in_dim3A_49 = vector.shape_cast %squeeze3A_48 : vector<2048xf32> to vector<2048x1xf32>
    %div3A_50 = vector.broadcast %broadcast_in_dim3A_49 : vector<2048x1xf32> to vector<2048x128xf32>
    %div3A_51 = arith.divf %squeeze3A_46, %div3A_50 : vector<2048x128xf32>
    %slice3A_52 = vector.extract_strided_slice %get3A_34 {offsets = [1, 0, 0], sizes = [1, 128, 128], strides = [1, 1, 1]} : vector<4x128x128xf32> to vector<1x128x128xf32>
    %squeeze3A_53 = vector.shape_cast %slice3A_52 : vector<1x128x128xf32> to vector<128x128xf32>
    %dot_general3A_54 = arith.constant dense<0.000000e+00> : vector<2048x128xf32>
    %dot_general3A_55 = tpu.matmul %div3A_51, %squeeze3A_53, %dot_general3A_54 {dimension_numbers = #tpu.dot_dimension_numbers<[1], [0], [0], [1], [0, 0, 1, 1], [], []>, transpose_lhs_hint = false} : vector<2048x128xf32>, vector<128x128xf32>, vector<2048x128xf32> -> vector<2048x128xf32>
    %add3A_56 = arith.addf %add3A_44, %dot_general3A_55 : vector<2048x128xf32>
    %slice3A_57 = vector.extract_strided_slice %add3A_17 {offsets = [2, 0, 0], sizes = [1, 2048, 128], strides = [1, 1, 1]} : vector<4x2048x128xf32> to vector<1x2048x128xf32>
    %squeeze3A_58 = vector.shape_cast %slice3A_57 : vector<1x2048x128xf32> to vector<2048x128xf32>
    %slice3A_59 = vector.extract_strided_slice %max3A_30 {offsets = [2, 0], sizes = [1, 2048], strides = [1, 1]} : vector<4x2048xf32> to vector<1x2048xf32>
    %squeeze3A_60 = vector.shape_cast %slice3A_59 : vector<1x2048xf32> to vector<2048xf32>
    %broadcast_in_dim3A_61 = vector.shape_cast %squeeze3A_60 : vector<2048xf32> to vector<2048x1xf32>
    %div3A_62 = vector.broadcast %broadcast_in_dim3A_61 : vector<2048x1xf32> to vector<2048x128xf32>
    %div3A_63 = arith.divf %squeeze3A_58, %div3A_62 : vector<2048x128xf32>
    %slice3A_64 = vector.extract_strided_slice %get3A_34 {offsets = [2, 0, 0], sizes = [1, 128, 128], strides = [1, 1, 1]} : vector<4x128x128xf32> to vector<1x128x128xf32>
    %squeeze3A_65 = vector.shape_cast %slice3A_64 : vector<1x128x128xf32> to vector<128x128xf32>
    %dot_general3A_66 = arith.constant dense<0.000000e+00> : vector<2048x128xf32>
    %dot_general3A_67 = tpu.matmul %div3A_63, %squeeze3A_65, %dot_general3A_66 {dimension_numbers = #tpu.dot_dimension_numbers<[1], [0], [0], [1], [0, 0, 1, 1], [], []>, transpose_lhs_hint = false} : vector<2048x128xf32>, vector<128x128xf32>, vector<2048x128xf32> -> vector<2048x128xf32>
    %add3A_68 = arith.addf %add3A_56, %dot_general3A_67 : vector<2048x128xf32>
    %slice3A_69 = vector.extract_strided_slice %add3A_17 {offsets = [3, 0, 0], sizes = [1, 2048, 128], strides = [1, 1, 1]} : vector<4x2048x128xf32> to vector<1x2048x128xf32>
    %squeeze3A_70 = vector.shape_cast %slice3A_69 : vector<1x2048x128xf32> to vector<2048x128xf32>
    %slice3A_71 = vector.extract_strided_slice %max3A_30 {offsets = [3, 0], sizes = [1, 2048], strides = [1, 1]} : vector<4x2048xf32> to vector<1x2048xf32>
    %squeeze3A_72 = vector.shape_cast %slice3A_71 : vector<1x2048xf32> to vector<2048xf32>
    %broadcast_in_dim3A_73 = vector.shape_cast %squeeze3A_72 : vector<2048xf32> to vector<2048x1xf32>
    %div3A_74 = vector.broadcast %broadcast_in_dim3A_73 : vector<2048x1xf32> to vector<2048x128xf32>
    %div3A_75 = arith.divf %squeeze3A_70, %div3A_74 : vector<2048x128xf32>
    %slice3A_76 = vector.extract_strided_slice %get3A_34 {offsets = [3, 0, 0], sizes = [1, 128, 128], strides = [1, 1, 1]} : vector<4x128x128xf32> to vector<1x128x128xf32>
    %squeeze3A_77 = vector.shape_cast %slice3A_76 : vector<1x128x128xf32> to vector<128x128xf32>
    %dot_general3A_78 = arith.constant dense<0.000000e+00> : vector<2048x128xf32>
    %dot_general3A_79 = tpu.matmul %div3A_75, %squeeze3A_77, %dot_general3A_78 {dimension_numbers = #tpu.dot_dimension_numbers<[1], [0], [0], [1], [0, 0, 1, 1], [], []>, transpose_lhs_hint = false} : vector<2048x128xf32>, vector<128x128xf32>, vector<2048x128xf32> -> vector<2048x128xf32>
    %add3A_80 = arith.addf %add3A_68, %dot_general3A_79 : vector<2048x128xf32>
    %max3A_81 = arith.constant 0.000000e+00 : f32
    %max3A_82 = vector.broadcast %max3A_81 : f32 to vector<2048x128xf32>
    %max3A_83 = arith.maximumf %add3A_80, %max3A_82 : vector<2048x128xf32>
    %swap3A = arith.constant 0 : index
    %swap3A_84 = arith.constant 0 : index
    %swap3A_85 = vector.load %arg7[%swap3A, %swap3A_84] : memref<2048x128xf32, #tpu.memory_space<vmem>>, vector<2048x128xf32>
    tpu.vector_store %arg7[%swap3A, %swap3A_84], %max3A_83 {strides = array<i32>} : memref<2048x128xf32, #tpu.memory_space<vmem>>, vector<2048x128xf32>,
    return
  }
  func.func @transform_0(%arg0: i32) -> (i32, i32) {
    %c0_i32 = arith.constant 0 : i32
    %c0_i32_0 = arith.constant 0 : i32
    return %arg0, %c0_i32 : i32, i32
  }
  func.func @transform_1(%arg0: i32) -> (i32, i32, i32, i32) {
    %c0_i32 = arith.constant 0 : i32
    %c0_i32_0 = arith.constant 0 : i32
    %c0_i32_1 = arith.constant 0 : i32
    %c0_i32_2 = arith.constant 0 : i32
    return %c0_i32, %c0_i32_0, %arg0, %c0_i32_1 : i32, i32, i32, i32
  }
  func.func @transform_2(%arg0: i32) -> (i32, i32, i32, i32) {
    %c0_i32 = arith.constant 0 : i32
    %c0_i32_0 = arith.constant 0 : i32
    %c0_i32_1 = arith.constant 0 : i32
    %c0_i32_2 = arith.constant 0 : i32
    return %c0_i32, %c0_i32_0, %arg0, %c0_i32_1 : i32, i32, i32, i32
  }
  func.func @transform_3(%arg0: i32) -> (i32, i32) {
    %c0_i32 = arith.constant 0 : i32
    %c0_i32_0 = arith.constant 0 : i32
    %c0_i32_1 = arith.constant 0 : i32
    return %c0_i32, %c0_i32_0 : i32, i32
  }
  func.func @transform_4(%arg0: i32) -> (i32, i32) {
    %c0_i32 = arith.constant 0 : i32
    %c0_i32_0 = arith.constant 0 : i32
    %c0_i32_1 = arith.constant 0 : i32
    return %c0_i32, %c0_i32_0 : i32, i32
  }
  func.func @transform_5(%arg0: i32) -> (i32, i32, i32) {
    %c0_i32 = arith.constant 0 : i32
    %c0_i32_0 = arith.constant 0 : i32
    %c0_i32_1 = arith.constant 0 : i32
    %c0_i32_2 = arith.constant 0 : i32
    return %c0_i32, %c0_i32_0, %c0_i32_1 : i32, i32, i32
  }
  func.func @transform_6(%arg0: i32) -> (i32, i32) {
    %c0_i32 = arith.constant 0 : i32
    %c0_i32_0 = arith.constant 0 : i32
    return %arg0, %c0_i32 : i32, i32
  }
}

module attributes {stable_mosaic.version = 14 : i64} {
  func.func @_dense_body(%arg0: i32, %arg1: memref<2048x128xf32, #tpu.memory_space<vmem>>, %arg2: memref<2x4x2048x128xbf16, #tpu.memory_space<vmem>>, %arg3: memref<2x4x2048x16xbf16, #tpu.memory_space<vmem>>, %arg4: memref<128x128xf32, #tpu.memory_space<vmem>>, %arg5: memref<1x128xf32, #tpu.memory_space<vmem>>, %arg6: memref<4x128x128xf32, #tpu.memory_space<vmem>>, %arg7: memref<2048x128xf32, #tpu.memory_space<vmem>>) attributes {dimension_semantics = [#tpu.dimension_semantics<arbitrary>], iteration_bounds = array<i64: 5>, scalar_prefetch = 0 : i64, scratch_operands = 0 : i64, tpu.core_type = #tpu.core_type<tc>, window_params = [{transform_indices = @transform_0, window_bounds = array<i64: 2048, 128>}, {transform_indices = @transform_1, window_bounds = array<i64: 2, 4, 2048, 128>}, {transform_indices = @transform_2, window_bounds = array<i64: 2, 4, 2048, 16>}, {pipeline_mode = #tpu.pipeline_mode<synchronous>, transform_indices = @transform_3, window_bounds = array<i64: 128, 128>}, {pipeline_mode = #tpu.pipeline_mode<synchronous>, transform_indices = @transform_4, window_bounds = array<i64: 1, 128>}, {pipeline_mode = #tpu.pipeline_mode<synchronous>, transform_indices = @transform_5, window_bounds = array<i64: 4, 128, 128>}, {transform_indices = @transform_6, window_bounds = array<i64: 2048, 128>}]} {
    %get3A = arith.constant 0 : index
    %get3A_0 = arith.constant 0 : index
    %get3A_1 = vector.load %arg1[%get3A, %get3A_0] : memref<2048x128xf32, #tpu.memory_space<vmem>>, vector<2048x128xf32>
    %get3A_2 = arith.constant 0 : index
    %get3A_3 = arith.constant 0 : index
    %get3A_4 = vector.load %arg4[%get3A_2, %get3A_3] : memref<128x128xf32, #tpu.memory_space<vmem>>, vector<128x128xf32>
    %dot_general3A = arith.constant dense<0.000000e+00> : vector<2048x128xf32>
    %dot_general3A_5 = tpu.matmul %get3A_1, %get3A_4, %dot_general3A {dimension_numbers = #tpu.dot_dimension_numbers<[1], [0], [0], [1], [0, 0, 1, 1], [], []>, transpose_lhs_hint = false} : vector<2048x128xf32>, vector<128x128xf32>, vector<2048x128xf32> -> vector<2048x128xf32>
    %get3A_6 = arith.constant 0 : index
    %get3A_7 = arith.constant 0 : index
    %get3A_8 = vector.load %arg5[%get3A_6, %get3A_7] : memref<1x128xf32, #tpu.memory_space<vmem>>, vector<1x128xf32>
    %add3A = vector.broadcast %get3A_8 : vector<1x128xf32> to vector<2048x128xf32>
    %add3A_9 = arith.addf %dot_general3A_5, %add3A : vector<2048x128xf32>
    %get3A_10 = arith.constant 0 : index
    %get3A_11 = arith.constant 0 : index
    %get3A_12 = arith.constant 0 : index
    %get3A_13 = arith.constant 0 : index
    %get3A_14 = vector.load %arg2[%get3A_10, %get3A_11, %get3A_12, %get3A_13] : memref<2x4x2048x128xbf16, #tpu.memory_space<vmem>>, vector<2x4x2048x128xbf16>
    %convert_element_type3A = arith.extf %get3A_14 : vector<2x4x2048x128xbf16> to vector<2x4x2048x128xf32>
    %slice3A = vector.extract_strided_slice %convert_element_type3A {offsets = [0, 0, 0, 0], sizes = [1, 4, 2048, 128], strides = [1, 1, 1, 1]} : vector<2x4x2048x128xf32> to vector<1x4x2048x128xf32>
    %squeeze3A = vector.shape_cast %slice3A : vector<1x4x2048x128xf32> to vector<4x2048x128xf32>
    %slice3A_15 = vector.extract_strided_slice %convert_element_type3A {offsets = [1, 0, 0, 0], sizes = [1, 4, 2048, 128], strides = [1, 1, 1, 1]} : vector<2x4x2048x128xf32> to vector<1x4x2048x128xf32>
    %squeeze3A_16 = vector.shape_cast %slice3A_15 : vector<1x4x2048x128xf32> to vector<4x2048x128xf32>
    %add3A_17 = arith.addf %squeeze3A, %squeeze3A_16 : vector<4x2048x128xf32>
    %get3A_18 = arith.constant 0 : index
    %get3A_19 = arith.constant 0 : index
    %get3A_20 = arith.constant 0 : index
    %get3A_21 = arith.constant 0 : index
    %get3A_22 = vector.load %arg3[%get3A_18, %get3A_19, %get3A_20, %get3A_21] : memref<2x4x2048x16xbf16, #tpu.memory_space<vmem>>, vector<2x4x2048x16xbf16>
    %convert_element_type3A_23 = arith.extf %get3A_22 : vector<2x4x2048x16xbf16> to vector<2x4x2048x16xf32>
    %slice3A_24 = vector.extract_strided_slice %convert_element_type3A_23 {offsets = [0, 0, 0, 0], sizes = [1, 4, 2048, 1], strides = [1, 1, 1, 1]} : vector<2x4x2048x16xf32> to vector<1x4x2048x1xf32>
    %squeeze3A_25 = vector.shape_cast %slice3A_24 : vector<1x4x2048x1xf32> to vector<4x2048xf32>
    %slice3A_26 = vector.extract_strided_slice %convert_element_type3A_23 {offsets = [1, 0, 0, 0], sizes = [1, 4, 2048, 1], strides = [1, 1, 1, 1]} : vector<2x4x2048x16xf32> to vector<1x4x2048x1xf32>
    %squeeze3A_27 = vector.shape_cast %slice3A_26 : vector<1x4x2048x1xf32> to vector<4x2048xf32>
    %add3A_28 = arith.addf %squeeze3A_25, %squeeze3A_27 : vector<4x2048xf32>
    %max3A = arith.constant 1.000000e+00 : f32
    %max3A_29 = vector.broadcast %max3A : f32 to vector<4x2048xf32>
    %max3A_30 = arith.maximumf %add3A_28, %max3A_29 : vector<4x2048xf32>
    %get3A_31 = arith.constant 0 : index
    %get3A_32 = arith.constant 0 : index
    %get3A_33 = arith.constant 0 : index
    %get3A_34 = vector.load %arg6[%get3A_31, %get3A_32, %get3A_33] : memref<4x128x128xf32, #tpu.memory_space<vmem>>, vector<4x128x128xf32>
    %slice3A_35 = vector.extract_strided_slice %add3A_17 {offsets = [0, 0, 0], sizes = [1, 2048, 128], strides = [1, 1, 1]} : vector<4x2048x128xf32> to vector<1x2048x128xf32>
    %squeeze3A_36 = vector.shape_cast %slice3A_35 : vector<1x2048x128xf32> to vector<2048x128xf32>
    %slice3A_37 = vector.extract_strided_slice %max3A_30 {offsets = [0, 0], sizes = [1, 2048], strides = [1, 1]} : vector<4x2048xf32> to vector<1x2048xf32>
    %squeeze3A_38 = vector.shape_cast %slice3A_37 : vector<1x2048xf32> to vector<2048xf32>
    %broadcast_in_dim3A = vector.shape_cast %squeeze3A_38 : vector<2048xf32> to vector<2048x1xf32>
    %div3A = vector.broadcast %broadcast_in_dim3A : vector<2048x1xf32> to vector<2048x128xf32>
    %div3A_39 = arith.divf %squeeze3A_36, %div3A : vector<2048x128xf32>
    %slice3A_40 = vector.extract_strided_slice %get3A_34 {offsets = [0, 0, 0], sizes = [1, 128, 128], strides = [1, 1, 1]} : vector<4x128x128xf32> to vector<1x128x128xf32>
    %squeeze3A_41 = vector.shape_cast %slice3A_40 : vector<1x128x128xf32> to vector<128x128xf32>
    %dot_general3A_42 = arith.constant dense<0.000000e+00> : vector<2048x128xf32>
    %dot_general3A_43 = tpu.matmul %div3A_39, %squeeze3A_41, %dot_general3A_42 {dimension_numbers = #tpu.dot_dimension_numbers<[1], [0], [0], [1], [0, 0, 1, 1], [], []>, transpose_lhs_hint = false} : vector<2048x128xf32>, vector<128x128xf32>, vector<2048x128xf32> -> vector<2048x128xf32>
    %add3A_44 = arith.addf %add3A_9, %dot_general3A_43 : vector<2048x128xf32>
    %slice3A_45 = vector.extract_strided_slice %add3A_17 {offsets = [1, 0, 0], sizes = [1, 2048, 128], strides = [1, 1, 1]} : vector<4x2048x128xf32> to vector<1x2048x128xf32>
    %squeeze3A_46 = vector.shape_cast %slice3A_45 : vector<1x2048x128xf32> to vector<2048x128xf32>
    %slice3A_47 = vector.extract_strided_slice %max3A_30 {offsets = [1, 0], sizes = [1, 2048], strides = [1, 1]} : vector<4x2048xf32> to vector<1x2048xf32>
    %squeeze3A_48 = vector.shape_cast %slice3A_47 : vector<1x2048xf32> to vector<2048xf32>
    %broadcast_in_dim3A_49 = vector.shape_cast %squeeze3A_48 : vector<2048xf32> to vector<2048x1xf32>
    %div3A_50 = vector.broadcast %broadcast_in_dim3A_49 : vector<2048x1xf32> to vector<2048x128xf32>
    %div3A_51 = arith.divf %squeeze3A_46, %div3A_50 : vector<2048x128xf32>
    %slice3A_52 = vector.extract_strided_slice %get3A_34 {offsets = [1, 0, 0], sizes = [1, 128, 128], strides = [1, 1, 1]} : vector<4x128x128xf32> to vector<1x128x128xf32>
    %squeeze3A_53 = vector.shape_cast %slice3A_52 : vector<1x128x128xf32> to vector<128x128xf32>
    %dot_general3A_54 = arith.constant dense<0.000000e+00> : vector<2048x128xf32>
    %dot_general3A_55 = tpu.matmul %div3A_51, %squeeze3A_53, %dot_general3A_54 {dimension_numbers = #tpu.dot_dimension_numbers<[1], [0], [0], [1], [0, 0, 1, 1], [], []>, transpose_lhs_hint = false} : vector<2048x128xf32>, vector<128x128xf32>, vector<2048x128xf32> -> vector<2048x128xf32>
    %add3A_56 = arith.addf %add3A_44, %dot_general3A_55 : vector<2048x128xf32>
    %slice3A_57 = vector.extract_strided_slice %add3A_17 {offsets = [2, 0, 0], sizes = [1, 2048, 128], strides = [1, 1, 1]} : vector<4x2048x128xf32> to vector<1x2048x128xf32>
    %squeeze3A_58 = vector.shape_cast %slice3A_57 : vector<1x2048x128xf32> to vector<2048x128xf32>
    %slice3A_59 = vector.extract_strided_slice %max3A_30 {offsets = [2, 0], sizes = [1, 2048], strides = [1, 1]} : vector<4x2048xf32> to vector<1x2048xf32>
    %squeeze3A_60 = vector.shape_cast %slice3A_59 : vector<1x2048xf32> to vector<2048xf32>
    %broadcast_in_dim3A_61 = vector.shape_cast %squeeze3A_60 : vector<2048xf32> to vector<2048x1xf32>
    %div3A_62 = vector.broadcast %broadcast_in_dim3A_61 : vector<2048x1xf32> to vector<2048x128xf32>
    %div3A_63 = arith.divf %squeeze3A_58, %div3A_62 : vector<2048x128xf32>
    %slice3A_64 = vector.extract_strided_slice %get3A_34 {offsets = [2, 0, 0], sizes = [1, 128, 128], strides = [1, 1, 1]} : vector<4x128x128xf32> to vector<1x128x128xf32>
    %squeeze3A_65 = vector.shape_cast %slice3A_64 : vector<1x128x128xf32> to vector<128x128xf32>
    %dot_general3A_66 = arith.constant dense<0.000000e+00> : vector<2048x128xf32>
    %dot_general3A_67 = tpu.matmul %div3A_63, %squeeze3A_65, %dot_general3A_66 {dimension_numbers = #tpu.dot_dimension_numbers<[1], [0], [0], [1], [0, 0, 1, 1], [], []>, transpose_lhs_hint = false} : vector<2048x128xf32>, vector<128x128xf32>, vector<2048x128xf32> -> vector<2048x128xf32>
    %add3A_68 = arith.addf %add3A_56, %dot_general3A_67 : vector<2048x128xf32>
    %slice3A_69 = vector.extract_strided_slice %add3A_17 {offsets = [3, 0, 0], sizes = [1, 2048, 128], strides = [1, 1, 1]} : vector<4x2048x128xf32> to vector<1x2048x128xf32>
    %squeeze3A_70 = vector.shape_cast %slice3A_69 : vector<1x2048x128xf32> to vector<2048x128xf32>
    %slice3A_71 = vector.extract_strided_slice %max3A_30 {offsets = [3, 0], sizes = [1, 2048], strides = [1, 1]} : vector<4x2048xf32> to vector<1x2048xf32>
    %squeeze3A_72 = vector.shape_cast %slice3A_71 : vector<1x2048xf32> to vector<2048xf32>
    %broadcast_in_dim3A_73 = vector.shape_cast %squeeze3A_72 : vector<2048xf32> to vector<2048x1xf32>
    %div3A_74 = vector.broadcast %broadcast_in_dim3A_73 : vector<2048x1xf32> to vector<2048x128xf32>
    %div3A_75 = arith.divf %squeeze3A_70, %div3A_74 : vector<2048x128xf32>
    %slice3A_76 = vector.extract_strided_slice %get3A_34 {offsets = [3, 0, 0], sizes = [1, 128, 128], strides = [1, 1, 1]} : vector<4x128x128xf32> to vector<1x128x128xf32>
    %squeeze3A_77 = vector.shape_cast %slice3A_76 : vector<1x128x128xf32> to vector<128x128xf32>
    %dot_general3A_78 = arith.constant dense<0.000000e+00> : vector<2048x128xf32>
    %dot_general3A_79 = tpu.matmul %div3A_75, %squeeze3A_77, %dot_general3A_78 {dimension_numbers = #tpu.dot_dimension_numbers<[1], [0], [0], [1], [0, 0, 1, 1], [], []>, transpose_lhs_hint = false} : vector<2048x128xf32>, vector<128x128xf32>, vector<2048x128xf32> -> vector<2048x128xf32>
    %add3A_80 = arith.addf %add3A_68, %dot_general3A_79 : vector<2048x128xf32>
    %swap3A = arith.constant 0 : index
    %swap3A_81 = arith.constant 0 : index
    %swap3A_82 = vector.load %arg7[%swap3A, %swap3A_81] : memref<2048x128xf32, #tpu.memory_space<vmem>>, vector<2048x128xf32>
    tpu.vector_store %arg7[%swap3A, %swap3A_81], %add3A_80 {strides = array<i32>} : memref<2048x128xf32, #tpu.memory_space<vmem>>, vector<2048x128xf32>,
    return
  }
  func.func @transform_0(%arg0: i32) -> (i32, i32) {
    %c0_i32 = arith.constant 0 : i32
    %c0_i32_0 = arith.constant 0 : i32
    return %arg0, %c0_i32 : i32, i32
  }
  func.func @transform_1(%arg0: i32) -> (i32, i32, i32, i32) {
    %c0_i32 = arith.constant 0 : i32
    %c0_i32_0 = arith.constant 0 : i32
    %c0_i32_1 = arith.constant 0 : i32
    %c0_i32_2 = arith.constant 0 : i32
    return %c0_i32, %c0_i32_0, %arg0, %c0_i32_1 : i32, i32, i32, i32
  }
  func.func @transform_2(%arg0: i32) -> (i32, i32, i32, i32) {
    %c0_i32 = arith.constant 0 : i32
    %c0_i32_0 = arith.constant 0 : i32
    %c0_i32_1 = arith.constant 0 : i32
    %c0_i32_2 = arith.constant 0 : i32
    return %c0_i32, %c0_i32_0, %arg0, %c0_i32_1 : i32, i32, i32, i32
  }
  func.func @transform_3(%arg0: i32) -> (i32, i32) {
    %c0_i32 = arith.constant 0 : i32
    %c0_i32_0 = arith.constant 0 : i32
    %c0_i32_1 = arith.constant 0 : i32
    return %c0_i32, %c0_i32_0 : i32, i32
  }
  func.func @transform_4(%arg0: i32) -> (i32, i32) {
    %c0_i32 = arith.constant 0 : i32
    %c0_i32_0 = arith.constant 0 : i32
    %c0_i32_1 = arith.constant 0 : i32
    return %c0_i32, %c0_i32_0 : i32, i32
  }
  func.func @transform_5(%arg0: i32) -> (i32, i32, i32) {
    %c0_i32 = arith.constant 0 : i32
    %c0_i32_0 = arith.constant 0 : i32
    %c0_i32_1 = arith.constant 0 : i32
    %c0_i32_2 = arith.constant 0 : i32
    return %c0_i32, %c0_i32_0, %c0_i32_1 : i32, i32, i32
  }
  func.func @transform_6(%arg0: i32) -> (i32, i32) {
    %c0_i32 = arith.constant 0 : i32
    %c0_i32_0 = arith.constant 0 : i32
    return %arg0, %c0_i32 : i32, i32
  }
}

</mosaic_0001>

<sc_bundles>
// kernel: kernel.6.cloned.1.call-start
scs
__scs_entry_jumppad:
0x0: {  	(pc) =	sbr.rel $0x88, $3  }
0x1: {  	(tag) =	ssettag $0x0;
	lr =	simm.s32 $0x1  }
0x2: {  	[smem:$0x3F98] =	sst lr;
	_ =	strace $0xD0000000  }
0x3: {  	_ = 	snop  }
0x4: {  	_ = 	snop  }
0x5: {  	_ = 	snop  }
0x6: {  	_ = 	snop  }
0x7: {  	_ = 	snop  }
__scs_overlays_trampoline_lowered:
0x8: {  	[smem:$0x3FA7] =	sst s0  }
0x9: {  	[smem:$0x3FA8] =	sst s1  }
0xa: {  	[smem:$0x3FA9] =	sst s2  }
0xb: {  	[smem:$0x3FAA] =	sst s3  }
0xc: {  	[smem:$0x3FAB] =	sst s4  }
0xd: {  	[smem:$0x3FAC] =	sst s5  }
0xe: {  	[smem:$0x3FAD] =	sst s6  }
0xf: {  	[smem:$0x3FAE] =	sst s7  }
0x10: {  	[smem:$0x3FAF] =	sst s8  }
0x11: {  	[smem:$0x3FB0] =	sst s9;
	s0 =	simm.s32 @!p0 $0x0  }
0x12: {  	s1 =	sld [smem:$0x3F96];
	s0 =	simm.s32 @p0 $0x1  }
0x13: {  	[smem:$0x3FB1] =	sst s0;
	s0 =	simm.s32 @!p1 $0x0  }
0x14: {  	s2 =	sld [smem:$0x3F95];
	s0 =	simm.s32 @p1 $0x1  }
0x15: {  	[smem:$0x3FB2] =	sst s0;
	s0 =	simm.s32 @!p2 $0x0  }
0x16: {  	s3 =	sld [smem:$0x3FDB];
	s0 =	simm.s32 @p2 $0x1  }
0x17: {  	s4 =	simm.s32 $0x1BF5;
	[smem:$0x3FB4] =	sst s0  }
0x18: {  	s0 =	sld [smem:$0x3F97];
	_ =	swait.ge [sflag:s4], $0x0  }
0x19: {  	s7 =	sld [smem:$0x3F98]  }
0x1a: {  	s8 =	sadd.s32 $0xFFFFE003, lr  }
0x1b: {  	s9 =	sadd.s32 $0xFFFFFEF7, lr;
	s5 =	simm.s32 $0xFFFFFFFF;
	p2 =	slt.u32 s8, $0xFFFFF086  }
0x1c: {  	p1 =	slt.u32 s9, $0xF7A;
	s5 =	simm.s32 @!p2 $0x0  }
0x1d: {  	s5 =	simm.s32 @p1 $0x1;
	p0 =	seq.s32 s7, s2  }
0x1e: {  	s7 =	smul.u32 @!p0 $0xF7A, s2;
	p2 =	seq.s32 @!p0 s5, $0x0  }
0x1f: {  	s9 =	smul.u32 $0xF7A, s1;
	s8 =	simm.s32 @!p0 $0x1BF5;
	p2 =	por !p2, p0  }
0x20: {  	[sflag:s8] =	ssyncset.s32 @!p0 $0xFFFFF086;
	s6 =	sadd.s32 @!p0 s3, s7;
	s7 =	simm.s32 @!p0 $0x108  }
0x21: {  	s3 =	sadd.s32 s3, s9;
	s6 =	sadd.s32 @!p0 $0x88, s6;
	s7 =	simm.s32 @p2 $0x1082  }
0x22: {  	[simem:s7], [sflag:s8] =	dma.local @!p0 [hbm:s6], $0xF7A  }
0x23: {  	s9 =	sor.u32 $0xD0000000, s2;
	s6 =	simm.s32 $0x108;
	_ =	swait.ge @!p0 [sflag:s8], $0x0  }
0x24: {  	s3 =	sadd.s32 $0x88, s3;
	s6 =	simm.s32 @!p1 $0x1082;
	[sflag:s4] =	ssyncset.s32 $0xFFFFF086  }
0x25: {  	[simem:s6], [sflag:s4] =	dma.local [hbm:s3], $0xF7A  }
0x26: {  	[smem:$0x3F98] =	sst s1;
	(tag) =	ssettag s2;
	_ =	strace s9  }
0x27: {  	s1 =	sld [smem:$0x3FA8]  }
0x28: {  	s2 =	sld [smem:$0x3FA9]  }
0x29: {  	s4 =	sld [smem:$0x3FAB]  }
0x2a: {  	p0 =	seq.s32 s5, $0x0;
	s5 =	sld [smem:$0x3FAC]  }
0x2b: {  	s6 =	sld [smem:$0x3FAD]  }
0x2c: {  	s7 =	sld [smem:$0x3FAE]  }
0x2d: {  	s3 =	simm.s32 $0x108;
	s8 =	sld [smem:$0x3FAF]  }
0x2e: {  	s3 =	simm.s32 @!p0 $0x1082;
	s9 =	sld [smem:$0x3FB0]  }
0x2f: {  	lr =	sadd.s32 s0, s3;
	s0 =	sld [smem:$0x3FA7]  }
0x30: {  	s3 =	sld [smem:$0x3FAA]  }
0x31: {  	[smem:$0x3FB3] =	sst s10  }
0x32: {  	s10 =	sld [smem:$0x3FB1];
	_ =	sdelay $0x3  }
0x33: {  	p0 =	seq.s32 s10, $0x1;
	s10 =	sld [smem:$0x3FB3];
	_ =	sdelay $0x3  }
0x34: {  	[smem:$0x3FB3] =	sst s10  }
0x35: {  	s10 =	sld [smem:$0x3FB2];
	_ =	sdelay $0x3  }
0x36: {  	p1 =	seq.s32 s10, $0x1;
	s10 =	sld [smem:$0x3FB3];
	_ =	sdelay $0x3  }
0x37: {  	[smem:$0x3FB3] =	sst s10  }
0x38: {  	s10 =	sld [smem:$0x3FB4]  }
0x39: {  	_ = 	snop;
	(pc) =	sbr.ind lr, $3  }
0x3a: {  	_ = 	snop  }
0x3b: {  	_ = 	snop  }
0x3c: {  	p2 =	seq.s32 s10, $0x1;
	s10 =	sld [smem:$0x3FB3]  }
0x3d: {  	_ =	shalt  }
0x3e: {  	_ =	shalt  }
0x3f: {  	_ =	shalt  }
0x40: {  	_ =	shalt  }
0x41: {  	_ =	shalt  }
0x42: {  	_ =	shalt  }
0x43: {  	_ =	shalt  }
0x44: {  	_ =	shalt  }
0x45: {  	_ =	shalt  }
0x46: {  	_ =	shalt  }
0x47: {  	_ =	shalt  }
0x48: {  	_ =	shalt  }
0x49: {  	_ =	shalt  }
0x4a: {  	_ =	shalt  }
0x4b: {  	_ =	shalt  }
0x4c: {  	_ =	shalt  }
0x4d: {  	_ =	shalt  }
0x4e: {  	_ =	shalt  }
0x4f: {  	_ =	shalt  }
0x50: {  	_ =	shalt  }
0x51: {  	_ =	shalt  }
0x52: {  	_ =	shalt  }
0x53: {  	_ =	shalt  }
0x54: {  	_ =	shalt  }
0x55: {  	_ =	shalt  }
0x56: {  	_ =	shalt  }
0x57: {  	_ =	shalt  }
0x58: {  	_ =	shalt  }
0x59: {  	_ =	shalt  }
0x5a: {  	_ =	shalt  }
0x5b: {  	_ =	shalt  }
0x5c: {  	_ =	shalt  }
0x5d: {  	_ =	shalt  }
0x5e: {  	_ =	shalt  }
0x5f: {  	_ =	shalt  }
0x60: {  	_ =	shalt  }
0x61: {  	_ =	shalt  }
0x62: {  	_ =	shalt  }
0x63: {  	_ =	shalt  }
0x64: {  	_ =	shalt  }
0x65: {  	_ =	shalt  }
0x66: {  	_ =	shalt  }
0x67: {  	_ =	shalt  }
0x68: {  	_ =	shalt  }
0x69: {  	_ =	shalt  }
0x6a: {  	_ =	shalt  }
0x6b: {  	_ =	shalt  }
0x6c: {  	_ =	shalt  }
0x6d: {  	_ =	shalt  }
0x6e: {  	_ =	shalt  }
0x6f: {  	_ =	shalt  }
0x70: {  	_ =	shalt  }
0x71: {  	_ =	shalt  }
0x72: {  	_ =	shalt  }
0x73: {  	_ =	shalt  }
0x74: {  	_ =	shalt  }
0x75: {  	_ =	shalt  }
0x76: {  	_ =	shalt  }
0x77: {  	_ =	shalt  }
0x78: {  	_ =	shalt  }
0x79: {  	_ =	shalt  }
0x7a: {  	_ =	shalt  }
0x7b: {  	_ =	shalt  }
0x7c: {  	_ =	shalt  }
0x7d: {  	_ =	shalt  }
0x7e: {  	_ =	shalt  }
0x7f: {  	_ =	shalt  }
0x80: {  	_ =	shalt  }
0x81: {  	_ =	shalt  }
0x82: {  	_ =	shalt  }
0x83: {  	_ =	shalt  }
0x84: {  	_ =	shalt  }
0x85: {  	_ =	shalt  }
0x86: {  	_ =	shalt  }
0x87: {  	_ =	shalt  }
.Lfunc_end0:
.L_simem_size_0:
called_computation_lowered:
.L_overlay_start_0:
0x88: {  	s2 =	sld [smem:$0x3FD9]  }
0x89: {  	s3 =	sld [smem:$0x3FFE];
	_ =	sdelay $0x1  }
0x8a: {  	s1 =	srdreg.scid  }
0x8b: {  	s0 =	sand.u32 $0x1, s1  }
0x8c: {  	s17 =	sshll.u32 s0, $0xA;
	s2 =	sadd.s32 s3, s2  }
0x8d: {  	s2 =	sadd.s32 s2, s17  }
0x8e: {  	[smem:$0x3FBF] =	sst s2  }
0x8f: {  	_ = 	snop  }
0x90: {  	s2 =	sld [smem:$0x3FC7]  }
0x91: {  	s18 =	sld [smem:$0x3FD0];
	(tm) =	ssettm $0x1  }
0x92: {  	s4 =	sld [smem:$0x3FFB];
	_ =	sdelay $0x3  }
0x93: {  	_ =	strace s4  }
0x94: {  	s4 =	sld [smem:$0x3FFC];
	_ =	sdelay $0x3  }
0x95: {  	_ =	strace s4  }
0x96: {  	s4 =	sld [smem:$0x3FFD];
	_ =	sdelay $0x3  }
0x97: {  	_ =	strace s4  }
0x98: {  	_ =	strace $0x8FFFFFFF  }
0x99: {  	s19 =	sld [smem:$0x3FDB];
	_ =	sdelay $0x1  }
0x9a: {  	s5 =	simm.s32 $_scs_section_size  }
0x9b: {  	s6 =	simm.s32 $_size__tile_overlayer_lowered;
	s7 =	simm.s32 $_tile_overlayer_lowered  }
0x9c: {  	s22 =	simm.s32 $0x1BFF;
	s21 =	sshll.u32 s7, $0x1;
	s4 =	sadd.s32 s5, s19  }
0x9d: {  	s8 =	simm.s32 $0x0;
	s20 =	sshll.u32 s6, $0x1;
	s6 =	sadd.s32 s21, s4  }
0x9e: {  	[timem:s8], [sflag:s22] =	dma.local [hbm:s6], s20  }
0x9f: {  	_ =	swait.ge [sflag:s22], s20  }
0xa0: {  	s5 =	ssub.s32 $0x0, s20;
	[sflag:s22] =	ssyncset.done $0x0  }
0xa1: {  	[sflag:s22] =	ssyncadd.s32 s5;
	_ =	sdelay $0x1  }
0xa2: {  	s23 =	simm.s32 $0x1B8B  }
0xa3: {  	_ =	swait.ge [sflag:s23], $0x1  }
0xa4: {  	[sflag:s23] =	ssyncset.done $0x0  }
0xa5: {  	s25 =	simm.s32 $0x1B8E;
	s24 =	sld [smem:$0x3FFE];
	[sflag:s23] =	ssyncadd.s32 $0xFFFFFFFF  }
0xa6: {  	s26 =	simm.s32 $execute0_lowered;
	[smem:$0x3FD2] =	sst s25  }
0xa7: {  	s6 =	sshll.u32 s26, $0x1;
	_ =	strace $0x80000046;
	[dreg:$0x1] =	wrdreg $0xFFFFFFFF  }
0xa8: {  	s28 =	simm.s32 $_size_execute0_lowered;
	s4 =	sadd.s32 s4, s6;
	[dreg:$0x0] =	wrdreg $0x0  }
0xa9: {  	s6 =	sshll.u32 s28, $0x1;
	[dreg:$0x2] =	wrdreg s4  }
0xaa: {  	[dreg:$0x3] =	wrdreg s6  }
0xab: {  	[dreg:$0x4] =	wrdreg $0xC0  }
0xac: {  	_ =	task [dreg:s8], $0x5FFFF  }
0xad: {  	[dreg:$0x1] =	wrdreg $0xFFFFFFFF  }
0xae: {  	[dreg:$0x0] =	wrdreg $0x60  }
0xaf: {  	[dreg:$0x2] =	wrdreg s24  }
0xb0: {  	[dreg:$0x3] =	wrdreg s2  }
0xb1: {  	[dreg:$0x4] =	wrdreg s18  }
0xb2: {  	[dreg:$0x5] =	wrdreg $0x0  }
0xb3: {  	[dreg:$0x6] =	wrdreg $0x140000  }
0xb4: {  	[dreg:$0x7] =	wrdreg $0x9  }
0xb5: {  	_ =	task.clear_ibuf [dreg:s8], $0x8FFFF;
	_ =	strace $0x90000046  }
0xb6: {  	s29 =	simm.s32 $0x9;
	_ =	strace $0x80000048  }
0xb7: {  	_ =	swait.ge [sflag:s29], $0x1  }
0xb8: {  	[sflag:s29] =	ssyncadd.s32 $0xFFFFFFFF  }
0xb9: {  	_ =	strace $0x90000048  }
0xba: {  	_ =	sfence  }
0xbb: {  	s30 =	sld [smem:$0x0];
	_ =	sdelay $0x2  }
0xbc: {  	s31 =	sshll.u32 s1, $0xD;
	s1 =	sshrl.u32 s1, $0x2  }
0xbd: {  	s3 =	sand.u32 $0x4000, s31;
	s1 =	sadd.s32 s1, s30  }
0xbe: {  	s0 =	sor.u32 s3, s0;
	s1 =	sshll.u32 s1, $0x11  }
0xbf: {  	s0 =	sor.u32 s1, s0  }
0xc0: {  	s0 =	sadd.s32 $0x8F2B, s0  }
0xc1: {  	[sflag:s0] =	ssyncadd.remote.s32 $0x1  }
0xc2: {  	_ =	sfence.sel $0xFFFF  }
0xc3: {  	[dreg:$0x0] =	wrdreg $0xFFFFFFFF;
	(pc) =	sbr.abs _section_cstart, $3  }
0xc4: {  	[dreg:$0x1] =	wrdreg $0xFFFFFFFF  }
0xc5: {  	_ =	task.clear_ibuf [dreg:s8], $0x2FFFF;
	_ =	strace $0x9FFFFFFF  }
0xc6: {  	(tm) =	ssettm $0x7FFFFFFF  }
0xc7: {  	_ =	shalt  }
tec
execute0_lowered:
.L_overlay_start_1:
0x0: {  	(tag) =	ssettag $0x1  }
0x1: {  	s0 =	rddreg [dreg:$0x0]  }
0x2: {  	s1 =	srdreg.scid;
	s5 =	rddreg [dreg:$0x1]  }
0x3: {  	s7 =	rddreg [dreg:$0x2];
	s15 =	stileid.u32  }
0x4: {  	s2 =	rddreg [dreg:$0x3];
	s8 =	smul.u32 $0x13880, s15  }
0x5: {  	s31 =	simm.s32 $0x18E70;
	s28 =	simm.s32 $0x1E640;
	s10 =	smul.u32 $0x50000, s15  }
0x6: {  	s29 =	simm.s32 $0x2;
	s1 =	sand.u32 $0x1, s1;
	s19 =	smul.u32 $0xA000, s15  }
0x7: {  	s30 =	simm.s32 $0x1B580;
	s13 =	sadd.s32 $0x1C00, s0;
	s6 =	smul.u32 $0x500000, s1  }
0x8: {  	s3 =	sshll.u32 s1, $0x4;
	s14 =	ssub.s32 $0x2, s1;
	s1 =	smul.u32 $0xA0000, s1  }
0x9: {  	s4 =	sor.u32 s15, s3;
	s3 =	rddreg [dreg:$0x4];
	s11 =	sshrl.u32 s8, $0x4  }
0xa: {  	s16 =	sshrl.u32 s14, $0x1;
	s18 =	sshrl.u32 s10, $0x2;
	s21 =	sshrl.u32 s8, $0x2  }
0xb: {  	s8 =	simm.s32 $0x1B490;
	s9 =	smul.u32 $0x4E2, s4;
	s4 =	simm.s32 $0x0  }
0xc: {  	s11 =	sadd.s32 s11, s0;
	s6 =	sadd.s32 s10, s6;
	s1 =	sadd.s32 s19, s1  }
0xd: {  	s19 =	simm.s32 $0x7;
	s10 =	simm.s32 $0x1B4E0;
	[smem:$0x7FF] =	sst s4  }
0xe: {  	s26 =	sshrl.u32 s6, $0x4;
	s6 =	sadd.s32 $0x1E00, s0;
	s22 =	sadd.s32 $0x4600, s11  }
0xf: {  	s24 =	sadd.s32 $0x4604, s11;
	s1 =	sshrl.u32 s1, $0x4;
	s11 =	simm.s32 $0x1DBA0  }
0x10: {  	_ =	strace $0x80000047;
	s12 =	sadd.s32 s9, s0;
	[dreg:$0x6] =	wrdreg s13  }
0x11: {  	s0 =	sadd.s32 s26, s0;
	s13 =	ssub.s32 s14, s16;
	[dreg:$0xc] =	wrdreg s22  }
0x12: {  	s5 =	sadd.s32 s5, s9;
	[dreg:$0xe] =	wrdreg s24;
	s25 =	sadd.s32 s7, s1  }
0x13: {  	s22 =	simm.s32 $0x4;
	s24 =	simm.s32 $0x50;
	[dreg:$0x8] =	wrdreg s5  }
0x14: {  	s1 =	simm.s32 $0x1F040;
	s17 =	sadd.s32 $0x18000, s12;
	[dreg:$0x10] =	wrdreg s25  }
0x15: {  	s7 =	simm.s32 $0x6;
	s20 =	sadd.s32 $0x21E00, s12;
	[dreg:$0x7] =	wrdreg s17  }
0x16: {  	s9 =	simm.s32 $0x1DB50;
	s5 =	sadd.s32 s18, s2;
	[dreg:$0x9] =	wrdreg s20  }
0x17: {  	s23 =	sadd.s32 $0x2BC00, s0;
	s0 =	sadd.s32 $0x2BC04, s0;
	[dreg:$0xa] =	wrdreg s5  }
0x18: {  	s26 =	smax.u32 s13, $0x1;
	s18 =	simm.s32 $0x1B530;
	[dreg:$0xd] =	wrdreg s23  }
0x19: {  	s25 =	simm.s32 $0x1DC40;
	s12 =	simm.s32 $0x1DBF0;
	[dreg:$0xf] =	wrdreg s0  }
0x1a: {  	s13 =	simm.s32 $0x0;
	s5 =	sadd.s32 s21, s3;
	[dreg:$0x11] =	wrdreg s26  }
0x1b: {  	s20 =	simm.s32 $0x18E20;
	s21 =	simm.s32 $0x1;
	s23 =	simm.s32 $0x8  }
0x1c: {  	s0 =	simm.s32 $0x3;
	[dreg:$0xb] =	wrdreg s5;
	s5 =	simm.s32 $0x5  }
.LBB2_1:
0x1d: {  	s14 =	rddreg [dreg:$0x7]  }
0x1e: {  	[tilespmem:s18], [sflag:$0x7] =	stream.linear.gather [hbm4b:s14+s4], $0x2710, $0x38;
	[tilespmem:$0x1FA40] =	vst v63  }
0x1f: {  	_ =	swait.ge [sflag:s19], $0x2710  }
0x20: {  	[sflag:s19] =	ssyncset.done $0x0  }
0x21: {  	s26 =	rddreg [dreg:$0x8];
	[sflag:s19] =	ssyncadd.s32 $0xFFFFD8F0  }
0x22: {  	[tilespmem:s20], [sflag:$0x7] =	stream.linear.gather [hbm4b:s26+s4], $0x2710, $0x38;
	[tilespmem:$0x1FA40] =	vst v63  }
0x23: {  	_ =	swait.ge [sflag:s19], $0x2710  }
0x24: {  	[sflag:s19] =	ssyncset.done $0x0  }
0x25: {  	s14 =	simm.s32 $0x0;
	[sflag:s19] =	ssyncadd.s32 $0xFFFFD8F0  }
0x26: {  	v4 =	vld [tilespmem:s14+$0x18E20]  }
0x27: {  	v3 =	vld [tilespmem:s14+$0x18E30]  }
0x28: {  	v2 =	vld [tilespmem:s14+$0x18E40]  }
0x29: {  	v1 =	vld [tilespmem:s14+$0x18E50]  }
0x2a: {  	v0 =	vld [tilespmem:s14+$0x18E60]  }
0x2b: {  	v6 =	vld [tilespmem:s14+$0x1B530]  }
0x2c: {  	s15 =	simm.s32 $0x140;
	v5 =	vld [tilespmem:s14+$0x1B540]  }
.LBB2_2:
0x2d: {  	p0 =	sne.s32 s15, $0x9B00;
	v7 =	vld [tilespmem:s14+$0x1B550]  }
0x2e: {  	v8 =	vmul.u32 $0x2800, v4;
	v9 =	vld [tilespmem:s14+$0x1B560]  }
0x2f: {  	s16 =	sshra.s32 s15, $0x2;
	v10 =	vmul.u32 $0x2800, v3;
	v11 =	vld [tilespmem:s14+$0x1B570]  }
0x30: {  	v4 =	vld [tilespmem:s16+$0x18E20];
	v6 =	vadd.s32 v6, v8;
	v8 =	vmul.u32 $0x2800, v2  }
0x31: {  	v3 =	vld [tilespmem:s16+$0x18E30];
	[tilespmem:s14+$0x1B530] =	vst v6;
	v5 =	vadd.s32 v5, v10;
	v6 =	vmul.u32 $0x2800, v1  }
.Ltmp0:
0x32: {  	v2 =	vld [tilespmem:s16+$0x18E40];
	[tilespmem:s14+$0x1B540] =	vst v5;
	v5 =	vadd.s32 v7, v8;
	v7 =	vmul.u32 $0x2800, v0;
	(pc) =	sbr.rel @p0 .LBB2_2-.Ltmp0, $4  }
0x33: {  	v1 =	vld [tilespmem:s16+$0x18E50];
	[tilespmem:s14+$0x1B550] =	vst v5;
	v5 =	vadd.s32 v9, v6  }
0x34: {  	v0 =	vld [tilespmem:s16+$0x18E60];
	[tilespmem:s14+$0x1B560] =	vst v5;
	v5 =	vadd.s32 v11, v7  }
0x35: {  	v6 =	vld [tilespmem:s16+$0x1B530];
	[tilespmem:s14+$0x1B570] =	vst v5;
	s14 =	smov.u32 s16  }
0x36: {  	s15 =	sadd.s32 $0x140, s15;
	v5 =	vld [tilespmem:s14+$0x1B540]  }
0x37: {  	v7 =	vld [tilespmem:s14+$0x1B550]  }
0x38: {  	v4 =	vmul.u32 $0x2800, v4;
	v8 =	vld [tilespmem:s14+$0x1B560]  }
0x39: {  	v3 =	vmul.u32 $0x2800, v3;
	v9 =	vld [tilespmem:s14+$0x1B570]  }
0x3a: {  	v2 =	vmul.u32 $0x2800, v2;
	v4 =	vadd.s32 v6, v4  }
0x3b: {  	v1 =	vmul.u32 $0x2800, v1;
	[tilespmem:s14+$0x1B530] =	vst v4;
	v3 =	vadd.s32 v5, v3  }
0x3c: {  	v0 =	vmul.u32 $0x2800, v0;
	[tilespmem:s14+$0x1B540] =	vst v3;
	v2 =	vadd.s32 v7, v2  }
0x3d: {  	v1 =	vadd.s32 v8, v1;
	[tilespmem:s14+$0x1B550] =	vst v2  }
0x3e: {  	v0 =	vadd.s32 v9, v0;
	[tilespmem:s14+$0x1B560] =	vst v1  }
0x3f: {  	s26 =	simm.s32 $0x0;
	s15 =	rddreg [dreg:$0x9];
	[tilespmem:s14+$0x1B570] =	vst v0  }
0x40: {  	[tilespmem:s20], [sflag:$0x7] =	stream.linear.gather [hbm4b:s15+s26], $0x2710, $0x38;
	[tilespmem:$0x1FA40] =	vst v63  }
0x41: {  	s16 =	stileid.u32;
	_ =	swait.ge [sflag:s19], $0x2710  }
0x42: {  	s14 =	sshll.u32 s16, $0x6;
	[sflag:s19] =	ssyncset.done $0x0;
	s17 =	rddreg [dreg:$0xa]  }
0x43: {  	s14 =	sor.u32 $0x1C07, s14;
	[sflag:s19] =	ssyncadd.s32 $0xFFFFD8F0;
	s15 =	sshrl.u32 s17, $0x3  }
0x44: {  	[spmem:s15], [sflag:s14] =	dma.local [hbm:s6], $0x2800  }
0x45: {  	_ =	swait.ge [sflag:s19], $0x2800  }
0x46: {  	[sflag:s19] =	ssyncset.done $0x0;
	s16 =	rddreg [dreg:$0xb]  }
0x47: {  	s17 =	rddreg [dreg:$0xc];
	[sflag:s19] =	ssyncadd.s32 $0xFFFFD800;
	s16 =	sshrl.u32 s16, $0x3  }
0x48: {  	[spmem:s16@s22], [sflag:s14] =	dma.strided [hbm:s17@s23], $0x9C4, s21, $0x4   }
0x49: {  	_ =	swait.ge [sflag:s19], $0x9C4  }
0x4a: {  	[sflag:s19] =	ssyncset.done $0x0  }
0x4b: {  	[sflag:s19] =	ssyncadd.s32 $0xFFFFF63C  }
0x4c: {  	[bflag:$0x0] =	sbarrier.arrive $0xFFFF  }
0x4d: {  	[tilespmem:s25], [sflag:$0x1] =	stream.indirect.gather [spmem:s3], $0x20, s20, s24, $0xb8;
	[tilespmem:$0x1FA40] =	vst v63  }
0x4e: {  	_ =	swait.ge [sflag:s21], $0xA00  }
0x4f: {  	[sflag:s21] =	ssyncset.done $0x0  }
0x50: {  	[sflag:s21] =	ssyncadd.s32 $0xFFFFF600  }
0x51: {  	[spmem:s2] =	stream.indirect.scatter.add.bf16 [tilespmem:s25], [sflag:$0x4], $0x20, s18, s24, $0xb8;
	[tilespmem:$0x1FA40] =	vst v63  }
0x52: {  	_ = 	snop  }
0x53: {  	[tilespmem:s28], [sflag:$0x2] =	stream.indirect.gather [spmem:s3], $0x20, s31, s24, $0xb8;
	[tilespmem:$0x1FA40] =	vst v63  }
0x54: {  	_ =	swait.ge [sflag:s29], $0xA00  }
0x55: {  	[sflag:s29] =	ssyncset.done $0x0  }
0x56: {  	[sflag:s29] =	ssyncadd.s32 $0xFFFFF600  }
0x57: {  	[spmem:s2] =	stream.indirect.scatter.add.bf16 [tilespmem:s28], [sflag:$0x5], $0x20, s30, s24, $0xb8;
	[tilespmem:$0x1FA40] =	vst v63  }
0x58: {  	s26 =	simm.s32 $0x18EC0  }
0x59: {  	[tilespmem:s1], [sflag:$0x3] =	stream.indirect.gather [spmem:s3], $0x20, s26, s24, $0xb8;
	[tilespmem:$0x1FA40] =	vst v63  }
0x5a: {  	_ =	swait.ge [sflag:s0], $0xA00  }
0x5b: {  	[sflag:s0] =	ssyncset.done $0x0  }
0x5c: {  	s31 =	simm.s32 $0x1B5D0;
	[sflag:s0] =	ssyncadd.s32 $0xFFFFF600  }
0x5d: {  	[spmem:s2] =	stream.indirect.scatter.add.bf16 [tilespmem:s1], [sflag:$0x6], $0x20, s31, s24, $0xb8;
	[tilespmem:$0x1FA40] =	vst v63  }
0x5e: {  	_ =	swait.ge [sflag:s22], $0xA00  }
0x5f: {  	[sflag:s22] =	ssyncset.done $0x0  }
0x60: {  	s26 =	simm.s32 $0x18F10;
	[sflag:s22] =	ssyncadd.s32 $0xFFFFF600  }
0x61: {  	[tilespmem:s25], [sflag:$0x1] =	stream.indirect.gather [spmem:s3], $0x20, s26, s24, $0xb8;
	[tilespmem:$0x1FA40] =	vst v63  }
0x62: {  	_ =	swait.ge [sflag:s21], $0xA00  }
0x63: {  	[sflag:s21] =	ssyncset.done $0x0  }
0x64: {  	s31 =	simm.s32 $0x1B620;
	[sflag:s21] =	ssyncadd.s32 $0xFFFFF600  }
0x65: {  	[spmem:s2] =	stream.indirect.scatter.add.bf16 [tilespmem:s25], [sflag:$0x4], $0x20, s31, s24, $0xb8;
	[tilespmem:$0x1FA40] =	vst v63  }
0x66: {  	_ =	swait.ge [sflag:s5], $0xA00  }
0x67: {  	[sflag:s5] =	ssyncset.done $0x0  }
0x68: {  	s26 =	simm.s32 $0x18F60;
	[sflag:s5] =	ssyncadd.s32 $0xFFFFF600  }
0x69: {  	[tilespmem:s28], [sflag:$0x2] =	stream.indirect.gather [spmem:s3], $0x20, s26, s24, $0xb8;
	[tilespmem:$0x1FA40] =	vst v63  }
0x6a: {  	_ =	swait.ge [sflag:s29], $0xA00  }
0x6b: {  	[sflag:s29] =	ssyncset.done $0x0  }
0x6c: {  	s31 =	simm.s32 $0x1B670;
	[sflag:s29] =	ssyncadd.s32 $0xFFFFF600  }
0x6d: {  	[spmem:s2] =	stream.indirect.scatter.add.bf16 [tilespmem:s28], [sflag:$0x5], $0x20, s31, s24, $0xb8;
	[tilespmem:$0x1FA40] =	vst v63  }
0x6e: {  	_ =	swait.ge [sflag:s7], $0xA00  }
0x6f: {  	[sflag:s7] =	ssyncset.done $0x0  }
0x70: {  	s17 =	simm.s32 $0x3C0;
	s26 =	simm.s32 $0x18FB0;
	[sflag:s7] =	ssyncadd.s32 $0xFFFFF600  }
.LBB2_4:
0x71: {  	[tilespmem:s1], [sflag:$0x3] =	stream.indirect.gather [spmem:s3], $0x20, s26, s24, $0xb8;
	[tilespmem:$0x1FA40] =	vst v63  }
0x72: {  	s26 =	smov.u32 s17  }
0x73: {  	p0 =	sne.s32 s17, $0x9240;
	s17 =	sadd.s32 $0x3C0, s17;
	_ =	swait.ge [sflag:s0], $0xA00  }
0x74: {  	s26 =	sshra.s32 s26, $0x2;
	[sflag:s0] =	ssyncset.done $0x0  }
0x75: {  	s31 =	sadd.s32 $0x1B5D0, s26;
	[sflag:s0] =	ssyncadd.s32 $0xFFFFF600  }
0x76: {  	[spmem:s2] =	stream.indirect.scatter.add.bf16 [tilespmem:s1], [sflag:$0x6], $0x20, s31, s24, $0xb8;
	[tilespmem:$0x1FA40] =	vst v63  }
0x77: {  	_ =	swait.ge [sflag:s22], $0xA00  }
0x78: {  	[sflag:s22] =	ssyncset.done $0x0  }
0x79: {  	s31 =	sadd.s32 $0x18F10, s26;
	[sflag:s22] =	ssyncadd.s32 $0xFFFFF600  }
0x7a: {  	[tilespmem:s25], [sflag:$0x1] =	stream.indirect.gather [spmem:s3], $0x20, s31, s24, $0xb8;
	[tilespmem:$0x1FA40] =	vst v63  }
0x7b: {  	_ =	swait.ge [sflag:s21], $0xA00  }
0x7c: {  	[sflag:s21] =	ssyncset.done $0x0  }
0x7d: {  	s31 =	sadd.s32 $0x1B620, s26;
	[sflag:s21] =	ssyncadd.s32 $0xFFFFF600  }
0x7e: {  	[spmem:s2] =	stream.indirect.scatter.add.bf16 [tilespmem:s25], [sflag:$0x4], $0x20, s31, s24, $0xb8;
	[tilespmem:$0x1FA40] =	vst v63  }
0x7f: {  	_ =	swait.ge [sflag:s5], $0xA00  }
0x80: {  	[sflag:s5] =	ssyncset.done $0x0  }
0x81: {  	s31 =	sadd.s32 $0x18F60, s26;
	[sflag:s5] =	ssyncadd.s32 $0xFFFFF600  }
0x82: {  	[tilespmem:s28], [sflag:$0x2] =	stream.indirect.gather [spmem:s3], $0x20, s31, s24, $0xb8;
	[tilespmem:$0x1FA40] =	vst v63  }
0x83: {  	_ =	swait.ge [sflag:s29], $0xA00  }
0x84: {  	[sflag:s29] =	ssyncset.done $0x0  }
.Ltmp1:
0x85: {  	s31 =	sadd.s32 $0x1B670, s26;
	[sflag:s29] =	ssyncadd.s32 $0xFFFFF600;
	(pc) =	sbr.rel @p0 .LBB2_4-.Ltmp1, $4  }
0x86: {  	[spmem:s2] =	stream.indirect.scatter.add.bf16 [tilespmem:s28], [sflag:$0x5], $0x20, s31, s24, $0xb8;
	[tilespmem:$0x1FA40] =	vst v63  }
0x87: {  	_ =	swait.ge [sflag:s7], $0xA00  }
0x88: {  	[sflag:s7] =	ssyncset.done $0x0  }
0x89: {  	s26 =	sadd.s32 $0x18FB0, s26;
	[sflag:s7] =	ssyncadd.s32 $0xFFFFF600  }
0x8a: {  	[tilespmem:s1], [sflag:$0x3] =	stream.indirect.gather [spmem:s3], $0x20, s26, s24, $0xb8;
	[tilespmem:$0x1FA40] =	vst v63  }
0x8b: {  	_ =	swait.ge [sflag:s0], $0xA00  }
0x8c: {  	[sflag:s0] =	ssyncset.done $0x0  }
0x8d: {  	[sflag:s0] =	ssyncadd.s32 $0xFFFFF600  }
0x8e: {  	_ =	swait.ge [sflag:s22], $0xA00  }
0x8f: {  	[sflag:s22] =	ssyncset.done $0x0  }
0x90: {  	[sflag:s22] =	ssyncadd.s32 $0xFFFFF600  }
0x91: {  	[tilespmem:s25], [sflag:$0x1] =	stream.indirect.gather [spmem:s3], $0x20, s8, s24, $0xb8;
	[tilespmem:$0x1FA40] =	vst v63  }
0x92: {  	_ = 	snop  }
0x93: {  	[spmem:s2] =	stream.indirect.scatter.add.bf16 [tilespmem:s1], [sflag:$0x6], $0x20, s9, s24, $0xb8;
	[tilespmem:$0x1FA40] =	vst v63  }
0x94: {  	_ =	swait.ge [sflag:s21], $0xA00  }
0x95: {  	[sflag:s21] =	ssyncset.done $0x0  }
0x96: {  	[sflag:s21] =	ssyncadd.s32 $0xFFFFF600  }
0x97: {  	_ =	swait.ge [sflag:s5], $0xA00  }
0x98: {  	[sflag:s5] =	ssyncset.done $0x0  }
0x99: {  	[sflag:s5] =	ssyncadd.s32 $0xFFFFF600  }
0x9a: {  	[tilespmem:s28], [sflag:$0x2] =	stream.indirect.gather [spmem:s3], $0x20, s10, s24, $0xb8;
	[tilespmem:$0x1FA40] =	vst v63  }
0x9b: {  	_ = 	snop  }
0x9c: {  	[spmem:s2] =	stream.indirect.scatter.add.bf16 [tilespmem:s25], [sflag:$0x4], $0x20, s11, s24, $0xb8;
	[tilespmem:$0x1FA40] =	vst v63  }
0x9d: {  	_ =	swait.ge [sflag:s29], $0xA00  }
0x9e: {  	[sflag:s29] =	ssyncset.done $0x0  }
0x9f: {  	[sflag:s29] =	ssyncadd.s32 $0xFFFFF600  }
0xa0: {  	[spmem:s2] =	stream.indirect.scatter.add.bf16 [tilespmem:s28], [sflag:$0x5], $0x20, s12, s24, $0xb8;
	[tilespmem:$0x1FA40] =	vst v63  }
0xa1: {  	_ =	swait.ge [sflag:s22], $0xA00  }
0xa2: {  	[sflag:s22] =	ssyncset.done $0x0  }
0xa3: {  	[sflag:s22] =	ssyncadd.s32 $0xFFFFF600  }
0xa4: {  	_ =	swait.ge [sflag:s5], $0xA00  }
0xa5: {  	[sflag:s5] =	ssyncset.done $0x0  }
0xa6: {  	[sflag:s5] =	ssyncadd.s32 $0xFFFFF600  }
0xa7: {  	_ =	swait.ge [sflag:s7], $0xA00  }
0xa8: {  	[sflag:s7] =	ssyncset.done $0x0  }
0xa9: {  	[sflag:s7] =	ssyncadd.s32 $0xFFFFF600  }
0xaa: {  	[bflag:$0x0] =	sbarrier.arrive $0xFFFF  }
0xab: {  	s17 =	rddreg [dreg:$0xd]  }
0xac: {  	[hbm:s17@s23], [sflag:s14] =	dma.strided [spmem:s15@s22], $0x2800, s21, $0x4   }
0xad: {  	_ =	swait.ge [sflag:s19], $0x2800  }
0xae: {  	[sflag:s19] =	ssyncset.done $0x0  }
0xaf: {  	[sflag:s19] =	ssyncadd.s32 $0xFFFFD800  }
0xb0: {  	[spmem:s15], [sflag:s14] =	dma.local [hbm:s6], $0x2800  }
0xb1: {  	_ =	swait.ge [sflag:s19], $0x2800  }
0xb2: {  	[sflag:s19] =	ssyncset.done $0x0  }
0xb3: {  	s26 =	rddreg [dreg:$0xe];
	[sflag:s19] =	ssyncadd.s32 $0xFFFFD800  }
0xb4: {  	[spmem:s16@s22], [sflag:s14] =	dma.strided [hbm:s26@s23], $0x9C4, s21, $0x4   }
0xb5: {  	_ =	swait.ge [sflag:s19], $0x9C4  }
0xb6: {  	[sflag:s19] =	ssyncset.done $0x0  }
0xb7: {  	[sflag:s19] =	ssyncadd.s32 $0xFFFFF63C  }
0xb8: {  	[bflag:$0x0] =	sbarrier.arrive $0xFFFF  }
0xb9: {  	[tilespmem:s25], [sflag:$0x1] =	stream.indirect.gather [spmem:s3], $0x20, s20, s24, $0xb8;
	[tilespmem:$0x1FA40] =	vst v63  }
0xba: {  	_ =	swait.ge [sflag:s21], $0xA00  }
0xbb: {  	[sflag:s21] =	ssyncset.done $0x0  }
0xbc: {  	[sflag:s21] =	ssyncadd.s32 $0xFFFFF600  }
0xbd: {  	[spmem:s2] =	stream.indirect.scatter.add.bf16 [tilespmem:s25], [sflag:$0x4], $0x20, s18, s24, $0xb8;
	[tilespmem:$0x1FA40] =	vst v63  }
0xbe: {  	s31 =	simm.s32 $0x18E70  }
0xbf: {  	[tilespmem:s28], [sflag:$0x2] =	stream.indirect.gather [spmem:s3], $0x20, s31, s24, $0xb8;
	[tilespmem:$0x1FA40] =	vst v63  }
0xc0: {  	_ =	swait.ge [sflag:s29], $0xA00  }
0xc1: {  	[sflag:s29] =	ssyncset.done $0x0  }
0xc2: {  	[sflag:s29] =	ssyncadd.s32 $0xFFFFF600  }
0xc3: {  	[spmem:s2] =	stream.indirect.scatter.add.bf16 [tilespmem:s28], [sflag:$0x5], $0x20, s30, s24, $0xb8;
	[tilespmem:$0x1FA40] =	vst v63  }
0xc4: {  	s17 =	simm.s32 $0x18EC0  }
0xc5: {  	[tilespmem:s1], [sflag:$0x3] =	stream.indirect.gather [spmem:s3], $0x20, s17, s24, $0xb8;
	[tilespmem:$0x1FA40] =	vst v63  }
0xc6: {  	_ =	swait.ge [sflag:s0], $0xA00  }
0xc7: {  	[sflag:s0] =	ssyncset.done $0x0  }
0xc8: {  	s26 =	simm.s32 $0x1B5D0;
	[sflag:s0] =	ssyncadd.s32 $0xFFFFF600  }
0xc9: {  	[spmem:s2] =	stream.indirect.scatter.add.bf16 [tilespmem:s1], [sflag:$0x6], $0x20, s26, s24, $0xb8;
	[tilespmem:$0x1FA40] =	vst v63  }
0xca: {  	_ =	swait.ge [sflag:s22], $0xA00  }
0xcb: {  	[sflag:s22] =	ssyncset.done $0x0  }
0xcc: {  	s17 =	simm.s32 $0x18F10;
	[sflag:s22] =	ssyncadd.s32 $0xFFFFF600  }
0xcd: {  	[tilespmem:s25], [sflag:$0x1] =	stream.indirect.gather [spmem:s3], $0x20, s17, s24, $0xb8;
	[tilespmem:$0x1FA40] =	vst v63  }
0xce: {  	_ =	swait.ge [sflag:s21], $0xA00  }
0xcf: {  	[sflag:s21] =	ssyncset.done $0x0  }
0xd0: {  	s26 =	simm.s32 $0x1B620;
	[sflag:s21] =	ssyncadd.s32 $0xFFFFF600  }
0xd1: {  	[spmem:s2] =	stream.indirect.scatter.add.bf16 [tilespmem:s25], [sflag:$0x4], $0x20, s26, s24, $0xb8;
	[tilespmem:$0x1FA40] =	vst v63  }
0xd2: {  	_ =	swait.ge [sflag:s5], $0xA00  }
0xd3: {  	[sflag:s5] =	ssyncset.done $0x0  }
0xd4: {  	s17 =	simm.s32 $0x18F60;
	[sflag:s5] =	ssyncadd.s32 $0xFFFFF600  }
0xd5: {  	[tilespmem:s28], [sflag:$0x2] =	stream.indirect.gather [spmem:s3], $0x20, s17, s24, $0xb8;
	[tilespmem:$0x1FA40] =	vst v63  }
0xd6: {  	_ =	swait.ge [sflag:s29], $0xA00  }
0xd7: {  	[sflag:s29] =	ssyncset.done $0x0  }
0xd8: {  	s26 =	simm.s32 $0x1B670;
	[sflag:s29] =	ssyncadd.s32 $0xFFFFF600  }
0xd9: {  	[spmem:s2] =	stream.indirect.scatter.add.bf16 [tilespmem:s28], [sflag:$0x5], $0x20, s26, s24, $0xb8;
	[tilespmem:$0x1FA40] =	vst v63  }
0xda: {  	_ =	swait.ge [sflag:s7], $0xA00  }
0xdb: {  	[sflag:s7] =	ssyncset.done $0x0  }
0xdc: {  	s16 =	simm.s32 $0x3C0;
	s17 =	simm.s32 $0x18FB0;
	[sflag:s7] =	ssyncadd.s32 $0xFFFFF600  }
.LBB2_6:
0xdd: {  	[tilespmem:s1], [sflag:$0x3] =	stream.indirect.gather [spmem:s3], $0x20, s17, s24, $0xb8;
	[tilespmem:$0x1FA40] =	vst v63  }
0xde: {  	s17 =	smov.u32 s16  }
0xdf: {  	p0 =	sne.s32 s16, $0x9240;
	s16 =	sadd.s32 $0x3C0, s16;
	_ =	swait.ge [sflag:s0], $0xA00  }
0xe0: {  	s17 =	sshra.s32 s17, $0x2;
	[sflag:s0] =	ssyncset.done $0x0  }
0xe1: {  	s26 =	sadd.s32 $0x1B5D0, s17;
	[sflag:s0] =	ssyncadd.s32 $0xFFFFF600  }
0xe2: {  	[spmem:s2] =	stream.indirect.scatter.add.bf16 [tilespmem:s1], [sflag:$0x6], $0x20, s26, s24, $0xb8;
	[tilespmem:$0x1FA40] =	vst v63  }
0xe3: {  	_ =	swait.ge [sflag:s22], $0xA00  }
0xe4: {  	[sflag:s22] =	ssyncset.done $0x0  }
0xe5: {  	s26 =	sadd.s32 $0x18F10, s17;
	[sflag:s22] =	ssyncadd.s32 $0xFFFFF600  }
0xe6: {  	[tilespmem:s25], [sflag:$0x1] =	stream.indirect.gather [spmem:s3], $0x20, s26, s24, $0xb8;
	[tilespmem:$0x1FA40] =	vst v63  }
0xe7: {  	_ =	swait.ge [sflag:s21], $0xA00  }
0xe8: {  	[sflag:s21] =	ssyncset.done $0x0  }
0xe9: {  	s26 =	sadd.s32 $0x1B620, s17;
	[sflag:s21] =	ssyncadd.s32 $0xFFFFF600  }
0xea: {  	[spmem:s2] =	stream.indirect.scatter.add.bf16 [tilespmem:s25], [sflag:$0x4], $0x20, s26, s24, $0xb8;
	[tilespmem:$0x1FA40] =	vst v63  }
0xeb: {  	_ =	swait.ge [sflag:s5], $0xA00  }
0xec: {  	[sflag:s5] =	ssyncset.done $0x0  }
0xed: {  	s26 =	sadd.s32 $0x18F60, s17;
	[sflag:s5] =	ssyncadd.s32 $0xFFFFF600  }
0xee: {  	[tilespmem:s28], [sflag:$0x2] =	stream.indirect.gather [spmem:s3], $0x20, s26, s24, $0xb8;
	[tilespmem:$0x1FA40] =	vst v63  }
0xef: {  	_ =	swait.ge [sflag:s29], $0xA00  }
0xf0: {  	[sflag:s29] =	ssyncset.done $0x0  }
.Ltmp2:
0xf1: {  	s26 =	sadd.s32 $0x1B670, s17;
	[sflag:s29] =	ssyncadd.s32 $0xFFFFF600;
	(pc) =	sbr.rel @p0 .LBB2_6-.Ltmp2, $4  }
0xf2: {  	[spmem:s2] =	stream.indirect.scatter.add.bf16 [tilespmem:s28], [sflag:$0x5], $0x20, s26, s24, $0xb8;
	[tilespmem:$0x1FA40] =	vst v63  }
0xf3: {  	_ =	swait.ge [sflag:s7], $0xA00  }
0xf4: {  	[sflag:s7] =	ssyncset.done $0x0  }
0xf5: {  	s17 =	sadd.s32 $0x18FB0, s17;
	[sflag:s7] =	ssyncadd.s32 $0xFFFFF600  }
0xf6: {  	[tilespmem:s1], [sflag:$0x3] =	stream.indirect.gather [spmem:s3], $0x20, s17, s24, $0xb8;
	[tilespmem:$0x1FA40] =	vst v63  }
0xf7: {  	_ =	swait.ge [sflag:s0], $0xA00  }
0xf8: {  	[sflag:s0] =	ssyncset.done $0x0  }
0xf9: {  	[sflag:s0] =	ssyncadd.s32 $0xFFFFF600  }
0xfa: {  	_ =	swait.ge [sflag:s22], $0xA00  }
0xfb: {  	[sflag:s22] =	ssyncset.done $0x0  }
0xfc: {  	[sflag:s22] =	ssyncadd.s32 $0xFFFFF600  }
0xfd: {  	[tilespmem:s25], [sflag:$0x1] =	stream.indirect.gather [spmem:s3], $0x20, s8, s24, $0xb8;
	[tilespmem:$0x1FA40] =	vst v63  }
0xfe: {  	_ = 	snop  }
0xff: {  	[spmem:s2] =	stream.indirect.scatter.add.bf16 [tilespmem:s1], [sflag:$0x6], $0x20, s9, s24, $0xb8;
	[tilespmem:$0x1FA40] =	vst v63  }
0x100: {  	_ =	swait.ge [sflag:s21], $0xA00  }
0x101: {  	[sflag:s21] =	ssyncset.done $0x0  }
0x102: {  	[sflag:s21] =	ssyncadd.s32 $0xFFFFF600  }
0x103: {  	_ =	swait.ge [sflag:s5], $0xA00  }
0x104: {  	[sflag:s5] =	ssyncset.done $0x0  }
0x105: {  	[sflag:s5] =	ssyncadd.s32 $0xFFFFF600  }
0x106: {  	[tilespmem:s28], [sflag:$0x2] =	stream.indirect.gather [spmem:s3], $0x20, s10, s24, $0xb8;
	[tilespmem:$0x1FA40] =	vst v63  }
0x107: {  	_ = 	snop  }
0x108: {  	[spmem:s2] =	stream.indirect.scatter.add.bf16 [tilespmem:s25], [sflag:$0x4], $0x20, s11, s24, $0xb8;
	[tilespmem:$0x1FA40] =	vst v63  }
0x109: {  	_ =	swait.ge [sflag:s29], $0xA00  }
0x10a: {  	[sflag:s29] =	ssyncset.done $0x0  }
0x10b: {  	[sflag:s29] =	ssyncadd.s32 $0xFFFFF600  }
0x10c: {  	[spmem:s2] =	stream.indirect.scatter.add.bf16 [tilespmem:s28], [sflag:$0x5], $0x20, s12, s24, $0xb8;
	[tilespmem:$0x1FA40] =	vst v63  }
0x10d: {  	_ =	swait.ge [sflag:s22], $0xA00  }
0x10e: {  	[sflag:s22] =	ssyncset.done $0x0  }
0x10f: {  	[sflag:s22] =	ssyncadd.s32 $0xFFFFF600  }
0x110: {  	_ =	swait.ge [sflag:s5], $0xA00  }
0x111: {  	[sflag:s5] =	ssyncset.done $0x0  }
0x112: {  	[sflag:s5] =	ssyncadd.s32 $0xFFFFF600  }
0x113: {  	_ =	swait.ge [sflag:s7], $0xA00  }
0x114: {  	[sflag:s7] =	ssyncset.done $0x0  }
0x115: {  	[sflag:s7] =	ssyncadd.s32 $0xFFFFF600  }
0x116: {  	[bflag:$0x0] =	sbarrier.arrive $0xFFFF  }
0x117: {  	s16 =	rddreg [dreg:$0xf]  }
0x118: {  	[hbm:s16@s23], [sflag:s14] =	dma.strided [spmem:s15@s22], $0x2800, s21, $0x4   }
0x119: {  	_ =	swait.ge [sflag:s19], $0x2800  }
0x11a: {  	[sflag:s19] =	ssyncset.done $0x0  }
0x11b: {  	[sflag:s19] =	ssyncadd.s32 $0xFFFFD800  }
0x11c: {  	[spmem:s15], [sflag:s14] =	dma.local [hbm:s6], $0x2800  }
0x11d: {  	_ =	swait.ge [sflag:s19], $0x2800  }
0x11e: {  	[sflag:s19] =	ssyncset.done $0x0  }
0x11f: {  	s17 =	rddreg [dreg:$0x6];
	[sflag:s19] =	ssyncadd.s32 $0xFFFFD800  }
0x120: {  	[tilespmem:s25], [sflag:$0x7] =	stream.linear.gather [hbm4b:s17+s4], $0xA00, $0x38;
	[tilespmem:$0x1FA40] =	vst v63  }
0x121: {  	_ =	swait.ge [sflag:s19], $0xA00  }
0x122: {  	[sflag:s19] =	ssyncset.done $0x0  }
0x123: {  	[sflag:s19] =	ssyncadd.s32 $0xFFFFF600  }
0x124: {  	[bflag:$0x0] =	sbarrier.arrive $0xFFFF  }
0x125: {  	[spmem:s2] =	stream.indirect.scatter.add.bf16 [tilespmem:s25], [sflag:$0x4], $0x20, s18, s24, $0xb8;
	[tilespmem:$0x1FA40] =	vst v63  }
0x126: {  	_ = 	snop  }
0x127: {  	[spmem:s2] =	stream.indirect.scatter.add.bf16 [tilespmem:s25], [sflag:$0x4], $0x20, s30, s24, $0xb8;
	[tilespmem:$0x1FA40] =	vst v63  }
0x128: {  	s26 =	simm.s32 $0x1B5D0  }
0x129: {  	[spmem:s2] =	stream.indirect.scatter.add.bf16 [tilespmem:s25], [sflag:$0x4], $0x20, s26, s24, $0xb8;
	[tilespmem:$0x1FA40] =	vst v63  }
0x12a: {  	_ =	swait.ge [sflag:s22], $0xA00  }
0x12b: {  	[sflag:s22] =	ssyncset.done $0x0  }
0x12c: {  	s16 =	simm.s32 $0x500;
	s17 =	simm.s32 $0x1B620;
	[sflag:s22] =	ssyncadd.s32 $0xFFFFF600  }
.LBB2_8:
0x12d: {  	[spmem:s2] =	stream.indirect.scatter.add.bf16 [tilespmem:s25], [sflag:$0x4], $0x20, s17, s24, $0xb8;
	[tilespmem:$0x1FA40] =	vst v63  }
0x12e: {  	s17 =	smov.u32 s16;
	p0 =	sne.s32 s16, $0x9B00  }
.Ltmp3:
0x12f: {  	s16 =	sadd.s32 $0x140, s16;
	(pc) =	sbr.rel @p0 .LBB2_8-.Ltmp3, $4  }
0x130: {  	_ = 	snop  }
0x131: {  	_ =	swait.ge [sflag:s22], $0xA00  }
0x132: {  	s17 =	sshra.s32 s17, $0x2;
	[sflag:s22] =	ssyncset.done $0x0  }
0x133: {  	s17 =	sadd.s32 $0x1B530, s17;
	[sflag:s22] =	ssyncadd.s32 $0xFFFFF600  }
0x134: {  	[spmem:s2] =	stream.indirect.scatter.add.bf16 [tilespmem:s25], [sflag:$0x4], $0x20, s17, s24, $0xb8;
	[tilespmem:$0x1FA40] =	vst v63  }
0x135: {  	_ =	swait.ge [sflag:s22], $0xA00  }
0x136: {  	[sflag:s22] =	ssyncset.done $0x0  }
0x137: {  	[sflag:s22] =	ssyncadd.s32 $0xFFFFF600  }
0x138: {  	_ =	swait.ge [sflag:s22], $0xA00  }
0x139: {  	[sflag:s22] =	ssyncset.done $0x0  }
0x13a: {  	[sflag:s22] =	ssyncadd.s32 $0xFFFFF600  }
0x13b: {  	_ =	swait.ge [sflag:s22], $0xA00  }
0x13c: {  	[sflag:s22] =	ssyncset.done $0x0  }
0x13d: {  	[sflag:s22] =	ssyncadd.s32 $0xFFFFF600  }
0x13e: {  	[bflag:$0x0] =	sbarrier.arrive $0xFFFF  }
0x13f: {  	s16 =	rddreg [dreg:$0x10]  }
0x140: {  	[hbm:s16@s21], [sflag:s14] =	dma.strided [spmem:s15@s22], $0xA00, s21, $0x1   }
0x141: {  	_ =	swait.ge [sflag:s19], $0xA00  }
0x142: {  	s13 =	sadd.s32 $0x1, s13;
	s26 =	rddreg [dreg:$0x11]  }
0x143: {  	p0 =	sne.s32 s13, s26  }
.Ltmp4:
0x144: {  	_ = 	snop;
	(pc) =	sbr.rel @p0 .LBB2_1-.Ltmp4, $3  }
0x145: {  	_ =	sdelay $0x1  }
0x146: {  	[sflag:s19] =	ssyncset.done $0x0  }
0x147: {  	[sflag:s19] =	ssyncadd.s32 $0xFFFFF600  }
0x148: {  	_ =	sfence.sel $0x180000  }
0x149: {  	[bflag:$0x0] =	sbarrier.arrive $0xFFFF  }
0x14a: {  	_ =	strace $0x90000047  }
0x14b: {  	s0 =	stileid.u32;
	[bflag:$0x2] =	sbarrier.arrive $0xFFFF  }
0x14c: {  	p0 =	sne.s32 s0, $0x0;
	s0 =	rddreg [dreg:$0x5]  }
0x14d: {  	s0 =	sadd.s32 @!p0 $0x100000, s0  }
0x14e: {  	[sflag:s0] =	ssyncadd.tile.s32 @!p0 $0x1;
	_ =	shalt  }
.Lfunc_end2:
_tile_overlayer_lowered:
.L_overlay_start_2:
0x14f: {  	(tag) =	ssettag $0x2  }
0x150: {  	s0 =	rddreg [dreg:$0x0];
	s2 =	stileid.u32  }
0x151: {  	s1 =	rddreg [dreg:$0x1];
	p0 =	sne.s32 s2, $0x0  }
0x152: {  	s3 =	rddreg [dreg:$0x2];
	[bflag:$0x3] =	sbarrier.arrive $0xFFFF;
	s2 =	simm.s32 @!p0 $0x1C07  }
0x153: {  	[timem:s3], [sflag:s2] =	dma.local @!p0 [hbm:s0], s1  }
0x154: {  	s0 =	simm.s32 @!p0 $0x7  }
0x155: {  	_ =	swait.ge @!p0 [sflag:s0], s1  }
0x156: {  	s1 =	ssub.s32 @!p0 $0x0, s1;
	[sflag:s0] =	ssyncset.done @!p0 $0x0  }
0x157: {  	[sflag:s0] =	ssyncadd.s32 @!p0 s1  }
0x158: {  	[bflag:$0x3] =	sbarrier.arrive $0xFFFF  }
0x159: {  	_ =	shalt  }

// kernel: kernel.9.cloned.1.call-start
scs
__scs_entry_jumppad:
0x0: {  	(pc) =	sbr.rel $0x88, $3  }
0x1: {  	(tag) =	ssettag $0x0;
	lr =	simm.s32 $0x1  }
0x2: {  	[smem:$0x3F98] =	sst lr;
	_ =	strace $0xD0000000  }
0x3: {  	_ = 	snop  }
0x4: {  	_ = 	snop  }
0x5: {  	_ = 	snop  }
0x6: {  	_ = 	snop  }
0x7: {  	_ = 	snop  }
__scs_overlays_trampoline_lowered:
0x8: {  	[smem:$0x3FA7] =	sst s0  }
0x9: {  	[smem:$0x3FA8] =	sst s1  }
0xa: {  	[smem:$0x3FA9] =	sst s2  }
0xb: {  	[smem:$0x3FAA] =	sst s3  }
0xc: {  	[smem:$0x3FAB] =	sst s4  }
0xd: {  	[smem:$0x3FAC] =	sst s5  }
0xe: {  	[smem:$0x3FAD] =	sst s6  }
0xf: {  	[smem:$0x3FAE] =	sst s7  }
0x10: {  	[smem:$0x3FAF] =	sst s8  }
0x11: {  	[smem:$0x3FB0] =	sst s9;
	s0 =	simm.s32 @!p0 $0x0  }
0x12: {  	s1 =	sld [smem:$0x3F96];
	s0 =	simm.s32 @p0 $0x1  }
0x13: {  	[smem:$0x3FB1] =	sst s0;
	s0 =	simm.s32 @!p1 $0x0  }
0x14: {  	s2 =	sld [smem:$0x3F95];
	s0 =	simm.s32 @p1 $0x1  }
0x15: {  	[smem:$0x3FB2] =	sst s0;
	s0 =	simm.s32 @!p2 $0x0  }
0x16: {  	s3 =	sld [smem:$0x3FDB];
	s0 =	simm.s32 @p2 $0x1  }
0x17: {  	s4 =	simm.s32 $0x1BF5;
	[smem:$0x3FB4] =	sst s0  }
0x18: {  	s0 =	sld [smem:$0x3F97];
	_ =	swait.ge [sflag:s4], $0x0  }
0x19: {  	s7 =	sld [smem:$0x3F98]  }
0x1a: {  	s8 =	sadd.s32 $0xFFFFE003, lr  }
0x1b: {  	s9 =	sadd.s32 $0xFFFFFEF7, lr;
	s5 =	simm.s32 $0xFFFFFFFF;
	p2 =	slt.u32 s8, $0xFFFFF086  }
0x1c: {  	p1 =	slt.u32 s9, $0xF7A;
	s5 =	simm.s32 @!p2 $0x0  }
0x1d: {  	s5 =	simm.s32 @p1 $0x1;
	p0 =	seq.s32 s7, s2  }
0x1e: {  	s7 =	smul.u32 @!p0 $0xF7A, s2;
	p2 =	seq.s32 @!p0 s5, $0x0  }
0x1f: {  	s9 =	smul.u32 $0xF7A, s1;
	s8 =	simm.s32 @!p0 $0x1BF5;
	p2 =	por !p2, p0  }
0x20: {  	[sflag:s8] =	ssyncset.s32 @!p0 $0xFFFFF086;
	s6 =	sadd.s32 @!p0 s3, s7;
	s7 =	simm.s32 @!p0 $0x108  }
0x21: {  	s3 =	sadd.s32 s3, s9;
	s6 =	sadd.s32 @!p0 $0x88, s6;
	s7 =	simm.s32 @p2 $0x1082  }
0x22: {  	[simem:s7], [sflag:s8] =	dma.local @!p0 [hbm:s6], $0xF7A  }
0x23: {  	s9 =	sor.u32 $0xD0000000, s2;
	s6 =	simm.s32 $0x108;
	_ =	swait.ge @!p0 [sflag:s8], $0x0  }
0x24: {  	s3 =	sadd.s32 $0x88, s3;
	s6 =	simm.s32 @!p1 $0x1082;
	[sflag:s4] =	ssyncset.s32 $0xFFFFF086  }
0x25: {  	[simem:s6], [sflag:s4] =	dma.local [hbm:s3], $0xF7A  }
0x26: {  	[smem:$0x3F98] =	sst s1;
	(tag) =	ssettag s2;
	_ =	strace s9  }
0x27: {  	s1 =	sld [smem:$0x3FA8]  }
0x28: {  	s2 =	sld [smem:$0x3FA9]  }
0x29: {  	s4 =	sld [smem:$0x3FAB]  }
0x2a: {  	p0 =	seq.s32 s5, $0x0;
	s5 =	sld [smem:$0x3FAC]  }
0x2b: {  	s6 =	sld [smem:$0x3FAD]  }
0x2c: {  	s7 =	sld [smem:$0x3FAE]  }
0x2d: {  	s3 =	simm.s32 $0x108;
	s8 =	sld [smem:$0x3FAF]  }
0x2e: {  	s3 =	simm.s32 @!p0 $0x1082;
	s9 =	sld [smem:$0x3FB0]  }
0x2f: {  	lr =	sadd.s32 s0, s3;
	s0 =	sld [smem:$0x3FA7]  }
0x30: {  	s3 =	sld [smem:$0x3FAA]  }
0x31: {  	[smem:$0x3FB3] =	sst s10  }
0x32: {  	s10 =	sld [smem:$0x3FB1];
	_ =	sdelay $0x3  }
0x33: {  	p0 =	seq.s32 s10, $0x1;
	s10 =	sld [smem:$0x3FB3];
	_ =	sdelay $0x3  }
0x34: {  	[smem:$0x3FB3] =	sst s10  }
0x35: {  	s10 =	sld [smem:$0x3FB2];
	_ =	sdelay $0x3  }
0x36: {  	p1 =	seq.s32 s10, $0x1;
	s10 =	sld [smem:$0x3FB3];
	_ =	sdelay $0x3  }
0x37: {  	[smem:$0x3FB3] =	sst s10  }
0x38: {  	s10 =	sld [smem:$0x3FB4]  }
0x39: {  	_ = 	snop;
	(pc) =	sbr.ind lr, $3  }
0x3a: {  	_ = 	snop  }
0x3b: {  	_ = 	snop  }
0x3c: {  	p2 =	seq.s32 s10, $0x1;
	s10 =	sld [smem:$0x3FB3]  }
0x3d: {  	_ =	shalt  }
0x3e: {  	_ =	shalt  }
0x3f: {  	_ =	shalt  }
0x40: {  	_ =	shalt  }
0x41: {  	_ =	shalt  }
0x42: {  	_ =	shalt  }
0x43: {  	_ =	shalt  }
0x44: {  	_ =	shalt  }
0x45: {  	_ =	shalt  }
0x46: {  	_ =	shalt  }
0x47: {  	_ =	shalt  }
0x48: {  	_ =	shalt  }
0x49: {  	_ =	shalt  }
0x4a: {  	_ =	shalt  }
0x4b: {  	_ =	shalt  }
0x4c: {  	_ =	shalt  }
0x4d: {  	_ =	shalt  }
0x4e: {  	_ =	shalt  }
0x4f: {  	_ =	shalt  }
0x50: {  	_ =	shalt  }
0x51: {  	_ =	shalt  }
0x52: {  	_ =	shalt  }
0x53: {  	_ =	shalt  }
0x54: {  	_ =	shalt  }
0x55: {  	_ =	shalt  }
0x56: {  	_ =	shalt  }
0x57: {  	_ =	shalt  }
0x58: {  	_ =	shalt  }
0x59: {  	_ =	shalt  }
0x5a: {  	_ =	shalt  }
0x5b: {  	_ =	shalt  }
0x5c: {  	_ =	shalt  }
0x5d: {  	_ =	shalt  }
0x5e: {  	_ =	shalt  }
0x5f: {  	_ =	shalt  }
0x60: {  	_ =	shalt  }
0x61: {  	_ =	shalt  }
0x62: {  	_ =	shalt  }
0x63: {  	_ =	shalt  }
0x64: {  	_ =	shalt  }
0x65: {  	_ =	shalt  }
0x66: {  	_ =	shalt  }
0x67: {  	_ =	shalt  }
0x68: {  	_ =	shalt  }
0x69: {  	_ =	shalt  }
0x6a: {  	_ =	shalt  }
0x6b: {  	_ =	shalt  }
0x6c: {  	_ =	shalt  }
0x6d: {  	_ =	shalt  }
0x6e: {  	_ =	shalt  }
0x6f: {  	_ =	shalt  }
0x70: {  	_ =	shalt  }
0x71: {  	_ =	shalt  }
0x72: {  	_ =	shalt  }
0x73: {  	_ =	shalt  }
0x74: {  	_ =	shalt  }
0x75: {  	_ =	shalt  }
0x76: {  	_ =	shalt  }
0x77: {  	_ =	shalt  }
0x78: {  	_ =	shalt  }
0x79: {  	_ =	shalt  }
0x7a: {  	_ =	shalt  }
0x7b: {  	_ =	shalt  }
0x7c: {  	_ =	shalt  }
0x7d: {  	_ =	shalt  }
0x7e: {  	_ =	shalt  }
0x7f: {  	_ =	shalt  }
0x80: {  	_ =	shalt  }
0x81: {  	_ =	shalt  }
0x82: {  	_ =	shalt  }
0x83: {  	_ =	shalt  }
0x84: {  	_ =	shalt  }
0x85: {  	_ =	shalt  }
0x86: {  	_ =	shalt  }
0x87: {  	_ =	shalt  }
.Lfunc_end0:
.L_simem_size_0:
called_computation.1_lowered:
.L_overlay_start_0:
0x88: {  	s2 =	sld [smem:$0x3FD9]  }
0x89: {  	s3 =	sld [smem:$0x3FFE];
	_ =	sdelay $0x1  }
0x8a: {  	s1 =	srdreg.scid  }
0x8b: {  	s0 =	sand.u32 $0x1, s1  }
0x8c: {  	s17 =	sshll.u32 s0, $0xA;
	s2 =	sadd.s32 s3, s2  }
0x8d: {  	s2 =	sadd.s32 s2, s17  }
0x8e: {  	[smem:$0x3FBF] =	sst s2  }
0x8f: {  	_ = 	snop  }
0x90: {  	s2 =	sld [smem:$0x3FC7]  }
0x91: {  	s18 =	sld [smem:$0x3FD0];
	(tm) =	ssettm $0x1  }
0x92: {  	s4 =	sld [smem:$0x3FFB];
	_ =	sdelay $0x3  }
0x93: {  	_ =	strace s4  }
0x94: {  	s4 =	sld [smem:$0x3FFC];
	_ =	sdelay $0x3  }
0x95: {  	_ =	strace s4  }
0x96: {  	s4 =	sld [smem:$0x3FFD];
	_ =	sdelay $0x3  }
0x97: {  	_ =	strace s4  }
0x98: {  	_ =	strace $0x8FFFFFFF  }
0x99: {  	s19 =	sld [smem:$0x3FDB];
	_ =	sdelay $0x1  }
0x9a: {  	s5 =	simm.s32 $_scs_section_size  }
0x9b: {  	s6 =	simm.s32 $_size__tile_overlayer_lowered;
	s7 =	simm.s32 $_tile_overlayer_lowered  }
0x9c: {  	s22 =	simm.s32 $0x1BFF;
	s21 =	sshll.u32 s7, $0x1;
	s4 =	sadd.s32 s5, s19  }
0x9d: {  	s8 =	simm.s32 $0x0;
	s20 =	sshll.u32 s6, $0x1;
	s6 =	sadd.s32 s21, s4  }
0x9e: {  	[timem:s8], [sflag:s22] =	dma.local [hbm:s6], s20  }
0x9f: {  	_ =	swait.ge [sflag:s22], s20  }
0xa0: {  	s5 =	ssub.s32 $0x0, s20;
	[sflag:s22] =	ssyncset.done $0x0  }
0xa1: {  	[sflag:s22] =	ssyncadd.s32 s5;
	_ =	sdelay $0x1  }
0xa2: {  	s23 =	simm.s32 $0x1B8B  }
0xa3: {  	_ =	swait.ge [sflag:s23], $0x1  }
0xa4: {  	[sflag:s23] =	ssyncset.done $0x0  }
0xa5: {  	s25 =	simm.s32 $0x1B8E;
	s24 =	sld [smem:$0x3FFE];
	[sflag:s23] =	ssyncadd.s32 $0xFFFFFFFF  }
0xa6: {  	s26 =	simm.s32 $execute0_lowered;
	[smem:$0x3FD2] =	sst s25  }
0xa7: {  	s6 =	sshll.u32 s26, $0x1;
	_ =	strace $0x80000049;
	[dreg:$0x1] =	wrdreg $0xFFFFFFFF  }
0xa8: {  	s28 =	simm.s32 $_size_execute0_lowered;
	s4 =	sadd.s32 s4, s6;
	[dreg:$0x0] =	wrdreg $0x0  }
0xa9: {  	s6 =	sshll.u32 s28, $0x1;
	[dreg:$0x2] =	wrdreg s4  }
0xaa: {  	[dreg:$0x3] =	wrdreg s6  }
0xab: {  	[dreg:$0x4] =	wrdreg $0xC0  }
0xac: {  	_ =	task [dreg:s8], $0x5FFFF  }
0xad: {  	[dreg:$0x1] =	wrdreg $0xFFFFFFFF  }
0xae: {  	[dreg:$0x0] =	wrdreg $0x60  }
0xaf: {  	[dreg:$0x2] =	wrdreg s18  }
0xb0: {  	[dreg:$0x3] =	wrdreg s24  }
0xb1: {  	[dreg:$0x4] =	wrdreg s2  }
0xb2: {  	[dreg:$0x5] =	wrdreg $0x0  }
0xb3: {  	[dreg:$0x6] =	wrdreg $0x140000  }
0xb4: {  	[dreg:$0x7] =	wrdreg $0x9  }
0xb5: {  	_ =	task.clear_ibuf [dreg:s8], $0x8FFFF;
	_ =	strace $0x90000049  }
0xb6: {  	s29 =	simm.s32 $0x9;
	_ =	strace $0x8000004B  }
0xb7: {  	_ =	swait.ge [sflag:s29], $0x1  }
0xb8: {  	[sflag:s29] =	ssyncadd.s32 $0xFFFFFFFF  }
0xb9: {  	_ =	strace $0x9000004B  }
0xba: {  	_ =	sfence  }
0xbb: {  	s30 =	sld [smem:$0x0];
	_ =	sdelay $0x2  }
0xbc: {  	s31 =	sshll.u32 s1, $0xD;
	s1 =	sshrl.u32 s1, $0x2  }
0xbd: {  	s3 =	sand.u32 $0x4000, s31;
	s1 =	sadd.s32 s1, s30  }
0xbe: {  	s0 =	sor.u32 s3, s0;
	s1 =	sshll.u32 s1, $0x11  }
0xbf: {  	s0 =	sor.u32 s1, s0  }
0xc0: {  	s0 =	sadd.s32 $0x8F2B, s0  }
0xc1: {  	[sflag:s0] =	ssyncadd.remote.s32 $0x1  }
0xc2: {  	_ =	sfence.sel $0xFFFF  }
0xc3: {  	[dreg:$0x0] =	wrdreg $0xFFFFFFFF;
	(pc) =	sbr.abs _section_cstart, $3  }
0xc4: {  	[dreg:$0x1] =	wrdreg $0xFFFFFFFF  }
0xc5: {  	_ =	task.clear_ibuf [dreg:s8], $0x2FFFF;
	_ =	strace $0x9FFFFFFF  }
0xc6: {  	(tm) =	ssettm $0x7FFFFFFF  }
0xc7: {  	_ =	shalt  }
tec
execute0_lowered:
.L_overlay_start_1:
0x0: {  	(tag) =	ssettag $0x1  }
0x1: {  	s0 =	rddreg [dreg:$0x0]  }
0x2: {  	s1 =	rddreg [dreg:$0x1]  }
0x3: {  	s4 =	rddreg [dreg:$0x2]  }
0x4: {  	s2 =	rddreg [dreg:$0x3]  }
0x5: {  	s5 =	srdreg.scid;
	s3 =	rddreg [dreg:$0x4]  }
0x6: {  	s11 =	stileid.u32;
	s9 =	simm.s32 $0x0;
	s14 =	simm.s32 $0x1B530  }
0x7: {  	s28 =	simm.s32 $0x2;
	s29 =	simm.s32 $0x1B580;
	s30 =	simm.s32 $0x18EC0  }
0x8: {  	s31 =	simm.s32 $0x1F040;
	s12 =	simm.s32 $0x0;
	s7 =	smul.u32 $0x50000, s11  }
0x9: {  	s5 =	sand.u32 $0x1, s5;
	[smem:$0x7FF] =	sst s9;
	s18 =	smul.u32 $0x13880, s11  }
0xa: {  	s26 =	sshll.u32 s11, $0x6;
	s6 =	sshll.u32 s5, $0x4;
	s8 =	smul.u32 $0x500000, s5  }
0xb: {  	_ =	strace $0x8000004A;
	s10 =	ssub.s32 $0x2, s5;
	s5 =	sadd.s32 $0x1E00, s1  }
0xc: {  	s6 =	sor.u32 s11, s6;
	s16 =	sshrl.u32 s10, $0x1;
	s20 =	sshrl.u32 s7, $0x2  }
0xd: {  	s21 =	sshrl.u32 s18, $0x2;
	s22 =	sshrl.u32 s18, $0x4;
	s11 =	simm.s32 $0x1DBF0  }
0xe: {  	s6 =	smul.u32 $0x4E2, s6;
	s8 =	sadd.s32 s7, s8;
	s0 =	sadd.s32 s0, s22  }
0xf: {  	s22 =	simm.s32 $0x8;
	s7 =	simm.s32 $0x1DB50;
	s8 =	sshrl.u32 s8, $0x4  }
0x10: {  	[dreg:$0x9] =	wrdreg s0;
	s0 =	sadd.s32 $0x4, s0;
	s15 =	sadd.s32 s6, s1  }
0x11: {  	s1 =	sadd.s32 s8, s1;
	s8 =	ssub.s32 s10, s16;
	s4 =	sadd.s32 s4, s6  }
0x12: {  	s6 =	sadd.s32 s21, s3;
	[dreg:$0xb] =	wrdreg s0;
	s16 =	simm.s32 $0x18E20  }
0x13: {  	s21 =	simm.s32 $0x4;
	s0 =	simm.s32 $0x3;
	s10 =	simm.s32 $0x1DBA0  }
0x14: {  	s17 =	sadd.s32 $0x18000, s15;
	[dreg:$0x7] =	wrdreg s4;
	s19 =	sadd.s32 $0x21E00, s15  }
0x15: {  	s4 =	sadd.s32 s20, s2;
	s23 =	sadd.s32 $0x2BC00, s1;
	[dreg:$0x6] =	wrdreg s17  }
0x16: {  	s24 =	sadd.s32 $0x2BC04, s1;
	s25 =	smax.u32 s8, $0x1;
	[dreg:$0x8] =	wrdreg s19  }
0x17: {  	s15 =	simm.s32 $0x7;
	s20 =	simm.s32 $0x1;
	[dreg:$0xa] =	wrdreg s23  }
0x18: {  	s1 =	simm.s32 $0x5;
	s8 =	simm.s32 $0x1B4E0;
	[dreg:$0xc] =	wrdreg s24  }
0x19: {  	[dreg:$0xd] =	wrdreg s25;
	s17 =	sor.u32 $0x1C07, s26;
	s18 =	sshrl.u32 s4, $0x3  }
0x1a: {  	s19 =	sshrl.u32 s6, $0x3;
	s23 =	simm.s32 $0x50;
	s24 =	simm.s32 $0x1DC40  }
0x1b: {  	s26 =	simm.s32 $0x1E640;
	s4 =	simm.s32 $0x6;
	s6 =	simm.s32 $0x1B490  }
.LBB2_1:
0x1c: {  	s9 =	simm.s32 $0x0;
	s13 =	rddreg [dreg:$0x6]  }
0x1d: {  	[tilespmem:s14], [sflag:$0x7] =	stream.linear.gather [hbm4b:s13+s9], $0x2710, $0x38;
	[tilespmem:$0x1FA40] =	vst v63  }
0x1e: {  	_ =	swait.ge [sflag:s15], $0x2710  }
0x1f: {  	[sflag:s15] =	ssyncset.done $0x0  }
0x20: {  	s25 =	rddreg [dreg:$0x7];
	[sflag:s15] =	ssyncadd.s32 $0xFFFFD8F0  }
0x21: {  	[tilespmem:s16], [sflag:$0x7] =	stream.linear.gather [hbm4b:s25+s9], $0x2710, $0x38;
	[tilespmem:$0x1FA40] =	vst v63  }
0x22: {  	_ =	swait.ge [sflag:s15], $0x2710  }
0x23: {  	[sflag:s15] =	ssyncset.done $0x0  }
0x24: {  	s13 =	simm.s32 $0x0;
	[sflag:s15] =	ssyncadd.s32 $0xFFFFD8F0  }
0x25: {  	v4 =	vld [tilespmem:s13+$0x18E20]  }
0x26: {  	v3 =	vld [tilespmem:s13+$0x18E30]  }
0x27: {  	v2 =	vld [tilespmem:s13+$0x18E40]  }
0x28: {  	v1 =	vld [tilespmem:s13+$0x18E50]  }
0x29: {  	v0 =	vld [tilespmem:s13+$0x18E60]  }
0x2a: {  	v6 =	vld [tilespmem:s13+$0x1B530]  }
0x2b: {  	s25 =	simm.s32 $0x140;
	v5 =	vld [tilespmem:s13+$0x1B540]  }
.LBB2_2:
0x2c: {  	p0 =	sne.s32 s25, $0x9B00;
	v7 =	vld [tilespmem:s13+$0x1B550]  }
0x2d: {  	v8 =	vmul.u32 $0x2800, v4;
	v9 =	vld [tilespmem:s13+$0x1B560]  }
0x2e: {  	s9 =	sshra.s32 s25, $0x2;
	v10 =	vmul.u32 $0x2800, v3;
	v11 =	vld [tilespmem:s13+$0x1B570]  }
0x2f: {  	v4 =	vld [tilespmem:s9+$0x18E20];
	v6 =	vadd.s32 v6, v8;
	v8 =	vmul.u32 $0x2800, v2  }
0x30: {  	v3 =	vld [tilespmem:s9+$0x18E30];
	[tilespmem:s13+$0x1B530] =	vst v6;
	v5 =	vadd.s32 v5, v10;
	v6 =	vmul.u32 $0x2800, v1  }
.Ltmp0:
0x31: {  	v2 =	vld [tilespmem:s9+$0x18E40];
	[tilespmem:s13+$0x1B540] =	vst v5;
	v5 =	vadd.s32 v7, v8;
	v7 =	vmul.u32 $0x2800, v0;
	(pc) =	sbr.rel @p0 .LBB2_2-.Ltmp0, $4  }
0x32: {  	v1 =	vld [tilespmem:s9+$0x18E50];
	[tilespmem:s13+$0x1B550] =	vst v5;
	v5 =	vadd.s32 v9, v6  }
0x33: {  	v0 =	vld [tilespmem:s9+$0x18E60];
	[tilespmem:s13+$0x1B560] =	vst v5;
	v5 =	vadd.s32 v11, v7  }
0x34: {  	v6 =	vld [tilespmem:s9+$0x1B530];
	[tilespmem:s13+$0x1B570] =	vst v5;
	s13 =	smov.u32 s9  }
0x35: {  	s25 =	sadd.s32 $0x140, s25;
	v5 =	vld [tilespmem:s13+$0x1B540]  }
0x36: {  	v7 =	vld [tilespmem:s13+$0x1B550]  }
0x37: {  	v4 =	vmul.u32 $0x2800, v4;
	v8 =	vld [tilespmem:s13+$0x1B560]  }
0x38: {  	v3 =	vmul.u32 $0x2800, v3;
	v9 =	vld [tilespmem:s13+$0x1B570]  }
0x39: {  	v2 =	vmul.u32 $0x2800, v2;
	v4 =	vadd.s32 v6, v4  }
0x3a: {  	v1 =	vmul.u32 $0x2800, v1;
	[tilespmem:s13+$0x1B530] =	vst v4;
	v3 =	vadd.s32 v5, v3  }
0x3b: {  	v0 =	vmul.u32 $0x2800, v0;
	[tilespmem:s13+$0x1B540] =	vst v3;
	v2 =	vadd.s32 v7, v2  }
0x3c: {  	v1 =	vadd.s32 v8, v1;
	[tilespmem:s13+$0x1B550] =	vst v2  }
0x3d: {  	v0 =	vadd.s32 v9, v0;
	[tilespmem:s13+$0x1B560] =	vst v1  }
0x3e: {  	s9 =	simm.s32 $0x0;
	s25 =	rddreg [dreg:$0x8];
	[tilespmem:s13+$0x1B570] =	vst v0  }
0x3f: {  	[tilespmem:s16], [sflag:$0x7] =	stream.linear.gather [hbm4b:s25+s9], $0x2710, $0x38;
	[tilespmem:$0x1FA40] =	vst v63  }
0x40: {  	_ =	swait.ge [sflag:s15], $0x2710  }
0x41: {  	[sflag:s15] =	ssyncset.done $0x0  }
0x42: {  	[sflag:s15] =	ssyncadd.s32 $0xFFFFD8F0  }
0x43: {  	[spmem:s18], [sflag:s17] =	dma.local [hbm:s5], $0x2800  }
0x44: {  	_ =	swait.ge [sflag:s15], $0x2800  }
0x45: {  	[sflag:s15] =	ssyncset.done $0x0  }
0x46: {  	s25 =	rddreg [dreg:$0x9];
	[sflag:s15] =	ssyncadd.s32 $0xFFFFD800  }
0x47: {  	[spmem:s19@s21], [sflag:s17] =	dma.strided [hbm:s25@s22], $0x9C4, s20, $0x4   }
0x48: {  	_ =	swait.ge [sflag:s15], $0x9C4  }
0x49: {  	[sflag:s15] =	ssyncset.done $0x0  }
0x4a: {  	[sflag:s15] =	ssyncadd.s32 $0xFFFFF63C  }
0x4b: {  	[bflag:$0x0] =	sbarrier.arrive $0xFFFF  }
0x4c: {  	[tilespmem:s24], [sflag:$0x1] =	stream.indirect.gather [spmem:s3], $0x20, s16, s23, $0xb8;
	[tilespmem:$0x1FA40] =	vst v63  }
0x4d: {  	_ =	swait.ge [sflag:s20], $0xA00  }
0x4e: {  	[sflag:s20] =	ssyncset.done $0x0  }
0x4f: {  	[sflag:s20] =	ssyncadd.s32 $0xFFFFF600  }
0x50: {  	[spmem:s2] =	stream.indirect.scatter.add.bf16 [tilespmem:s24], [sflag:$0x4], $0x20, s14, s23, $0xb8;
	[tilespmem:$0x1FA40] =	vst v63  }
0x51: {  	s13 =	simm.s32 $0x18E70  }
0x52: {  	[tilespmem:s26], [sflag:$0x2] =	stream.indirect.gather [spmem:s3], $0x20, s13, s23, $0xb8;
	[tilespmem:$0x1FA40] =	vst v63  }
0x53: {  	_ =	swait.ge [sflag:s28], $0xA00  }
0x54: {  	[sflag:s28] =	ssyncset.done $0x0  }
0x55: {  	[sflag:s28] =	ssyncadd.s32 $0xFFFFF600  }
0x56: {  	[spmem:s2] =	stream.indirect.scatter.add.bf16 [tilespmem:s26], [sflag:$0x5], $0x20, s29, s23, $0xb8;
	[tilespmem:$0x1FA40] =	vst v63  }
0x57: {  	_ = 	snop  }
0x58: {  	[tilespmem:s31], [sflag:$0x3] =	stream.indirect.gather [spmem:s3], $0x20, s30, s23, $0xb8;
	[tilespmem:$0x1FA40] =	vst v63  }
0x59: {  	_ =	swait.ge [sflag:s0], $0xA00  }
0x5a: {  	[sflag:s0] =	ssyncset.done $0x0  }
0x5b: {  	s25 =	simm.s32 $0x1B5D0;
	[sflag:s0] =	ssyncadd.s32 $0xFFFFF600  }
0x5c: {  	[spmem:s2] =	stream.indirect.scatter.add.bf16 [tilespmem:s31], [sflag:$0x6], $0x20, s25, s23, $0xb8;
	[tilespmem:$0x1FA40] =	vst v63  }
0x5d: {  	_ =	swait.ge [sflag:s21], $0xA00  }
0x5e: {  	[sflag:s21] =	ssyncset.done $0x0  }
0x5f: {  	s13 =	simm.s32 $0x18F10;
	[sflag:s21] =	ssyncadd.s32 $0xFFFFF600  }
0x60: {  	[tilespmem:s24], [sflag:$0x1] =	stream.indirect.gather [spmem:s3], $0x20, s13, s23, $0xb8;
	[tilespmem:$0x1FA40] =	vst v63  }
0x61: {  	_ =	swait.ge [sflag:s20], $0xA00  }
0x62: {  	[sflag:s20] =	ssyncset.done $0x0  }
0x63: {  	s25 =	simm.s32 $0x1B620;
	[sflag:s20] =	ssyncadd.s32 $0xFFFFF600  }
0x64: {  	[spmem:s2] =	stream.indirect.scatter.add.bf16 [tilespmem:s24], [sflag:$0x4], $0x20, s25, s23, $0xb8;
	[tilespmem:$0x1FA40] =	vst v63  }
0x65: {  	_ =	swait.ge [sflag:s1], $0xA00  }
0x66: {  	[sflag:s1] =	ssyncset.done $0x0  }
0x67: {  	s13 =	simm.s32 $0x18F60;
	[sflag:s1] =	ssyncadd.s32 $0xFFFFF600  }
0x68: {  	[tilespmem:s26], [sflag:$0x2] =	stream.indirect.gather [spmem:s3], $0x20, s13, s23, $0xb8;
	[tilespmem:$0x1FA40] =	vst v63  }
0x69: {  	_ =	swait.ge [sflag:s28], $0xA00  }
0x6a: {  	[sflag:s28] =	ssyncset.done $0x0  }
0x6b: {  	s25 =	simm.s32 $0x1B670;
	[sflag:s28] =	ssyncadd.s32 $0xFFFFF600  }
0x6c: {  	[spmem:s2] =	stream.indirect.scatter.add.bf16 [tilespmem:s26], [sflag:$0x5], $0x20, s25, s23, $0xb8;
	[tilespmem:$0x1FA40] =	vst v63  }
0x6d: {  	_ =	swait.ge [sflag:s4], $0xA00  }
0x6e: {  	[sflag:s4] =	ssyncset.done $0x0  }
0x6f: {  	s13 =	simm.s32 $0x3C0;
	s25 =	simm.s32 $0x18FB0;
	[sflag:s4] =	ssyncadd.s32 $0xFFFFF600  }
.LBB2_4:
0x70: {  	[tilespmem:s31], [sflag:$0x3] =	stream.indirect.gather [spmem:s3], $0x20, s25, s23, $0xb8;
	[tilespmem:$0x1FA40] =	vst v63  }
0x71: {  	s9 =	smov.u32 s13  }
0x72: {  	p0 =	sne.s32 s13, $0x9240;
	s13 =	sadd.s32 $0x3C0, s13;
	_ =	swait.ge [sflag:s0], $0xA00  }
0x73: {  	s9 =	sshra.s32 s9, $0x2;
	[sflag:s0] =	ssyncset.done $0x0  }
0x74: {  	s25 =	sadd.s32 $0x1B5D0, s9;
	[sflag:s0] =	ssyncadd.s32 $0xFFFFF600  }
0x75: {  	[spmem:s2] =	stream.indirect.scatter.add.bf16 [tilespmem:s31], [sflag:$0x6], $0x20, s25, s23, $0xb8;
	[tilespmem:$0x1FA40] =	vst v63  }
0x76: {  	_ =	swait.ge [sflag:s21], $0xA00  }
0x77: {  	[sflag:s21] =	ssyncset.done $0x0  }
0x78: {  	s25 =	sadd.s32 $0x18F10, s9;
	[sflag:s21] =	ssyncadd.s32 $0xFFFFF600  }
0x79: {  	[tilespmem:s24], [sflag:$0x1] =	stream.indirect.gather [spmem:s3], $0x20, s25, s23, $0xb8;
	[tilespmem:$0x1FA40] =	vst v63  }
0x7a: {  	_ =	swait.ge [sflag:s20], $0xA00  }
0x7b: {  	[sflag:s20] =	ssyncset.done $0x0  }
0x7c: {  	s25 =	sadd.s32 $0x1B620, s9;
	[sflag:s20] =	ssyncadd.s32 $0xFFFFF600  }
0x7d: {  	[spmem:s2] =	stream.indirect.scatter.add.bf16 [tilespmem:s24], [sflag:$0x4], $0x20, s25, s23, $0xb8;
	[tilespmem:$0x1FA40] =	vst v63  }
0x7e: {  	_ =	swait.ge [sflag:s1], $0xA00  }
0x7f: {  	[sflag:s1] =	ssyncset.done $0x0  }
0x80: {  	s25 =	sadd.s32 $0x18F60, s9;
	[sflag:s1] =	ssyncadd.s32 $0xFFFFF600  }
0x81: {  	[tilespmem:s26], [sflag:$0x2] =	stream.indirect.gather [spmem:s3], $0x20, s25, s23, $0xb8;
	[tilespmem:$0x1FA40] =	vst v63  }
0x82: {  	_ =	swait.ge [sflag:s28], $0xA00  }
0x83: {  	[sflag:s28] =	ssyncset.done $0x0  }
.Ltmp1:
0x84: {  	s25 =	sadd.s32 $0x1B670, s9;
	[sflag:s28] =	ssyncadd.s32 $0xFFFFF600;
	(pc) =	sbr.rel @p0 .LBB2_4-.Ltmp1, $4  }
0x85: {  	[spmem:s2] =	stream.indirect.scatter.add.bf16 [tilespmem:s26], [sflag:$0x5], $0x20, s25, s23, $0xb8;
	[tilespmem:$0x1FA40] =	vst v63  }
0x86: {  	_ =	swait.ge [sflag:s4], $0xA00  }
0x87: {  	[sflag:s4] =	ssyncset.done $0x0  }
0x88: {  	s25 =	sadd.s32 $0x18FB0, s9;
	[sflag:s4] =	ssyncadd.s32 $0xFFFFF600  }
0x89: {  	[tilespmem:s31], [sflag:$0x3] =	stream.indirect.gather [spmem:s3], $0x20, s25, s23, $0xb8;
	[tilespmem:$0x1FA40] =	vst v63  }
0x8a: {  	_ =	swait.ge [sflag:s0], $0xA00  }
0x8b: {  	[sflag:s0] =	ssyncset.done $0x0  }
0x8c: {  	[sflag:s0] =	ssyncadd.s32 $0xFFFFF600  }
0x8d: {  	_ =	swait.ge [sflag:s21], $0xA00  }
0x8e: {  	[sflag:s21] =	ssyncset.done $0x0  }
0x8f: {  	[sflag:s21] =	ssyncadd.s32 $0xFFFFF600  }
0x90: {  	[tilespmem:s24], [sflag:$0x1] =	stream.indirect.gather [spmem:s3], $0x20, s6, s23, $0xb8;
	[tilespmem:$0x1FA40] =	vst v63  }
0x91: {  	_ = 	snop  }
0x92: {  	[spmem:s2] =	stream.indirect.scatter.add.bf16 [tilespmem:s31], [sflag:$0x6], $0x20, s7, s23, $0xb8;
	[tilespmem:$0x1FA40] =	vst v63  }
0x93: {  	_ =	swait.ge [sflag:s20], $0xA00  }
0x94: {  	[sflag:s20] =	ssyncset.done $0x0  }
0x95: {  	[sflag:s20] =	ssyncadd.s32 $0xFFFFF600  }
0x96: {  	_ =	swait.ge [sflag:s1], $0xA00  }
0x97: {  	[sflag:s1] =	ssyncset.done $0x0  }
0x98: {  	[sflag:s1] =	ssyncadd.s32 $0xFFFFF600  }
0x99: {  	[tilespmem:s26], [sflag:$0x2] =	stream.indirect.gather [spmem:s3], $0x20, s8, s23, $0xb8;
	[tilespmem:$0x1FA40] =	vst v63  }
0x9a: {  	_ = 	snop  }
0x9b: {  	[spmem:s2] =	stream.indirect.scatter.add.bf16 [tilespmem:s24], [sflag:$0x4], $0x20, s10, s23, $0xb8;
	[tilespmem:$0x1FA40] =	vst v63  }
0x9c: {  	_ =	swait.ge [sflag:s28], $0xA00  }
0x9d: {  	[sflag:s28] =	ssyncset.done $0x0  }
0x9e: {  	[sflag:s28] =	ssyncadd.s32 $0xFFFFF600  }
0x9f: {  	[spmem:s2] =	stream.indirect.scatter.add.bf16 [tilespmem:s26], [sflag:$0x5], $0x20, s11, s23, $0xb8;
	[tilespmem:$0x1FA40] =	vst v63  }
0xa0: {  	_ =	swait.ge [sflag:s21], $0xA00  }
0xa1: {  	[sflag:s21] =	ssyncset.done $0x0  }
0xa2: {  	[sflag:s21] =	ssyncadd.s32 $0xFFFFF600  }
0xa3: {  	_ =	swait.ge [sflag:s1], $0xA00  }
0xa4: {  	[sflag:s1] =	ssyncset.done $0x0  }
0xa5: {  	[sflag:s1] =	ssyncadd.s32 $0xFFFFF600  }
0xa6: {  	_ =	swait.ge [sflag:s4], $0xA00  }
0xa7: {  	[sflag:s4] =	ssyncset.done $0x0  }
0xa8: {  	[sflag:s4] =	ssyncadd.s32 $0xFFFFF600  }
0xa9: {  	[bflag:$0x0] =	sbarrier.arrive $0xFFFF  }
0xaa: {  	s9 =	rddreg [dreg:$0xa]  }
0xab: {  	[hbm:s9@s22], [sflag:s17] =	dma.strided [spmem:s18@s21], $0x2800, s20, $0x4   }
0xac: {  	_ =	swait.ge [sflag:s15], $0x2800  }
0xad: {  	[sflag:s15] =	ssyncset.done $0x0  }
0xae: {  	[sflag:s15] =	ssyncadd.s32 $0xFFFFD800  }
0xaf: {  	[spmem:s18], [sflag:s17] =	dma.local [hbm:s5], $0x2800  }
0xb0: {  	_ =	swait.ge [sflag:s15], $0x2800  }
0xb1: {  	[sflag:s15] =	ssyncset.done $0x0  }
0xb2: {  	s25 =	rddreg [dreg:$0xb];
	[sflag:s15] =	ssyncadd.s32 $0xFFFFD800  }
0xb3: {  	[spmem:s19@s21], [sflag:s17] =	dma.strided [hbm:s25@s22], $0x9C4, s20, $0x4   }
0xb4: {  	_ =	swait.ge [sflag:s15], $0x9C4  }
0xb5: {  	[sflag:s15] =	ssyncset.done $0x0  }
0xb6: {  	[sflag:s15] =	ssyncadd.s32 $0xFFFFF63C  }
0xb7: {  	[bflag:$0x0] =	sbarrier.arrive $0xFFFF  }
0xb8: {  	[tilespmem:s24], [sflag:$0x1] =	stream.indirect.gather [spmem:s3], $0x20, s16, s23, $0xb8;
	[tilespmem:$0x1FA40] =	vst v63  }
0xb9: {  	_ =	swait.ge [sflag:s20], $0xA00  }
0xba: {  	[sflag:s20] =	ssyncset.done $0x0  }
0xbb: {  	[sflag:s20] =	ssyncadd.s32 $0xFFFFF600  }
0xbc: {  	[spmem:s2] =	stream.indirect.scatter.add.bf16 [tilespmem:s24], [sflag:$0x4], $0x20, s14, s23, $0xb8;
	[tilespmem:$0x1FA40] =	vst v63  }
0xbd: {  	s13 =	simm.s32 $0x18E70  }
0xbe: {  	[tilespmem:s26], [sflag:$0x2] =	stream.indirect.gather [spmem:s3], $0x20, s13, s23, $0xb8;
	[tilespmem:$0x1FA40] =	vst v63  }
0xbf: {  	_ =	swait.ge [sflag:s28], $0xA00  }
0xc0: {  	[sflag:s28] =	ssyncset.done $0x0  }
0xc1: {  	[sflag:s28] =	ssyncadd.s32 $0xFFFFF600  }
0xc2: {  	[spmem:s2] =	stream.indirect.scatter.add.bf16 [tilespmem:s26], [sflag:$0x5], $0x20, s29, s23, $0xb8;
	[tilespmem:$0x1FA40] =	vst v63  }
0xc3: {  	_ = 	snop  }
0xc4: {  	[tilespmem:s31], [sflag:$0x3] =	stream.indirect.gather [spmem:s3], $0x20, s30, s23, $0xb8;
	[tilespmem:$0x1FA40] =	vst v63  }
0xc5: {  	_ =	swait.ge [sflag:s0], $0xA00  }
0xc6: {  	[sflag:s0] =	ssyncset.done $0x0  }
0xc7: {  	s25 =	simm.s32 $0x1B5D0;
	[sflag:s0] =	ssyncadd.s32 $0xFFFFF600  }
0xc8: {  	[spmem:s2] =	stream.indirect.scatter.add.bf16 [tilespmem:s31], [sflag:$0x6], $0x20, s25, s23, $0xb8;
	[tilespmem:$0x1FA40] =	vst v63  }
0xc9: {  	_ =	swait.ge [sflag:s21], $0xA00  }
0xca: {  	[sflag:s21] =	ssyncset.done $0x0  }
0xcb: {  	s13 =	simm.s32 $0x18F10;
	[sflag:s21] =	ssyncadd.s32 $0xFFFFF600  }
0xcc: {  	[tilespmem:s24], [sflag:$0x1] =	stream.indirect.gather [spmem:s3], $0x20, s13, s23, $0xb8;
	[tilespmem:$0x1FA40] =	vst v63  }
0xcd: {  	_ =	swait.ge [sflag:s20], $0xA00  }
0xce: {  	[sflag:s20] =	ssyncset.done $0x0  }
0xcf: {  	s25 =	simm.s32 $0x1B620;
	[sflag:s20] =	ssyncadd.s32 $0xFFFFF600  }
0xd0: {  	[spmem:s2] =	stream.indirect.scatter.add.bf16 [tilespmem:s24], [sflag:$0x4], $0x20, s25, s23, $0xb8;
	[tilespmem:$0x1FA40] =	vst v63  }
0xd1: {  	_ =	swait.ge [sflag:s1], $0xA00  }
0xd2: {  	[sflag:s1] =	ssyncset.done $0x0  }
0xd3: {  	s13 =	simm.s32 $0x18F60;
	[sflag:s1] =	ssyncadd.s32 $0xFFFFF600  }
0xd4: {  	[tilespmem:s26], [sflag:$0x2] =	stream.indirect.gather [spmem:s3], $0x20, s13, s23, $0xb8;
	[tilespmem:$0x1FA40] =	vst v63  }
0xd5: {  	_ =	swait.ge [sflag:s28], $0xA00  }
0xd6: {  	[sflag:s28] =	ssyncset.done $0x0  }
0xd7: {  	s25 =	simm.s32 $0x1B670;
	[sflag:s28] =	ssyncadd.s32 $0xFFFFF600  }
0xd8: {  	[spmem:s2] =	stream.indirect.scatter.add.bf16 [tilespmem:s26], [sflag:$0x5], $0x20, s25, s23, $0xb8;
	[tilespmem:$0x1FA40] =	vst v63  }
0xd9: {  	_ =	swait.ge [sflag:s4], $0xA00  }
0xda: {  	[sflag:s4] =	ssyncset.done $0x0  }
0xdb: {  	s13 =	simm.s32 $0x3C0;
	s25 =	simm.s32 $0x18FB0;
	[sflag:s4] =	ssyncadd.s32 $0xFFFFF600  }
.LBB2_6:
0xdc: {  	[tilespmem:s31], [sflag:$0x3] =	stream.indirect.gather [spmem:s3], $0x20, s25, s23, $0xb8;
	[tilespmem:$0x1FA40] =	vst v63  }
0xdd: {  	s9 =	smov.u32 s13  }
0xde: {  	p0 =	sne.s32 s13, $0x9240;
	s13 =	sadd.s32 $0x3C0, s13;
	_ =	swait.ge [sflag:s0], $0xA00  }
0xdf: {  	s9 =	sshra.s32 s9, $0x2;
	[sflag:s0] =	ssyncset.done $0x0  }
0xe0: {  	s25 =	sadd.s32 $0x1B5D0, s9;
	[sflag:s0] =	ssyncadd.s32 $0xFFFFF600  }
0xe1: {  	[spmem:s2] =	stream.indirect.scatter.add.bf16 [tilespmem:s31], [sflag:$0x6], $0x20, s25, s23, $0xb8;
	[tilespmem:$0x1FA40] =	vst v63  }
0xe2: {  	_ =	swait.ge [sflag:s21], $0xA00  }
0xe3: {  	[sflag:s21] =	ssyncset.done $0x0  }
0xe4: {  	s25 =	sadd.s32 $0x18F10, s9;
	[sflag:s21] =	ssyncadd.s32 $0xFFFFF600  }
0xe5: {  	[tilespmem:s24], [sflag:$0x1] =	stream.indirect.gather [spmem:s3], $0x20, s25, s23, $0xb8;
	[tilespmem:$0x1FA40] =	vst v63  }
0xe6: {  	_ =	swait.ge [sflag:s20], $0xA00  }
0xe7: {  	[sflag:s20] =	ssyncset.done $0x0  }
0xe8: {  	s25 =	sadd.s32 $0x1B620, s9;
	[sflag:s20] =	ssyncadd.s32 $0xFFFFF600  }
0xe9: {  	[spmem:s2] =	stream.indirect.scatter.add.bf16 [tilespmem:s24], [sflag:$0x4], $0x20, s25, s23, $0xb8;
	[tilespmem:$0x1FA40] =	vst v63  }
0xea: {  	_ =	swait.ge [sflag:s1], $0xA00  }
0xeb: {  	[sflag:s1] =	ssyncset.done $0x0  }
0xec: {  	s25 =	sadd.s32 $0x18F60, s9;
	[sflag:s1] =	ssyncadd.s32 $0xFFFFF600  }
0xed: {  	[tilespmem:s26], [sflag:$0x2] =	stream.indirect.gather [spmem:s3], $0x20, s25, s23, $0xb8;
	[tilespmem:$0x1FA40] =	vst v63  }
0xee: {  	_ =	swait.ge [sflag:s28], $0xA00  }
0xef: {  	[sflag:s28] =	ssyncset.done $0x0  }
.Ltmp2:
0xf0: {  	s25 =	sadd.s32 $0x1B670, s9;
	[sflag:s28] =	ssyncadd.s32 $0xFFFFF600;
	(pc) =	sbr.rel @p0 .LBB2_6-.Ltmp2, $4  }
0xf1: {  	[spmem:s2] =	stream.indirect.scatter.add.bf16 [tilespmem:s26], [sflag:$0x5], $0x20, s25, s23, $0xb8;
	[tilespmem:$0x1FA40] =	vst v63  }
0xf2: {  	_ =	swait.ge [sflag:s4], $0xA00  }
0xf3: {  	[sflag:s4] =	ssyncset.done $0x0  }
0xf4: {  	s25 =	sadd.s32 $0x18FB0, s9;
	[sflag:s4] =	ssyncadd.s32 $0xFFFFF600  }
0xf5: {  	[tilespmem:s31], [sflag:$0x3] =	stream.indirect.gather [spmem:s3], $0x20, s25, s23, $0xb8;
	[tilespmem:$0x1FA40] =	vst v63  }
0xf6: {  	_ =	swait.ge [sflag:s0], $0xA00  }
0xf7: {  	[sflag:s0] =	ssyncset.done $0x0  }
0xf8: {  	[sflag:s0] =	ssyncadd.s32 $0xFFFFF600  }
0xf9: {  	_ =	swait.ge [sflag:s21], $0xA00  }
0xfa: {  	[sflag:s21] =	ssyncset.done $0x0  }
0xfb: {  	[sflag:s21] =	ssyncadd.s32 $0xFFFFF600  }
0xfc: {  	[tilespmem:s24], [sflag:$0x1] =	stream.indirect.gather [spmem:s3], $0x20, s6, s23, $0xb8;
	[tilespmem:$0x1FA40] =	vst v63  }
0xfd: {  	_ = 	snop  }
0xfe: {  	[spmem:s2] =	stream.indirect.scatter.add.bf16 [tilespmem:s31], [sflag:$0x6], $0x20, s7, s23, $0xb8;
	[tilespmem:$0x1FA40] =	vst v63  }
0xff: {  	_ =	swait.ge [sflag:s20], $0xA00  }
0x100: {  	[sflag:s20] =	ssyncset.done $0x0  }
0x101: {  	[sflag:s20] =	ssyncadd.s32 $0xFFFFF600  }
0x102: {  	_ =	swait.ge [sflag:s1], $0xA00  }
0x103: {  	[sflag:s1] =	ssyncset.done $0x0  }
0x104: {  	[sflag:s1] =	ssyncadd.s32 $0xFFFFF600  }
0x105: {  	[tilespmem:s26], [sflag:$0x2] =	stream.indirect.gather [spmem:s3], $0x20, s8, s23, $0xb8;
	[tilespmem:$0x1FA40] =	vst v63  }
0x106: {  	_ = 	snop  }
0x107: {  	[spmem:s2] =	stream.indirect.scatter.add.bf16 [tilespmem:s24], [sflag:$0x4], $0x20, s10, s23, $0xb8;
	[tilespmem:$0x1FA40] =	vst v63  }
0x108: {  	_ =	swait.ge [sflag:s28], $0xA00  }
0x109: {  	[sflag:s28] =	ssyncset.done $0x0  }
0x10a: {  	[sflag:s28] =	ssyncadd.s32 $0xFFFFF600  }
0x10b: {  	[spmem:s2] =	stream.indirect.scatter.add.bf16 [tilespmem:s26], [sflag:$0x5], $0x20, s11, s23, $0xb8;
	[tilespmem:$0x1FA40] =	vst v63  }
0x10c: {  	_ =	swait.ge [sflag:s21], $0xA00  }
0x10d: {  	[sflag:s21] =	ssyncset.done $0x0  }
0x10e: {  	[sflag:s21] =	ssyncadd.s32 $0xFFFFF600  }
0x10f: {  	_ =	swait.ge [sflag:s1], $0xA00  }
0x110: {  	[sflag:s1] =	ssyncset.done $0x0  }
0x111: {  	[sflag:s1] =	ssyncadd.s32 $0xFFFFF600  }
0x112: {  	_ =	swait.ge [sflag:s4], $0xA00  }
0x113: {  	[sflag:s4] =	ssyncset.done $0x0  }
0x114: {  	[sflag:s4] =	ssyncadd.s32 $0xFFFFF600  }
0x115: {  	[bflag:$0x0] =	sbarrier.arrive $0xFFFF  }
0x116: {  	s9 =	rddreg [dreg:$0xc]  }
0x117: {  	[hbm:s9@s22], [sflag:s17] =	dma.strided [spmem:s18@s21], $0x2800, s20, $0x4   }
0x118: {  	_ =	swait.ge [sflag:s15], $0x2800  }
0x119: {  	s12 =	sadd.s32 $0x1, s12;
	s25 =	rddreg [dreg:$0xd]  }
0x11a: {  	p0 =	sne.s32 s12, s25  }
.Ltmp3:
0x11b: {  	_ = 	snop;
	(pc) =	sbr.rel @p0 .LBB2_1-.Ltmp3, $3  }
0x11c: {  	_ =	sdelay $0x1  }
0x11d: {  	[sflag:s15] =	ssyncset.done $0x0  }
0x11e: {  	[sflag:s15] =	ssyncadd.s32 $0xFFFFD800  }
0x11f: {  	_ =	sfence.sel $0x180000  }
0x120: {  	[bflag:$0x0] =	sbarrier.arrive $0xFFFF  }
0x121: {  	_ =	strace $0x9000004A  }
0x122: {  	s0 =	stileid.u32;
	[bflag:$0x2] =	sbarrier.arrive $0xFFFF  }
0x123: {  	p0 =	sne.s32 s0, $0x0;
	s0 =	rddreg [dreg:$0x5]  }
0x124: {  	s0 =	sadd.s32 @!p0 $0x100000, s0  }
0x125: {  	[sflag:s0] =	ssyncadd.tile.s32 @!p0 $0x1;
	_ =	shalt  }
.Lfunc_end2:
_tile_overlayer_lowered:
.L_overlay_start_2:
0x126: {  	(tag) =	ssettag $0x2  }
0x127: {  	s0 =	rddreg [dreg:$0x0];
	s2 =	stileid.u32  }
0x128: {  	s1 =	rddreg [dreg:$0x1];
	p0 =	sne.s32 s2, $0x0  }
0x129: {  	s3 =	rddreg [dreg:$0x2];
	[bflag:$0x3] =	sbarrier.arrive $0xFFFF;
	s2 =	simm.s32 @!p0 $0x1C07  }
0x12a: {  	[timem:s3], [sflag:s2] =	dma.local @!p0 [hbm:s0], s1  }
0x12b: {  	s0 =	simm.s32 @!p0 $0x7  }
0x12c: {  	_ =	swait.ge @!p0 [sflag:s0], s1  }
0x12d: {  	s1 =	ssub.s32 @!p0 $0x0, s1;
	[sflag:s0] =	ssyncset.done @!p0 $0x0  }
0x12e: {  	[sflag:s0] =	ssyncadd.s32 @!p0 s1  }
0x12f: {  	[bflag:$0x3] =	sbarrier.arrive $0xFFFF  }
0x130: {  	_ =	shalt  }

</sc_bundles>
